<compile_context>
chip_gen: v7x
topology: tpu7x:2x2x1
jax: 0.10.2.dev20260603
libtpu: 0.0.44.dev20260713+nightly
codegen_flags: <defaults>
</compile_context>

<pallas_src>
import functools

import jax
import jax.numpy as jnp
import numpy as np
from jax import lax
from jax.experimental import pallas as pl
from jax.experimental.pallas import tpu as pltpu
from jax.experimental.pallas import tpu_sc as plsc

_FIELD_DIMS = [100000] * 26
F = 26
K = 16
B = 16384
D_IN = F * K
N = B * F
NW = 32
NPW = N // NW
CH = 1664
NCH = NPW // CH
V = 2600000

DW = 1024
RPC = DW * K // 128
VMAIN = (V // 128) * 128
NFULL = VMAIN // DW
TPW = (NFULL + NW - 1) // NW

_OFFSETS = np.concatenate([[0], np.cumsum(_FIELD_DIMS[:-1])]).astype(np.int32)

_mesh = plsc.VectorSubcoreMesh(core_axis_name="c", subcore_axis_name="s")


@functools.partial(
    pl.kernel,
    out_type=jax.ShapeDtypeStruct((V * K,), jnp.float32),
    mesh=_mesh,
    scratch_types=[
        pltpu.VMEM((2, 2, 8, DW), jnp.float32),
        pltpu.VMEM((DW * K,), jnp.float32),
        pltpu.VMEM((DW * K,), jnp.float32),
        pltpu.SemaphoreType.DMA,
        pltpu.SemaphoreType.DMA,
        pltpu.SemaphoreType.DMA,
        pltpu.SemaphoreType.DMA,
    ],
    compiler_params=pltpu.CompilerParams(needs_layout_passes=False),
)
def _sc_detile(embt_hbm, tail_hbm, tab_out, kbuf, rbuf0, rbuf1,
               sem_r0, sem_r1, sem_w0, sem_w1):
    wid = lax.axis_index("s") * 2 + lax.axis_index("c")
    lane = lax.broadcasted_iota(jnp.int32, (K,), 0)
    nt = jnp.minimum(TPW, jnp.maximum(0, NFULL - wid * TPW))
    wsems = (sem_w0, sem_w1)
    rbufs = (rbuf0, rbuf1)
    CSZ = DW * K
    base16 = lane * K

    def start_reads(t, p):
        c = wid * TPW + t
        j0 = c * DW
        for h in range(2):
            pltpu.async_copy(embt_hbm.at[pl.ds(h * 8, 8), pl.ds(j0, DW)],
                             kbuf.at[p, h], sem_r0)

    def wait_reads(p):
        for h in range(2):
            pltpu.make_async_copy(embt_hbm.at[pl.ds(h * 8, 8), pl.ds(0, DW)],
                                  kbuf.at[p, h], sem_r0).wait()

    def transpose(b):
        rb = rbufs[b]

        def body(m, _):
            n0 = m * K
            f0 = m * K * K
            for k in range(K):
                v = kbuf[b, k >> 3, k & 7, pl.ds(n0, K)]
                plsc.store_scatter(rb, [base16 + (f0 + k)], v)
            return 0

        lax.fori_loop(0, DW // K, body, 0, unroll=2)

    def step(g, _):
        for b in (0, 1):
            t = 2 * g + b

            @pl.when(t < nt)
            def _(t=t, b=b):
                wait_reads(b)

                @pl.when(t + 1 < nt)
                def _():
                    start_reads(t + 1, 1 - b)

                @pl.when(t >= 2)
                def _():
                    pltpu.make_async_copy(rbufs[b], tab_out.at[pl.ds(0, CSZ)],
                                          wsems[b]).wait()

                transpose(b)
                c = wid * TPW + t
                pltpu.async_copy(rbufs[b], tab_out.at[pl.ds(c * CSZ, CSZ)],
                                 wsems[b])
        return 0

    start_reads(0, 0)
    lax.fori_loop(0, TPW // 2, step, 0)
    pltpu.make_async_copy(rbuf0, tab_out.at[pl.ds(0, CSZ)], sem_w0).wait()
    pltpu.make_async_copy(rbuf1, tab_out.at[pl.ds(0, CSZ)], sem_w1).wait()

    @pl.when(wid == NW - 1)
    def _():
        pltpu.sync_copy(tail_hbm, rbuf0.at[pl.ds(0, 1024)])
        pltpu.sync_copy(rbuf0.at[pl.ds(0, 1024)],
                        tab_out.at[pl.ds(NFULL * CSZ, 1024)])


@functools.partial(
    pl.kernel,
    out_type=(
        jax.ShapeDtypeStruct((NW, NPW, K), jnp.float32),
        jax.ShapeDtypeStruct((NW, NPW), jnp.float32),
    ),
    mesh=_mesh,
    scratch_types=[
        pltpu.VMEM((NPW,), jnp.int32),
        pltpu.VMEM((2, CH, K), jnp.float32),
        pltpu.VMEM((NPW,), jnp.float32),
        pltpu.SemaphoreType.DMA,
        pltpu.SemaphoreType.DMA,
        pltpu.SemaphoreType.DMA,
    ],
    compiler_params=pltpu.CompilerParams(use_tc_tiling_on_sc=False),
)
def _sc_gather(idx_hbm, tab_hbm, fc_hbm, emb_out, fc_out,
               idx_v, ebuf, fc_v, sem_a, sem_b, sem_fc):
    wid = lax.axis_index("s") * 2 + lax.axis_index("c")
    sems = (sem_a, sem_b)

    pltpu.sync_copy(idx_hbm.at[wid], idx_v)
    fc_cp = pltpu.async_copy(fc_hbm.at[0].at[idx_v], fc_v, sem_fc)

    copies = [None, None]
    copies[0] = pltpu.async_copy(
        tab_hbm.at[idx_v.at[pl.ds(0, CH)]], ebuf.at[0], sems[0])
    for j in range(NCH):
        if j + 1 < NCH:
            copies[(j + 1) % 2] = pltpu.async_copy(
                tab_hbm.at[idx_v.at[pl.ds((j + 1) * CH, CH)]],
                ebuf.at[(j + 1) % 2], sems[(j + 1) % 2])
        copies[j % 2].wait()
        pltpu.sync_copy(ebuf.at[j % 2], emb_out.at[wid, pl.ds(j * CH, CH)])

    fc_cp.wait()
    pltpu.sync_copy(fc_v, fc_out.at[wid])


BT = 1024


def _tc_body(emb_ref, fc_ref, s_ref, w1_ref, b1_ref, w2_ref, b2_ref,
             w3_ref, bias_ref, out_ref):
    e = emb_ref[...]
    t = jnp.dot(e, s_ref[...], preferred_element_type=jnp.float32)
    fm = 0.5 * (jnp.sum(t * t, axis=1) - jnp.sum(e * e, axis=1))
    fcs = jnp.sum(fc_ref[...], axis=1)
    h = jnp.dot(e, w1_ref[...], preferred_element_type=jnp.float32)
    h = jnp.maximum(h + b1_ref[...], 0.0)
    h = jnp.dot(h, w2_ref[...], preferred_element_type=jnp.float32)
    h = jnp.maximum(h + b2_ref[...], 0.0)
    y = jnp.sum(h * w3_ref[...], axis=1)
    out_ref[...] = fm + fcs + y + bias_ref[0]


def kernel(x, emb_table, fc_table, bias, W1, b1, W2, b2, W3, b3):
    idx = (x + _OFFSETS[None, :]).reshape(NW, NPW)

    tail_lin = emb_table[VMAIN:, :].reshape(1024)
    tab_lin = _sc_detile(emb_table.T, tail_lin).reshape(V, K)
    emb_rows, fc_vals = _sc_gather(idx, tab_lin, fc_table.T)
    emb_flat = emb_rows.reshape(B, D_IN)
    fc_mat = fc_vals.reshape(B, F)

    s_pad = jnp.asarray(
        np.equal(np.arange(D_IN)[:, None] % K, np.arange(128)[None, :])
        .astype(np.float32))

    scores = pl.pallas_call(
        _tc_body,
        grid=(B // BT,),
        in_specs=[
            pl.BlockSpec((BT, D_IN), lambda i: (i, 0)),
            pl.BlockSpec((BT, F), lambda i: (i, 0)),
            pl.BlockSpec((D_IN, 128), lambda i: (0, 0)),
            pl.BlockSpec((D_IN, 256), lambda i: (0, 0)),
            pl.BlockSpec((1, 256), lambda i: (0, 0)),
            pl.BlockSpec((256, 128), lambda i: (0, 0)),
            pl.BlockSpec((1, 128), lambda i: (0, 0)),
            pl.BlockSpec((1, 128), lambda i: (0, 0)),
            pl.BlockSpec((1,), lambda i: (0,)),
        ],
        out_specs=pl.BlockSpec((BT,), lambda i: (i,)),
        out_shape=jax.ShapeDtypeStruct((B,), jnp.float32),
    )(emb_flat, fc_mat, s_pad, W1, b1.reshape(1, 256), W2,
      b2.reshape(1, 128), W3.reshape(1, 128), bias)
    return scores

# --- scband reference (transcript-rebuilt; emitter-appended) ---
"""Pipeline reference for scband-deep-fm-87720412053763 (READ-ONLY COPY).

The authoritative reference and input builder live on the scoring server;
editing this copy changes nothing except your own understanding.
"""

import jax, jax.numpy as jnp
import numpy as np

FIELD_DIMS = [100000] * 26
NUM_FIELDS = len(FIELD_DIMS)
TOTAL_ROWS = sum(FIELD_DIMS)
NUM_FACTOR = 16
HIDDEN = [256, 128]
B = 16384


def setup_inputs(seed: int = 0) -> dict:
    key = jax.random.key(seed)
    ks = jax.random.split(key, 10)
    x = jax.random.randint(ks[0], (B, NUM_FIELDS), 0, 100000, dtype=jnp.int32)
    emb_table = jax.random.normal(ks[1], (TOTAL_ROWS, NUM_FACTOR), dtype=jnp.float32) * 0.01
    fc_table = jax.random.normal(ks[2], (TOTAL_ROWS, 1), dtype=jnp.float32) * 0.01
    bias = jnp.zeros((1,), dtype=jnp.float32)
    d_in = NUM_FIELDS * NUM_FACTOR
    W1 = jax.random.normal(ks[3], (d_in, HIDDEN[0]), dtype=jnp.float32) * (1.0 / np.sqrt(d_in))
    b1 = jnp.zeros((HIDDEN[0],), dtype=jnp.float32)
    W2 = jax.random.normal(ks[4], (HIDDEN[0], HIDDEN[1]), dtype=jnp.float32) * (1.0 / np.sqrt(HIDDEN[0]))
    b2 = jnp.zeros((HIDDEN[1],), dtype=jnp.float32)
    W3 = jax.random.normal(ks[5], (HIDDEN[1], 1), dtype=jnp.float32) * (1.0 / np.sqrt(HIDDEN[1]))
    b3 = jnp.zeros((1,), dtype=jnp.float32)
    return {"x": x, "emb_table": emb_table, "fc_table": fc_table, "bias": bias,
            "W1": W1, "b1": b1, "W2": W2, "b2": b2, "W3": W3, "b3": b3}


def reference(x, emb_table, fc_table, bias, W1, b1, W2, b2, W3, b3):
    offsets = jnp.concatenate([jnp.zeros((1,), dtype=jnp.int32),
                               jnp.cumsum(jnp.array(FIELD_DIMS[:-1], dtype=jnp.int32))])[None, :]
    idx = x + offsets  # (B, F)
    emb = jnp.take(emb_table, idx, axis=0)  # (B, F, K) gather
    square_of_sum = jnp.sum(emb, axis=1) ** 2  # (B, K)
    sum_of_square = jnp.sum(emb ** 2, axis=1)  # (B, K)
    fc = jnp.sum(jnp.take(fc_table, idx, axis=0), axis=1) + bias  # EmbeddingBag sum -> (B, 1)
    y_fm = fc + 0.5 * jnp.sum(square_of_sum - sum_of_square, axis=1, keepdims=True)
    h = emb.reshape((emb.shape[0], NUM_FIELDS * NUM_FACTOR))
    h = jax.nn.relu(h @ W1 + b1)
    h = jax.nn.relu(h @ W2 + b2)
    h = h @ W3 + b3  # (B, 1)
    scores = jnp.squeeze(y_fm + h, axis=-1)  # (B,)
    return scores

if __name__ == "__main__":
    import jax
    _d = setup_inputs()
    print(jax.jit(kernel)(*tuple(_d.values())))

</pallas_src>

<mosaic_0001>
#map = affine_map<(d0, d1) -> (0, 0)>
#map1 = affine_map<(d0, d1) -> (0)>
module attributes {stable_mosaic.version = 14 : i64} {
  func.func @_sc_detile(%arg0: i32, %arg1: i32, %arg2: memref<16x2600000xf32, #tpu.memory_space<hbm>>, %arg3: memref<1024xf32, #tpu.memory_space<hbm>>, %arg4: memref<41600000xf32, #tpu.memory_space<hbm>>, %arg5: memref<2x2x8x1024xf32, #tpu.memory_space<vmem>>, %arg6: memref<16384xf32, #tpu.memory_space<vmem>>, %arg7: memref<16384xf32, #tpu.memory_space<vmem>>, %arg8: memref<!tpu.dma_semaphore, #tpu.memory_space<semaphore_mem>>, %arg9: memref<!tpu.dma_semaphore, #tpu.memory_space<semaphore_mem>>, %arg10: memref<!tpu.dma_semaphore, #tpu.memory_space<semaphore_mem>>, %arg11: memref<!tpu.dma_semaphore, #tpu.memory_space<semaphore_mem>>) attributes {dimension_semantics = [#tpu.dimension_semantics<core_parallel>, #tpu.dimension_semantics<subcore_parallel>], iteration_bounds = array<i64: 2, 16>, scalar_prefetch = 0 : i64, scratch_operands = 7 : i64, tpu.core_type = #tpu.core_type<sc_vector_subcore>, window_params = [{transform_indices = #map}, {transform_indices = #map1}, {transform_indices = #map1}]} {
    %mul3A = arith.constant 2 : i32
    %mul3A_0 = arith.muli %arg1, %mul3A : i32
    %add3A = arith.addi %mul3A_0, %arg0 : i32
    %iota3A = tpu.iota {dimensions = array<i32: 0>} : vector<16xi32>
    %mul3A_1 = arith.constant 80 : i32
    %mul3A_2 = arith.muli %add3A, %mul3A_1 : i32
    %sub3A = arith.constant 2539 : i32
    %sub3A_3 = arith.subi %sub3A, %mul3A_2 : i32
    %max3A = arith.constant 0 : i32
    %max3A_4 = arith.maxsi %max3A, %sub3A_3 : i32
    %min3A = arith.constant 80 : i32
    %min3A_5 = arith.minsi %min3A, %max3A_4 : i32
    %mul3A_6 = arith.constant 16 : i32
    %mul3A_7 = vector.broadcast %mul3A_6 : i32 to vector<16xi32>
    %mul3A_8 = arith.muli %iota3A, %mul3A_7 : vector<16xi32>
    %mul3A_9 = arith.constant 80 : i32
    %mul3A_10 = arith.muli %add3A, %mul3A_9 : i32
    %add3A_11 = arith.constant 0 : i32
    %add3A_12 = arith.addi %mul3A_10, %add3A_11 : i32
    %mul3A_13 = arith.constant 1024 : i32
    %mul3A_14 = arith.muli %add3A_12, %mul3A_13 : i32
    %dma_start3A = arith.constant 0 : i32
    %dma_start3A_15 = arith.constant 0 : i32
    %dma_start3A_16 = arith.constant 0 : i32
    %dma_start3A_17 = arith.constant 0 : i32
    %dma_start3A_18 = tpu.memref_slice %arg5[%dma_start3A, %dma_start3A_15, %dma_start3A_16, %dma_start3A_17] : memref<2x2x8x1024xf32, #tpu.memory_space<vmem>> -> memref<1x1x8x1024xf32, #tpu.memory_space<vmem>>
    %dma_start3A_19 = tpu.memref_squeeze %dma_start3A_18 : memref<1x1x8x1024xf32, #tpu.memory_space<vmem>> -> memref<8x1024xf32, #tpu.memory_space<vmem>>
    %dma_start3A_20 = arith.constant 0 : i32
    %dma_start3A_21 = tpu.memref_slice %arg2[%dma_start3A_20, %mul3A_14] : memref<16x2600000xf32, #tpu.memory_space<hbm>> -> memref<8x1024xf32, #tpu.memory_space<hbm>>
    %dma_start3A_22 = arith.constant 0 : i32
    %dma_start3A_23 = arith.constant 0 : i32
    %dma_start3A_24 = tpu.memref_slice %arg5[%dma_start3A, %dma_start3A_15, %dma_start3A_22, %dma_start3A_23] : memref<2x2x8x1024xf32, #tpu.memory_space<vmem>> -> memref<1x1x8x1024xf32, #tpu.memory_space<vmem>>
    %dma_start3A_25 = tpu.memref_squeeze %dma_start3A_24 : memref<1x1x8x1024xf32, #tpu.memory_space<vmem>> -> memref<8x1024xf32, #tpu.memory_space<vmem>>
    %dma_start3A_26 = arith.constant 0 : i32
    %dma_start3A_27 = tpu.memref_slice %arg2[%dma_start3A_26, %mul3A_14] : memref<16x2600000xf32, #tpu.memory_space<hbm>> -> memref<8x1024xf32, #tpu.memory_space<hbm>>
    tpu.enqueue_dma source(%dma_start3A_27 : memref<8x1024xf32, #tpu.memory_space<hbm>>) target(%dma_start3A_25 : memref<8x1024xf32, #tpu.memory_space<vmem>>) target_semaphore(%arg8 : memref<!tpu.dma_semaphore, #tpu.memory_space<semaphore_mem>>)
    %dma_start3A_28 = arith.constant 0 : i32
    %dma_start3A_29 = arith.constant 1 : i32
    %dma_start3A_30 = arith.constant 0 : i32
    %dma_start3A_31 = arith.constant 0 : i32
    %dma_start3A_32 = tpu.memref_slice %arg5[%dma_start3A_28, %dma_start3A_29, %dma_start3A_30, %dma_start3A_31] : memref<2x2x8x1024xf32, #tpu.memory_space<vmem>> -> memref<1x1x8x1024xf32, #tpu.memory_space<vmem>>
    %dma_start3A_33 = tpu.memref_squeeze %dma_start3A_32 : memref<1x1x8x1024xf32, #tpu.memory_space<vmem>> -> memref<8x1024xf32, #tpu.memory_space<vmem>>
    %dma_start3A_34 = arith.constant 8 : i32
    %dma_start3A_35 = tpu.memref_slice %arg2[%dma_start3A_34, %mul3A_14] : memref<16x2600000xf32, #tpu.memory_space<hbm>> -> memref<8x1024xf32, #tpu.memory_space<hbm>>
    %dma_start3A_36 = arith.constant 0 : i32
    %dma_start3A_37 = arith.constant 0 : i32
    %dma_start3A_38 = tpu.memref_slice %arg5[%dma_start3A_28, %dma_start3A_29, %dma_start3A_36, %dma_start3A_37] : memref<2x2x8x1024xf32, #tpu.memory_space<vmem>> -> memref<1x1x8x1024xf32, #tpu.memory_space<vmem>>
    %dma_start3A_39 = tpu.memref_squeeze %dma_start3A_38 : memref<1x1x8x1024xf32, #tpu.memory_space<vmem>> -> memref<8x1024xf32, #tpu.memory_space<vmem>>
    %dma_start3A_40 = arith.constant 8 : i32
    %dma_start3A_41 = tpu.memref_slice %arg2[%dma_start3A_40, %mul3A_14] : memref<16x2600000xf32, #tpu.memory_space<hbm>> -> memref<8x1024xf32, #tpu.memory_space<hbm>>
    tpu.enqueue_dma source(%dma_start3A_41 : memref<8x1024xf32, #tpu.memory_space<hbm>>) target(%dma_start3A_39 : memref<8x1024xf32, #tpu.memory_space<vmem>>) target_semaphore(%arg8 : memref<!tpu.dma_semaphore, #tpu.memory_space<semaphore_mem>>)
    %scan3A = arith.constant 0 : i32
    %scan3A_42 = arith.constant 0 : i32
    %scan3A_43 = arith.constant 40 : i32
    %scan3A_44 = arith.addi %scan3A_42, %scan3A_43 : i32
    %scan3A_45 = arith.constant 1 : i32
    %scan3A_46 = scf.for %scan3A_57 = %scan3A_42 to %scan3A_44 step %scan3A_45 iter_args(%scan3A_58 = %scan3A) -> (i32)  : i32 {
      %mul3A_59 = arith.constant 2 : i32
      %mul3A_60 = arith.muli %mul3A_59, %scan3A_57 : i32
      %add3A_61 = arith.constant 0 : i32
      %add3A_62 = arith.addi %mul3A_60, %add3A_61 : i32
      %lt3A = arith.cmpi slt, %add3A_62, %min3A_5 : i32
      %convert_element_type3A_63 = arith.extui %lt3A : i1 to i32
      %cond3A_64 = arith.constant 0 : i32
      %cond3A_65 = arith.cmpi ne, %convert_element_type3A_63, %cond3A_64 : i32
      scf.if %cond3A_65 {
        %dma_wait3A_75 = arith.constant 0 : i32
        %dma_wait3A_76 = arith.constant 0 : i32
        %dma_wait3A_77 = arith.constant 0 : i32
        %dma_wait3A_78 = arith.constant 0 : i32
        %dma_wait3A_79 = tpu.memref_slice %arg5[%dma_wait3A_75, %dma_wait3A_76, %dma_wait3A_77, %dma_wait3A_78] : memref<2x2x8x1024xf32, #tpu.memory_space<vmem>> -> memref<1x1x8x1024xf32, #tpu.memory_space<vmem>>
        %dma_wait3A_80 = tpu.memref_squeeze %dma_wait3A_79 : memref<1x1x8x1024xf32, #tpu.memory_space<vmem>> -> memref<8x1024xf32, #tpu.memory_space<vmem>>
        %dma_wait3A_81 = arith.constant 0 : i32
        %dma_wait3A_82 = arith.constant 0 : i32
        %dma_wait3A_83 = tpu.memref_slice %arg2[%dma_wait3A_81, %dma_wait3A_82] : memref<16x2600000xf32, #tpu.memory_space<hbm>> -> memref<8x1024xf32, #tpu.memory_space<hbm>>
        %dma_wait3A_84 = arith.constant 0 : i32
        %dma_wait3A_85 = arith.constant 0 : i32
        %dma_wait3A_86 = tpu.memref_slice %arg5[%dma_wait3A_75, %dma_wait3A_76, %dma_wait3A_84, %dma_wait3A_85] : memref<2x2x8x1024xf32, #tpu.memory_space<vmem>> -> memref<1x1x8x1024xf32, #tpu.memory_space<vmem>>
        %dma_wait3A_87 = tpu.memref_squeeze %dma_wait3A_86 : memref<1x1x8x1024xf32, #tpu.memory_space<vmem>> -> memref<8x1024xf32, #tpu.memory_space<vmem>>
        %dma_wait3A_88 = arith.constant 0 : i32
        %dma_wait3A_89 = arith.constant 0 : i32
        %dma_wait3A_90 = tpu.memref_slice %arg2[%dma_wait3A_88, %dma_wait3A_89] : memref<16x2600000xf32, #tpu.memory_space<hbm>> -> memref<8x1024xf32, #tpu.memory_space<hbm>>
        tpu.wait_dma2 semaphore(%arg8 : memref<!tpu.dma_semaphore, #tpu.memory_space<semaphore_mem>>) src(%dma_wait3A_90 : memref<8x1024xf32, #tpu.memory_space<hbm>>) dst(%dma_wait3A_87 : memref<8x1024xf32, #tpu.memory_space<vmem>>)
        %dma_wait3A_91 = arith.constant 0 : i32
        %dma_wait3A_92 = arith.constant 1 : i32
        %dma_wait3A_93 = arith.constant 0 : i32
        %dma_wait3A_94 = arith.constant 0 : i32
        %dma_wait3A_95 = tpu.memref_slice %arg5[%dma_wait3A_91, %dma_wait3A_92, %dma_wait3A_93, %dma_wait3A_94] : memref<2x2x8x1024xf32, #tpu.memory_space<vmem>> -> memref<1x1x8x1024xf32, #tpu.memory_space<vmem>>
        %dma_wait3A_96 = tpu.memref_squeeze %dma_wait3A_95 : memref<1x1x8x1024xf32, #tpu.memory_space<vmem>> -> memref<8x1024xf32, #tpu.memory_space<vmem>>
        %dma_wait3A_97 = arith.constant 8 : i32
        %dma_wait3A_98 = arith.constant 0 : i32
        %dma_wait3A_99 = tpu.memref_slice %arg2[%dma_wait3A_97, %dma_wait3A_98] : memref<16x2600000xf32, #tpu.memory_space<hbm>> -> memref<8x1024xf32, #tpu.memory_space<hbm>>
        %dma_wait3A_100 = arith.constant 0 : i32
        %dma_wait3A_101 = arith.constant 0 : i32
        %dma_wait3A_102 = tpu.memref_slice %arg5[%dma_wait3A_91, %dma_wait3A_92, %dma_wait3A_100, %dma_wait3A_101] : memref<2x2x8x1024xf32, #tpu.memory_space<vmem>> -> memref<1x1x8x1024xf32, #tpu.memory_space<vmem>>
        %dma_wait3A_103 = tpu.memref_squeeze %dma_wait3A_102 : memref<1x1x8x1024xf32, #tpu.memory_space<vmem>> -> memref<8x1024xf32, #tpu.memory_space<vmem>>
        %dma_wait3A_104 = arith.constant 8 : i32
        %dma_wait3A_105 = arith.constant 0 : i32
        %dma_wait3A_106 = tpu.memref_slice %arg2[%dma_wait3A_104, %dma_wait3A_105] : memref<16x2600000xf32, #tpu.memory_space<hbm>> -> memref<8x1024xf32, #tpu.memory_space<hbm>>
        tpu.wait_dma2 semaphore(%arg8 : memref<!tpu.dma_semaphore, #tpu.memory_space<semaphore_mem>>) src(%dma_wait3A_106 : memref<8x1024xf32, #tpu.memory_space<hbm>>) dst(%dma_wait3A_103 : memref<8x1024xf32, #tpu.memory_space<vmem>>)
        %add3A_107 = arith.constant 1 : i32
        %add3A_108 = arith.addi %add3A_62, %add3A_107 : i32
        %lt3A_109 = arith.cmpi slt, %add3A_108, %min3A_5 : i32
        %convert_element_type3A_110 = arith.extui %lt3A_109 : i1 to i32
        %cond3A_111 = arith.constant 0 : i32
        %cond3A_112 = arith.cmpi ne, %convert_element_type3A_110, %cond3A_111 : i32
        scf.if %cond3A_112 {
          %add3A_131 = arith.constant 1 : i32
          %add3A_132 = arith.addi %add3A_62, %add3A_131 : i32
          %mul3A_133 = arith.constant 80 : i32
          %mul3A_134 = arith.muli %add3A, %mul3A_133 : i32
          %add3A_135 = arith.addi %mul3A_134, %add3A_132 : i32
          %mul3A_136 = arith.constant 1024 : i32
          %mul3A_137 = arith.muli %add3A_135, %mul3A_136 : i32
          %dma_start3A_138 = arith.constant 1 : i32
          %dma_start3A_139 = arith.constant 0 : i32
          %dma_start3A_140 = arith.constant 0 : i32
          %dma_start3A_141 = arith.constant 0 : i32
          %dma_start3A_142 = tpu.memref_slice %arg5[%dma_start3A_138, %dma_start3A_139, %dma_start3A_140, %dma_start3A_141] : memref<2x2x8x1024xf32, #tpu.memory_space<vmem>> -> memref<1x1x8x1024xf32, #tpu.memory_space<vmem>>
          %dma_start3A_143 = tpu.memref_squeeze %dma_start3A_142 : memref<1x1x8x1024xf32, #tpu.memory_space<vmem>> -> memref<8x1024xf32, #tpu.memory_space<vmem>>
          %dma_start3A_144 = arith.constant 0 : i32
          %dma_start3A_145 = tpu.memref_slice %arg2[%dma_start3A_144, %mul3A_137] : memref<16x2600000xf32, #tpu.memory_space<hbm>> -> memref<8x1024xf32, #tpu.memory_space<hbm>>
          %dma_start3A_146 = arith.constant 0 : i32
          %dma_start3A_147 = arith.constant 0 : i32
          %dma_start3A_148 = tpu.memref_slice %arg5[%dma_start3A_138, %dma_start3A_139, %dma_start3A_146, %dma_start3A_147] : memref<2x2x8x1024xf32, #tpu.memory_space<vmem>> -> memref<1x1x8x1024xf32, #tpu.memory_space<vmem>>
          %dma_start3A_149 = tpu.memref_squeeze %dma_start3A_148 : memref<1x1x8x1024xf32, #tpu.memory_space<vmem>> -> memref<8x1024xf32, #tpu.memory_space<vmem>>
          %dma_start3A_150 = arith.constant 0 : i32
          %dma_start3A_151 = tpu.memref_slice %arg2[%dma_start3A_150, %mul3A_137] : memref<16x2600000xf32, #tpu.memory_space<hbm>> -> memref<8x1024xf32, #tpu.memory_space<hbm>>
          tpu.enqueue_dma source(%dma_start3A_151 : memref<8x1024xf32, #tpu.memory_space<hbm>>) target(%dma_start3A_149 : memref<8x1024xf32, #tpu.memory_space<vmem>>) target_semaphore(%arg8 : memref<!tpu.dma_semaphore, #tpu.memory_space<semaphore_mem>>)
          %dma_start3A_152 = arith.constant 1 : i32
          %dma_start3A_153 = arith.constant 1 : i32
          %dma_start3A_154 = arith.constant 0 : i32
          %dma_start3A_155 = arith.constant 0 : i32
          %dma_start3A_156 = tpu.memref_slice %arg5[%dma_start3A_152, %dma_start3A_153, %dma_start3A_154, %dma_start3A_155] : memref<2x2x8x1024xf32, #tpu.memory_space<vmem>> -> memref<1x1x8x1024xf32, #tpu.memory_space<vmem>>
          %dma_start3A_157 = tpu.memref_squeeze %dma_start3A_156 : memref<1x1x8x1024xf32, #tpu.memory_space<vmem>> -> memref<8x1024xf32, #tpu.memory_space<vmem>>
          %dma_start3A_158 = arith.constant 8 : i32
          %dma_start3A_159 = tpu.memref_slice %arg2[%dma_start3A_158, %mul3A_137] : memref<16x2600000xf32, #tpu.memory_space<hbm>> -> memref<8x1024xf32, #tpu.memory_space<hbm>>
          %dma_start3A_160 = arith.constant 0 : i32
          %dma_start3A_161 = arith.constant 0 : i32
          %dma_start3A_162 = tpu.memref_slice %arg5[%dma_start3A_152, %dma_start3A_153, %dma_start3A_160, %dma_start3A_161] : memref<2x2x8x1024xf32, #tpu.memory_space<vmem>> -> memref<1x1x8x1024xf32, #tpu.memory_space<vmem>>
          %dma_start3A_163 = tpu.memref_squeeze %dma_start3A_162 : memref<1x1x8x1024xf32, #tpu.memory_space<vmem>> -> memref<8x1024xf32, #tpu.memory_space<vmem>>
          %dma_start3A_164 = arith.constant 8 : i32
          %dma_start3A_165 = tpu.memref_slice %arg2[%dma_start3A_164, %mul3A_137] : memref<16x2600000xf32, #tpu.memory_space<hbm>> -> memref<8x1024xf32, #tpu.memory_space<hbm>>
          tpu.enqueue_dma source(%dma_start3A_165 : memref<8x1024xf32, #tpu.memory_space<hbm>>) target(%dma_start3A_163 : memref<8x1024xf32, #tpu.memory_space<vmem>>) target_semaphore(%arg8 : memref<!tpu.dma_semaphore, #tpu.memory_space<semaphore_mem>>)
        } else {
        }
        %ge3A = arith.constant 2 : i32
        %ge3A_113 = arith.cmpi sge, %add3A_62, %ge3A : i32
        %convert_element_type3A_114 = arith.extui %ge3A_113 : i1 to i32
        %cond3A_115 = arith.constant 0 : i32
        %cond3A_116 = arith.cmpi ne, %convert_element_type3A_114, %cond3A_115 : i32
        scf.if %cond3A_116 {
          %dma_wait3A_131 = arith.constant 0 : i32
          %dma_wait3A_132 = tpu.memref_slice %arg4[%dma_wait3A_131] : memref<41600000xf32, #tpu.memory_space<hbm>> -> memref<16384xf32, #tpu.memory_space<hbm>>
          %dma_wait3A_133 = arith.constant 0 : i32
          %dma_wait3A_134 = tpu.memref_slice %arg4[%dma_wait3A_133] : memref<41600000xf32, #tpu.memory_space<hbm>> -> memref<16384xf32, #tpu.memory_space<hbm>>
          tpu.wait_dma2 semaphore(%arg10 : memref<!tpu.dma_semaphore, #tpu.memory_space<semaphore_mem>>) src(%arg6 : memref<16384xf32, #tpu.memory_space<vmem>>) dst(%dma_wait3A_134 : memref<16384xf32, #tpu.memory_space<hbm>>)
        } else {
        }
        %scan3A_117 = arith.constant 0 : i32
        %scan3A_118 = arith.constant 0 : i32
        %scan3A_119 = arith.constant 64 : i32
        %scan3A_120 = arith.addi %scan3A_118, %scan3A_119 : i32
        %scan3A_121 = arith.constant 2 : i32
        %scan3A_122 = scf.for %scan3A_131 = %scan3A_118 to %scan3A_120 step %scan3A_121 iter_args(%scan3A_132 = %scan3A_117) -> (i32)  : i32 {
          %mul3A_133 = arith.constant 16 : i32
          %mul3A_134 = arith.muli %scan3A_131, %mul3A_133 : i32
          %mul3A_135 = arith.constant 16 : i32
          %mul3A_136 = arith.muli %scan3A_131, %mul3A_135 : i32
          %mul3A_137 = arith.constant 16 : i32
          %mul3A_138 = arith.muli %mul3A_136, %mul3A_137 : i32
          %get3A = arith.constant 0 : i32
          %get3A_139 = arith.constant 0 : i32
          %get3A_140 = arith.constant 0 : i32
          %get3A_141 = arith.index_cast %get3A : i32 to index
          %get3A_142 = arith.index_cast %get3A_139 : i32 to index
          %get3A_143 = arith.index_cast %get3A_140 : i32 to index
          %get3A_144 = arith.index_cast %mul3A_134 : i32 to index
          %get3A_145 = tpu.vector_load %arg5[%get3A_141, %get3A_142, %get3A_143, %get3A_144] {strides = array<i32>} : memref<2x2x8x1024xf32, #tpu.memory_space<vmem>>, vector<16xf32>,
          %add3A_146 = arith.constant 0 : i32
          %add3A_147 = arith.addi %mul3A_138, %add3A_146 : i32
          %add3A_148 = vector.broadcast %add3A_147 : i32 to vector<16xi32>
          %add3A_149 = arith.addi %mul3A_8, %add3A_148 : vector<16xi32>
          tpu.vector_store_idx %arg6[%add3A_149], %get3A_145 : memref<16384xf32, #tpu.memory_space<vmem>>[vector<16xi32>], vector<16xf32>,
          %get3A_150 = arith.constant 0 : i32
          %get3A_151 = arith.constant 0 : i32
          %get3A_152 = arith.constant 1 : i32
          %get3A_153 = arith.index_cast %get3A_150 : i32 to index
          %get3A_154 = arith.index_cast %get3A_151 : i32 to index
          %get3A_155 = arith.index_cast %get3A_152 : i32 to index
          %get3A_156 = arith.index_cast %mul3A_134 : i32 to index
          %get3A_157 = tpu.vector_load %arg5[%get3A_153, %get3A_154, %get3A_155, %get3A_156] {strides = array<i32>} : memref<2x2x8x1024xf32, #tpu.memory_space<vmem>>, vector<16xf32>,
          %add3A_158 = arith.constant 1 : i32
          %add3A_159 = arith.addi %mul3A_138, %add3A_158 : i32
          %add3A_160 = vector.broadcast %add3A_159 : i32 to vector<16xi32>
          %add3A_161 = arith.addi %mul3A_8, %add3A_160 : vector<16xi32>
          tpu.vector_store_idx %arg6[%add3A_161], %get3A_157 : memref<16384xf32, #tpu.memory_space<vmem>>[vector<16xi32>], vector<16xf32>,
          %get3A_162 = arith.constant 0 : i32
          %get3A_163 = arith.constant 0 : i32
          %get3A_164 = arith.constant 2 : i32
          %get3A_165 = arith.index_cast %get3A_162 : i32 to index
          %get3A_166 = arith.index_cast %get3A_163 : i32 to index
          %get3A_167 = arith.index_cast %get3A_164 : i32 to index
          %get3A_168 = arith.index_cast %mul3A_134 : i32 to index
          %get3A_169 = tpu.vector_load %arg5[%get3A_165, %get3A_166, %get3A_167, %get3A_168] {strides = array<i32>} : memref<2x2x8x1024xf32, #tpu.memory_space<vmem>>, vector<16xf32>,
          %add3A_170 = arith.constant 2 : i32
          %add3A_171 = arith.addi %mul3A_138, %add3A_170 : i32
          %add3A_172 = vector.broadcast %add3A_171 : i32 to vector<16xi32>
          %add3A_173 = arith.addi %mul3A_8, %add3A_172 : vector<16xi32>
          tpu.vector_store_idx %arg6[%add3A_173], %get3A_169 : memref<16384xf32, #tpu.memory_space<vmem>>[vector<16xi32>], vector<16xf32>,
          %get3A_174 = arith.constant 0 : i32
          %get3A_175 = arith.constant 0 : i32
          %get3A_176 = arith.constant 3 : i32
          %get3A_177 = arith.index_cast %get3A_174 : i32 to index
          %get3A_178 = arith.index_cast %get3A_175 : i32 to index
          %get3A_179 = arith.index_cast %get3A_176 : i32 to index
          %get3A_180 = arith.index_cast %mul3A_134 : i32 to index
          %get3A_181 = tpu.vector_load %arg5[%get3A_177, %get3A_178, %get3A_179, %get3A_180] {strides = array<i32>} : memref<2x2x8x1024xf32, #tpu.memory_space<vmem>>, vector<16xf32>,
          %add3A_182 = arith.constant 3 : i32
          %add3A_183 = arith.addi %mul3A_138, %add3A_182 : i32
          %add3A_184 = vector.broadcast %add3A_183 : i32 to vector<16xi32>
          %add3A_185 = arith.addi %mul3A_8, %add3A_184 : vector<16xi32>
          tpu.vector_store_idx %arg6[%add3A_185], %get3A_181 : memref<16384xf32, #tpu.memory_space<vmem>>[vector<16xi32>], vector<16xf32>,
          %get3A_186 = arith.constant 0 : i32
          %get3A_187 = arith.constant 0 : i32
          %get3A_188 = arith.constant 4 : i32
          %get3A_189 = arith.index_cast %get3A_186 : i32 to index
          %get3A_190 = arith.index_cast %get3A_187 : i32 to index
          %get3A_191 = arith.index_cast %get3A_188 : i32 to index
          %get3A_192 = arith.index_cast %mul3A_134 : i32 to index
          %get3A_193 = tpu.vector_load %arg5[%get3A_189, %get3A_190, %get3A_191, %get3A_192] {strides = array<i32>} : memref<2x2x8x1024xf32, #tpu.memory_space<vmem>>, vector<16xf32>,
          %add3A_194 = arith.constant 4 : i32
          %add3A_195 = arith.addi %mul3A_138, %add3A_194 : i32
          %add3A_196 = vector.broadcast %add3A_195 : i32 to vector<16xi32>
          %add3A_197 = arith.addi %mul3A_8, %add3A_196 : vector<16xi32>
          tpu.vector_store_idx %arg6[%add3A_197], %get3A_193 : memref<16384xf32, #tpu.memory_space<vmem>>[vector<16xi32>], vector<16xf32>,
          %get3A_198 = arith.constant 0 : i32
          %get3A_199 = arith.constant 0 : i32
          %get3A_200 = arith.constant 5 : i32
          %get3A_201 = arith.index_cast %get3A_198 : i32 to index
          %get3A_202 = arith.index_cast %get3A_199 : i32 to index
          %get3A_203 = arith.index_cast %get3A_200 : i32 to index
          %get3A_204 = arith.index_cast %mul3A_134 : i32 to index
          %get3A_205 = tpu.vector_load %arg5[%get3A_201, %get3A_202, %get3A_203, %get3A_204] {strides = array<i32>} : memref<2x2x8x1024xf32, #tpu.memory_space<vmem>>, vector<16xf32>,
          %add3A_206 = arith.constant 5 : i32
          %add3A_207 = arith.addi %mul3A_138, %add3A_206 : i32
          %add3A_208 = vector.broadcast %add3A_207 : i32 to vector<16xi32>
          %add3A_209 = arith.addi %mul3A_8, %add3A_208 : vector<16xi32>
          tpu.vector_store_idx %arg6[%add3A_209], %get3A_205 : memref<16384xf32, #tpu.memory_space<vmem>>[vector<16xi32>], vector<16xf32>,
          %get3A_210 = arith.constant 0 : i32
          %get3A_211 = arith.constant 0 : i32
          %get3A_212 = arith.constant 6 : i32
          %get3A_213 = arith.index_cast %get3A_210 : i32 to index
          %get3A_214 = arith.index_cast %get3A_211 : i32 to index
          %get3A_215 = arith.index_cast %get3A_212 : i32 to index
          %get3A_216 = arith.index_cast %mul3A_134 : i32 to index
          %get3A_217 = tpu.vector_load %arg5[%get3A_213, %get3A_214, %get3A_215, %get3A_216] {strides = array<i32>} : memref<2x2x8x1024xf32, #tpu.memory_space<vmem>>, vector<16xf32>,
          %add3A_218 = arith.constant 6 : i32
          %add3A_219 = arith.addi %mul3A_138, %add3A_218 : i32
          %add3A_220 = vector.broadcast %add3A_219 : i32 to vector<16xi32>
          %add3A_221 = arith.addi %mul3A_8, %add3A_220 : vector<16xi32>
          tpu.vector_store_idx %arg6[%add3A_221], %get3A_217 : memref<16384xf32, #tpu.memory_space<vmem>>[vector<16xi32>], vector<16xf32>,
          %get3A_222 = arith.constant 0 : i32
          %get3A_223 = arith.constant 0 : i32
          %get3A_224 = arith.constant 7 : i32
          %get3A_225 = arith.index_cast %get3A_222 : i32 to index
          %get3A_226 = arith.index_cast %get3A_223 : i32 to index
          %get3A_227 = arith.index_cast %get3A_224 : i32 to index
          %get3A_228 = arith.index_cast %mul3A_134 : i32 to index
          %get3A_229 = tpu.vector_load %arg5[%get3A_225, %get3A_226, %get3A_227, %get3A_228] {strides = array<i32>} : memref<2x2x8x1024xf32, #tpu.memory_space<vmem>>, vector<16xf32>,
          %add3A_230 = arith.constant 7 : i32
          %add3A_231 = arith.addi %mul3A_138, %add3A_230 : i32
          %add3A_232 = vector.broadcast %add3A_231 : i32 to vector<16xi32>
          %add3A_233 = arith.addi %mul3A_8, %add3A_232 : vector<16xi32>
          tpu.vector_store_idx %arg6[%add3A_233], %get3A_229 : memref<16384xf32, #tpu.memory_space<vmem>>[vector<16xi32>], vector<16xf32>,
          %get3A_234 = arith.constant 0 : i32
          %get3A_235 = arith.constant 1 : i32
          %get3A_236 = arith.constant 0 : i32
          %get3A_237 = arith.index_cast %get3A_234 : i32 to index
          %get3A_238 = arith.index_cast %get3A_235 : i32 to index
          %get3A_239 = arith.index_cast %get3A_236 : i32 to index
          %get3A_240 = arith.index_cast %mul3A_134 : i32 to index
          %get3A_241 = tpu.vector_load %arg5[%get3A_237, %get3A_238, %get3A_239, %get3A_240] {strides = array<i32>} : memref<2x2x8x1024xf32, #tpu.memory_space<vmem>>, vector<16xf32>,
          %add3A_242 = arith.constant 8 : i32
          %add3A_243 = arith.addi %mul3A_138, %add3A_242 : i32
          %add3A_244 = vector.broadcast %add3A_243 : i32 to vector<16xi32>
          %add3A_245 = arith.addi %mul3A_8, %add3A_244 : vector<16xi32>
          tpu.vector_store_idx %arg6[%add3A_245], %get3A_241 : memref<16384xf32, #tpu.memory_space<vmem>>[vector<16xi32>], vector<16xf32>,
          %get3A_246 = arith.constant 0 : i32
          %get3A_247 = arith.constant 1 : i32
          %get3A_248 = arith.constant 1 : i32
          %get3A_249 = arith.index_cast %get3A_246 : i32 to index
          %get3A_250 = arith.index_cast %get3A_247 : i32 to index
          %get3A_251 = arith.index_cast %get3A_248 : i32 to index
          %get3A_252 = arith.index_cast %mul3A_134 : i32 to index
          %get3A_253 = tpu.vector_load %arg5[%get3A_249, %get3A_250, %get3A_251, %get3A_252] {strides = array<i32>} : memref<2x2x8x1024xf32, #tpu.memory_space<vmem>>, vector<16xf32>,
          %add3A_254 = arith.constant 9 : i32
          %add3A_255 = arith.addi %mul3A_138, %add3A_254 : i32
          %add3A_256 = vector.broadcast %add3A_255 : i32 to vector<16xi32>
          %add3A_257 = arith.addi %mul3A_8, %add3A_256 : vector<16xi32>
          tpu.vector_store_idx %arg6[%add3A_257], %get3A_253 : memref<16384xf32, #tpu.memory_space<vmem>>[vector<16xi32>], vector<16xf32>,
          %get3A_258 = arith.constant 0 : i32
          %get3A_259 = arith.constant 1 : i32
          %get3A_260 = arith.constant 2 : i32
          %get3A_261 = arith.index_cast %get3A_258 : i32 to index
          %get3A_262 = arith.index_cast %get3A_259 : i32 to index
          %get3A_263 = arith.index_cast %get3A_260 : i32 to index
          %get3A_264 = arith.index_cast %mul3A_134 : i32 to index
          %get3A_265 = tpu.vector_load %arg5[%get3A_261, %get3A_262, %get3A_263, %get3A_264] {strides = array<i32>} : memref<2x2x8x1024xf32, #tpu.memory_space<vmem>>, vector<16xf32>,
          %add3A_266 = arith.constant 10 : i32
          %add3A_267 = arith.addi %mul3A_138, %add3A_266 : i32
          %add3A_268 = vector.broadcast %add3A_267 : i32 to vector<16xi32>
          %add3A_269 = arith.addi %mul3A_8, %add3A_268 : vector<16xi32>
          tpu.vector_store_idx %arg6[%add3A_269], %get3A_265 : memref<16384xf32, #tpu.memory_space<vmem>>[vector<16xi32>], vector<16xf32>,
          %get3A_270 = arith.constant 0 : i32
          %get3A_271 = arith.constant 1 : i32
          %get3A_272 = arith.constant 3 : i32
          %get3A_273 = arith.index_cast %get3A_270 : i32 to index
          %get3A_274 = arith.index_cast %get3A_271 : i32 to index
          %get3A_275 = arith.index_cast %get3A_272 : i32 to index
          %get3A_276 = arith.index_cast %mul3A_134 : i32 to index
          %get3A_277 = tpu.vector_load %arg5[%get3A_273, %get3A_274, %get3A_275, %get3A_276] {strides = array<i32>} : memref<2x2x8x1024xf32, #tpu.memory_space<vmem>>, vector<16xf32>,
          %add3A_278 = arith.constant 11 : i32
          %add3A_279 = arith.addi %mul3A_138, %add3A_278 : i32
          %add3A_280 = vector.broadcast %add3A_279 : i32 to vector<16xi32>
          %add3A_281 = arith.addi %mul3A_8, %add3A_280 : vector<16xi32>
          tpu.vector_store_idx %arg6[%add3A_281], %get3A_277 : memref<16384xf32, #tpu.memory_space<vmem>>[vector<16xi32>], vector<16xf32>,
          %get3A_282 = arith.constant 0 : i32
          %get3A_283 = arith.constant 1 : i32
          %get3A_284 = arith.constant 4 : i32
          %get3A_285 = arith.index_cast %get3A_282 : i32 to index
          %get3A_286 = arith.index_cast %get3A_283 : i32 to index
          %get3A_287 = arith.index_cast %get3A_284 : i32 to index
          %get3A_288 = arith.index_cast %mul3A_134 : i32 to index
          %get3A_289 = tpu.vector_load %arg5[%get3A_285, %get3A_286, %get3A_287, %get3A_288] {strides = array<i32>} : memref<2x2x8x1024xf32, #tpu.memory_space<vmem>>, vector<16xf32>,
          %add3A_290 = arith.constant 12 : i32
          %add3A_291 = arith.addi %mul3A_138, %add3A_290 : i32
          %add3A_292 = vector.broadcast %add3A_291 : i32 to vector<16xi32>
          %add3A_293 = arith.addi %mul3A_8, %add3A_292 : vector<16xi32>
          tpu.vector_store_idx %arg6[%add3A_293], %get3A_289 : memref<16384xf32, #tpu.memory_space<vmem>>[vector<16xi32>], vector<16xf32>,
          %get3A_294 = arith.constant 0 : i32
          %get3A_295 = arith.constant 1 : i32
          %get3A_296 = arith.constant 5 : i32
          %get3A_297 = arith.index_cast %get3A_294 : i32 to index
          %get3A_298 = arith.index_cast %get3A_295 : i32 to index
          %get3A_299 = arith.index_cast %get3A_296 : i32 to index
          %get3A_300 = arith.index_cast %mul3A_134 : i32 to index
          %get3A_301 = tpu.vector_load %arg5[%get3A_297, %get3A_298, %get3A_299, %get3A_300] {strides = array<i32>} : memref<2x2x8x1024xf32, #tpu.memory_space<vmem>>, vector<16xf32>,
          %add3A_302 = arith.constant 13 : i32
          %add3A_303 = arith.addi %mul3A_138, %add3A_302 : i32
          %add3A_304 = vector.broadcast %add3A_303 : i32 to vector<16xi32>
          %add3A_305 = arith.addi %mul3A_8, %add3A_304 : vector<16xi32>
          tpu.vector_store_idx %arg6[%add3A_305], %get3A_301 : memref<16384xf32, #tpu.memory_space<vmem>>[vector<16xi32>], vector<16xf32>,
          %get3A_306 = arith.constant 0 : i32
          %get3A_307 = arith.constant 1 : i32
          %get3A_308 = arith.constant 6 : i32
          %get3A_309 = arith.index_cast %get3A_306 : i32 to index
          %get3A_310 = arith.index_cast %get3A_307 : i32 to index
          %get3A_311 = arith.index_cast %get3A_308 : i32 to index
          %get3A_312 = arith.index_cast %mul3A_134 : i32 to index
          %get3A_313 = tpu.vector_load %arg5[%get3A_309, %get3A_310, %get3A_311, %get3A_312] {strides = array<i32>} : memref<2x2x8x1024xf32, #tpu.memory_space<vmem>>, vector<16xf32>,
          %add3A_314 = arith.constant 14 : i32
          %add3A_315 = arith.addi %mul3A_138, %add3A_314 : i32
          %add3A_316 = vector.broadcast %add3A_315 : i32 to vector<16xi32>
          %add3A_317 = arith.addi %mul3A_8, %add3A_316 : vector<16xi32>
          tpu.vector_store_idx %arg6[%add3A_317], %get3A_313 : memref<16384xf32, #tpu.memory_space<vmem>>[vector<16xi32>], vector<16xf32>,
          %get3A_318 = arith.constant 0 : i32
          %get3A_319 = arith.constant 1 : i32
          %get3A_320 = arith.constant 7 : i32
          %get3A_321 = arith.index_cast %get3A_318 : i32 to index
          %get3A_322 = arith.index_cast %get3A_319 : i32 to index
          %get3A_323 = arith.index_cast %get3A_320 : i32 to index
          %get3A_324 = arith.index_cast %mul3A_134 : i32 to index
          %get3A_325 = tpu.vector_load %arg5[%get3A_321, %get3A_322, %get3A_323, %get3A_324] {strides = array<i32>} : memref<2x2x8x1024xf32, #tpu.memory_space<vmem>>, vector<16xf32>,
          %add3A_326 = arith.constant 15 : i32
          %add3A_327 = arith.addi %mul3A_138, %add3A_326 : i32
          %add3A_328 = vector.broadcast %add3A_327 : i32 to vector<16xi32>
          %add3A_329 = arith.addi %mul3A_8, %add3A_328 : vector<16xi32>
          tpu.vector_store_idx %arg6[%add3A_329], %get3A_325 : memref<16384xf32, #tpu.memory_space<vmem>>[vector<16xi32>], vector<16xf32>,
          %scan3A_330 = arith.constant 0 : i32
          %scan3A_331 = arith.constant 1 : i32
          %scan3A_332 = arith.addi %scan3A_131, %scan3A_331 : i32
          %mul3A_333 = arith.constant 16 : i32
          %mul3A_334 = arith.muli %scan3A_332, %mul3A_333 : i32
          %mul3A_335 = arith.constant 16 : i32
          %mul3A_336 = arith.muli %scan3A_332, %mul3A_335 : i32
          %mul3A_337 = arith.constant 16 : i32
          %mul3A_338 = arith.muli %mul3A_336, %mul3A_337 : i32
          %get3A_339 = arith.constant 0 : i32
          %get3A_340 = arith.constant 0 : i32
          %get3A_341 = arith.constant 0 : i32
          %get3A_342 = arith.index_cast %get3A_339 : i32 to index
          %get3A_343 = arith.index_cast %get3A_340 : i32 to index
          %get3A_344 = arith.index_cast %get3A_341 : i32 to index
          %get3A_345 = arith.index_cast %mul3A_334 : i32 to index
          %get3A_346 = tpu.vector_load %arg5[%get3A_342, %get3A_343, %get3A_344, %get3A_345] {strides = array<i32>} : memref<2x2x8x1024xf32, #tpu.memory_space<vmem>>, vector<16xf32>,
          %add3A_347 = arith.constant 0 : i32
          %add3A_348 = arith.addi %mul3A_338, %add3A_347 : i32
          %add3A_349 = vector.broadcast %add3A_348 : i32 to vector<16xi32>
          %add3A_350 = arith.addi %mul3A_8, %add3A_349 : vector<16xi32>
          tpu.vector_store_idx %arg6[%add3A_350], %get3A_346 : memref<16384xf32, #tpu.memory_space<vmem>>[vector<16xi32>], vector<16xf32>,
          %get3A_351 = arith.constant 0 : i32
          %get3A_352 = arith.constant 0 : i32
          %get3A_353 = arith.constant 1 : i32
          %get3A_354 = arith.index_cast %get3A_351 : i32 to index
          %get3A_355 = arith.index_cast %get3A_352 : i32 to index
          %get3A_356 = arith.index_cast %get3A_353 : i32 to index
          %get3A_357 = arith.index_cast %mul3A_334 : i32 to index
          %get3A_358 = tpu.vector_load %arg5[%get3A_354, %get3A_355, %get3A_356, %get3A_357] {strides = array<i32>} : memref<2x2x8x1024xf32, #tpu.memory_space<vmem>>, vector<16xf32>,
          %add3A_359 = arith.constant 1 : i32
          %add3A_360 = arith.addi %mul3A_338, %add3A_359 : i32
          %add3A_361 = vector.broadcast %add3A_360 : i32 to vector<16xi32>
          %add3A_362 = arith.addi %mul3A_8, %add3A_361 : vector<16xi32>
          tpu.vector_store_idx %arg6[%add3A_362], %get3A_358 : memref<16384xf32, #tpu.memory_space<vmem>>[vector<16xi32>], vector<16xf32>,
          %get3A_363 = arith.constant 0 : i32
          %get3A_364 = arith.constant 0 : i32
          %get3A_365 = arith.constant 2 : i32
          %get3A_366 = arith.index_cast %get3A_363 : i32 to index
          %get3A_367 = arith.index_cast %get3A_364 : i32 to index
          %get3A_368 = arith.index_cast %get3A_365 : i32 to index
          %get3A_369 = arith.index_cast %mul3A_334 : i32 to index
          %get3A_370 = tpu.vector_load %arg5[%get3A_366, %get3A_367, %get3A_368, %get3A_369] {strides = array<i32>} : memref<2x2x8x1024xf32, #tpu.memory_space<vmem>>, vector<16xf32>,
          %add3A_371 = arith.constant 2 : i32
          %add3A_372 = arith.addi %mul3A_338, %add3A_371 : i32
          %add3A_373 = vector.broadcast %add3A_372 : i32 to vector<16xi32>
          %add3A_374 = arith.addi %mul3A_8, %add3A_373 : vector<16xi32>
          tpu.vector_store_idx %arg6[%add3A_374], %get3A_370 : memref<16384xf32, #tpu.memory_space<vmem>>[vector<16xi32>], vector<16xf32>,
          %get3A_375 = arith.constant 0 : i32
          %get3A_376 = arith.constant 0 : i32
          %get3A_377 = arith.constant 3 : i32
          %get3A_378 = arith.index_cast %get3A_375 : i32 to index
          %get3A_379 = arith.index_cast %get3A_376 : i32 to index
          %get3A_380 = arith.index_cast %get3A_377 : i32 to index
          %get3A_381 = arith.index_cast %mul3A_334 : i32 to index
          %get3A_382 = tpu.vector_load %arg5[%get3A_378, %get3A_379, %get3A_380, %get3A_381] {strides = array<i32>} : memref<2x2x8x1024xf32, #tpu.memory_space<vmem>>, vector<16xf32>,
          %add3A_383 = arith.constant 3 : i32
          %add3A_384 = arith.addi %mul3A_338, %add3A_383 : i32
          %add3A_385 = vector.broadcast %add3A_384 : i32 to vector<16xi32>
          %add3A_386 = arith.addi %mul3A_8, %add3A_385 : vector<16xi32>
          tpu.vector_store_idx %arg6[%add3A_386], %get3A_382 : memref<16384xf32, #tpu.memory_space<vmem>>[vector<16xi32>], vector<16xf32>,
          %get3A_387 = arith.constant 0 : i32
          %get3A_388 = arith.constant 0 : i32
          %get3A_389 = arith.constant 4 : i32
          %get3A_390 = arith.index_cast %get3A_387 : i32 to index
          %get3A_391 = arith.index_cast %get3A_388 : i32 to index
          %get3A_392 = arith.index_cast %get3A_389 : i32 to index
          %get3A_393 = arith.index_cast %mul3A_334 : i32 to index
          %get3A_394 = tpu.vector_load %arg5[%get3A_390, %get3A_391, %get3A_392, %get3A_393] {strides = array<i32>} : memref<2x2x8x1024xf32, #tpu.memory_space<vmem>>, vector<16xf32>,
          %add3A_395 = arith.constant 4 : i32
          %add3A_396 = arith.addi %mul3A_338, %add3A_395 : i32
          %add3A_397 = vector.broadcast %add3A_396 : i32 to vector<16xi32>
          %add3A_398 = arith.addi %mul3A_8, %add3A_397 : vector<16xi32>
          tpu.vector_store_idx %arg6[%add3A_398], %get3A_394 : memref<16384xf32, #tpu.memory_space<vmem>>[vector<16xi32>], vector<16xf32>,
          %get3A_399 = arith.constant 0 : i32
          %get3A_400 = arith.constant 0 : i32
          %get3A_401 = arith.constant 5 : i32
          %get3A_402 = arith.index_cast %get3A_399 : i32 to index
          %get3A_403 = arith.index_cast %get3A_400 : i32 to index
          %get3A_404 = arith.index_cast %get3A_401 : i32 to index
          %get3A_405 = arith.index_cast %mul3A_334 : i32 to index
          %get3A_406 = tpu.vector_load %arg5[%get3A_402, %get3A_403, %get3A_404, %get3A_405] {strides = array<i32>} : memref<2x2x8x1024xf32, #tpu.memory_space<vmem>>, vector<16xf32>,
          %add3A_407 = arith.constant 5 : i32
          %add3A_408 = arith.addi %mul3A_338, %add3A_407 : i32
          %add3A_409 = vector.broadcast %add3A_408 : i32 to vector<16xi32>
          %add3A_410 = arith.addi %mul3A_8, %add3A_409 : vector<16xi32>
          tpu.vector_store_idx %arg6[%add3A_410], %get3A_406 : memref<16384xf32, #tpu.memory_space<vmem>>[vector<16xi32>], vector<16xf32>,
          %get3A_411 = arith.constant 0 : i32
          %get3A_412 = arith.constant 0 : i32
          %get3A_413 = arith.constant 6 : i32
          %get3A_414 = arith.index_cast %get3A_411 : i32 to index
          %get3A_415 = arith.index_cast %get3A_412 : i32 to index
          %get3A_416 = arith.index_cast %get3A_413 : i32 to index
          %get3A_417 = arith.index_cast %mul3A_334 : i32 to index
          %get3A_418 = tpu.vector_load %arg5[%get3A_414, %get3A_415, %get3A_416, %get3A_417] {strides = array<i32>} : memref<2x2x8x1024xf32, #tpu.memory_space<vmem>>, vector<16xf32>,
          %add3A_419 = arith.constant 6 : i32
          %add3A_420 = arith.addi %mul3A_338, %add3A_419 : i32
          %add3A_421 = vector.broadcast %add3A_420 : i32 to vector<16xi32>
          %add3A_422 = arith.addi %mul3A_8, %add3A_421 : vector<16xi32>
          tpu.vector_store_idx %arg6[%add3A_422], %get3A_418 : memref<16384xf32, #tpu.memory_space<vmem>>[vector<16xi32>], vector<16xf32>,
          %get3A_423 = arith.constant 0 : i32
          %get3A_424 = arith.constant 0 : i32
          %get3A_425 = arith.constant 7 : i32
          %get3A_426 = arith.index_cast %get3A_423 : i32 to index
          %get3A_427 = arith.index_cast %get3A_424 : i32 to index
          %get3A_428 = arith.index_cast %get3A_425 : i32 to index
          %get3A_429 = arith.index_cast %mul3A_334 : i32 to index
          %get3A_430 = tpu.vector_load %arg5[%get3A_426, %get3A_427, %get3A_428, %get3A_429] {strides = array<i32>} : memref<2x2x8x1024xf32, #tpu.memory_space<vmem>>, vector<16xf32>,
          %add3A_431 = arith.constant 7 : i32
          %add3A_432 = arith.addi %mul3A_338, %add3A_431 : i32
          %add3A_433 = vector.broadcast %add3A_432 : i32 to vector<16xi32>
          %add3A_434 = arith.addi %mul3A_8, %add3A_433 : vector<16xi32>
          tpu.vector_store_idx %arg6[%add3A_434], %get3A_430 : memref<16384xf32, #tpu.memory_space<vmem>>[vector<16xi32>], vector<16xf32>,
          %get3A_435 = arith.constant 0 : i32
          %get3A_436 = arith.constant 1 : i32
          %get3A_437 = arith.constant 0 : i32
          %get3A_438 = arith.index_cast %get3A_435 : i32 to index
          %get3A_439 = arith.index_cast %get3A_436 : i32 to index
          %get3A_440 = arith.index_cast %get3A_437 : i32 to index
          %get3A_441 = arith.index_cast %mul3A_334 : i32 to index
          %get3A_442 = tpu.vector_load %arg5[%get3A_438, %get3A_439, %get3A_440, %get3A_441] {strides = array<i32>} : memref<2x2x8x1024xf32, #tpu.memory_space<vmem>>, vector<16xf32>,
          %add3A_443 = arith.constant 8 : i32
          %add3A_444 = arith.addi %mul3A_338, %add3A_443 : i32
          %add3A_445 = vector.broadcast %add3A_444 : i32 to vector<16xi32>
          %add3A_446 = arith.addi %mul3A_8, %add3A_445 : vector<16xi32>
          tpu.vector_store_idx %arg6[%add3A_446], %get3A_442 : memref<16384xf32, #tpu.memory_space<vmem>>[vector<16xi32>], vector<16xf32>,
          %get3A_447 = arith.constant 0 : i32
          %get3A_448 = arith.constant 1 : i32
          %get3A_449 = arith.constant 1 : i32
          %get3A_450 = arith.index_cast %get3A_447 : i32 to index
          %get3A_451 = arith.index_cast %get3A_448 : i32 to index
          %get3A_452 = arith.index_cast %get3A_449 : i32 to index
          %get3A_453 = arith.index_cast %mul3A_334 : i32 to index
          %get3A_454 = tpu.vector_load %arg5[%get3A_450, %get3A_451, %get3A_452, %get3A_453] {strides = array<i32>} : memref<2x2x8x1024xf32, #tpu.memory_space<vmem>>, vector<16xf32>,
          %add3A_455 = arith.constant 9 : i32
          %add3A_456 = arith.addi %mul3A_338, %add3A_455 : i32
          %add3A_457 = vector.broadcast %add3A_456 : i32 to vector<16xi32>
          %add3A_458 = arith.addi %mul3A_8, %add3A_457 : vector<16xi32>
          tpu.vector_store_idx %arg6[%add3A_458], %get3A_454 : memref<16384xf32, #tpu.memory_space<vmem>>[vector<16xi32>], vector<16xf32>,
          %get3A_459 = arith.constant 0 : i32
          %get3A_460 = arith.constant 1 : i32
          %get3A_461 = arith.constant 2 : i32
          %get3A_462 = arith.index_cast %get3A_459 : i32 to index
          %get3A_463 = arith.index_cast %get3A_460 : i32 to index
          %get3A_464 = arith.index_cast %get3A_461 : i32 to index
          %get3A_465 = arith.index_cast %mul3A_334 : i32 to index
          %get3A_466 = tpu.vector_load %arg5[%get3A_462, %get3A_463, %get3A_464, %get3A_465] {strides = array<i32>} : memref<2x2x8x1024xf32, #tpu.memory_space<vmem>>, vector<16xf32>,
          %add3A_467 = arith.constant 10 : i32
          %add3A_468 = arith.addi %mul3A_338, %add3A_467 : i32
          %add3A_469 = vector.broadcast %add3A_468 : i32 to vector<16xi32>
          %add3A_470 = arith.addi %mul3A_8, %add3A_469 : vector<16xi32>
          tpu.vector_store_idx %arg6[%add3A_470], %get3A_466 : memref<16384xf32, #tpu.memory_space<vmem>>[vector<16xi32>], vector<16xf32>,
          %get3A_471 = arith.constant 0 : i32
          %get3A_472 = arith.constant 1 : i32
          %get3A_473 = arith.constant 3 : i32
          %get3A_474 = arith.index_cast %get3A_471 : i32 to index
          %get3A_475 = arith.index_cast %get3A_472 : i32 to index
          %get3A_476 = arith.index_cast %get3A_473 : i32 to index
          %get3A_477 = arith.index_cast %mul3A_334 : i32 to index
          %get3A_478 = tpu.vector_load %arg5[%get3A_474, %get3A_475, %get3A_476, %get3A_477] {strides = array<i32>} : memref<2x2x8x1024xf32, #tpu.memory_space<vmem>>, vector<16xf32>,
          %add3A_479 = arith.constant 11 : i32
          %add3A_480 = arith.addi %mul3A_338, %add3A_479 : i32
          %add3A_481 = vector.broadcast %add3A_480 : i32 to vector<16xi32>
          %add3A_482 = arith.addi %mul3A_8, %add3A_481 : vector<16xi32>
          tpu.vector_store_idx %arg6[%add3A_482], %get3A_478 : memref<16384xf32, #tpu.memory_space<vmem>>[vector<16xi32>], vector<16xf32>,
          %get3A_483 = arith.constant 0 : i32
          %get3A_484 = arith.constant 1 : i32
          %get3A_485 = arith.constant 4 : i32
          %get3A_486 = arith.index_cast %get3A_483 : i32 to index
          %get3A_487 = arith.index_cast %get3A_484 : i32 to index
          %get3A_488 = arith.index_cast %get3A_485 : i32 to index
          %get3A_489 = arith.index_cast %mul3A_334 : i32 to index
          %get3A_490 = tpu.vector_load %arg5[%get3A_486, %get3A_487, %get3A_488, %get3A_489] {strides = array<i32>} : memref<2x2x8x1024xf32, #tpu.memory_space<vmem>>, vector<16xf32>,
          %add3A_491 = arith.constant 12 : i32
          %add3A_492 = arith.addi %mul3A_338, %add3A_491 : i32
          %add3A_493 = vector.broadcast %add3A_492 : i32 to vector<16xi32>
          %add3A_494 = arith.addi %mul3A_8, %add3A_493 : vector<16xi32>
          tpu.vector_store_idx %arg6[%add3A_494], %get3A_490 : memref<16384xf32, #tpu.memory_space<vmem>>[vector<16xi32>], vector<16xf32>,
          %get3A_495 = arith.constant 0 : i32
          %get3A_496 = arith.constant 1 : i32
          %get3A_497 = arith.constant 5 : i32
          %get3A_498 = arith.index_cast %get3A_495 : i32 to index
          %get3A_499 = arith.index_cast %get3A_496 : i32 to index
          %get3A_500 = arith.index_cast %get3A_497 : i32 to index
          %get3A_501 = arith.index_cast %mul3A_334 : i32 to index
          %get3A_502 = tpu.vector_load %arg5[%get3A_498, %get3A_499, %get3A_500, %get3A_501] {strides = array<i32>} : memref<2x2x8x1024xf32, #tpu.memory_space<vmem>>, vector<16xf32>,
          %add3A_503 = arith.constant 13 : i32
          %add3A_504 = arith.addi %mul3A_338, %add3A_503 : i32
          %add3A_505 = vector.broadcast %add3A_504 : i32 to vector<16xi32>
          %add3A_506 = arith.addi %mul3A_8, %add3A_505 : vector<16xi32>
          tpu.vector_store_idx %arg6[%add3A_506], %get3A_502 : memref<16384xf32, #tpu.memory_space<vmem>>[vector<16xi32>], vector<16xf32>,
          %get3A_507 = arith.constant 0 : i32
          %get3A_508 = arith.constant 1 : i32
          %get3A_509 = arith.constant 6 : i32
          %get3A_510 = arith.index_cast %get3A_507 : i32 to index
          %get3A_511 = arith.index_cast %get3A_508 : i32 to index
          %get3A_512 = arith.index_cast %get3A_509 : i32 to index
          %get3A_513 = arith.index_cast %mul3A_334 : i32 to index
          %get3A_514 = tpu.vector_load %arg5[%get3A_510, %get3A_511, %get3A_512, %get3A_513] {strides = array<i32>} : memref<2x2x8x1024xf32, #tpu.memory_space<vmem>>, vector<16xf32>,
          %add3A_515 = arith.constant 14 : i32
          %add3A_516 = arith.addi %mul3A_338, %add3A_515 : i32
          %add3A_517 = vector.broadcast %add3A_516 : i32 to vector<16xi32>
          %add3A_518 = arith.addi %mul3A_8, %add3A_517 : vector<16xi32>
          tpu.vector_store_idx %arg6[%add3A_518], %get3A_514 : memref<16384xf32, #tpu.memory_space<vmem>>[vector<16xi32>], vector<16xf32>,
          %get3A_519 = arith.constant 0 : i32
          %get3A_520 = arith.constant 1 : i32
          %get3A_521 = arith.constant 7 : i32
          %get3A_522 = arith.index_cast %get3A_519 : i32 to index
          %get3A_523 = arith.index_cast %get3A_520 : i32 to index
          %get3A_524 = arith.index_cast %get3A_521 : i32 to index
          %get3A_525 = arith.index_cast %mul3A_334 : i32 to index
          %get3A_526 = tpu.vector_load %arg5[%get3A_522, %get3A_523, %get3A_524, %get3A_525] {strides = array<i32>} : memref<2x2x8x1024xf32, #tpu.memory_space<vmem>>, vector<16xf32>,
          %add3A_527 = arith.constant 15 : i32
          %add3A_528 = arith.addi %mul3A_338, %add3A_527 : i32
          %add3A_529 = vector.broadcast %add3A_528 : i32 to vector<16xi32>
          %add3A_530 = arith.addi %mul3A_8, %add3A_529 : vector<16xi32>
          tpu.vector_store_idx %arg6[%add3A_530], %get3A_526 : memref<16384xf32, #tpu.memory_space<vmem>>[vector<16xi32>], vector<16xf32>,
          %scan3A_531 = arith.constant 0 : i32
          scf.yield %scan3A_531 : i32
        }
        %scan3A_123 = arith.constant 64 : i32
        %mul3A_124 = arith.constant 80 : i32
        %mul3A_125 = arith.muli %add3A, %mul3A_124 : i32
        %add3A_126 = arith.addi %mul3A_125, %add3A_62 : i32
        %mul3A_127 = arith.constant 16384 : i32
        %mul3A_128 = arith.muli %add3A_126, %mul3A_127 : i32
        %dma_start3A_129 = tpu.memref_slice %arg4[%mul3A_128] : memref<41600000xf32, #tpu.memory_space<hbm>> -> memref<16384xf32, #tpu.memory_space<hbm>>
        %dma_start3A_130 = tpu.memref_slice %arg4[%mul3A_128] : memref<41600000xf32, #tpu.memory_space<hbm>> -> memref<16384xf32, #tpu.memory_space<hbm>>
        tpu.enqueue_dma source(%arg6 : memref<16384xf32, #tpu.memory_space<vmem>>) target(%dma_start3A_130 : memref<16384xf32, #tpu.memory_space<hbm>>) target_semaphore(%arg10 : memref<!tpu.dma_semaphore, #tpu.memory_space<semaphore_mem>>)
      } else {
      }
      %mul3A_66 = arith.constant 2 : i32
      %mul3A_67 = arith.muli %mul3A_66, %scan3A_57 : i32
      %add3A_68 = arith.constant 1 : i32
      %add3A_69 = arith.addi %mul3A_67, %add3A_68 : i32
      %lt3A_70 = arith.cmpi slt, %add3A_69, %min3A_5 : i32
      %convert_element_type3A_71 = arith.extui %lt3A_70 : i1 to i32
      %cond3A_72 = arith.constant 0 : i32
      %cond3A_73 = arith.cmpi ne, %convert_element_type3A_71, %cond3A_72 : i32
      scf.if %cond3A_73 {
        %dma_wait3A_75 = arith.constant 1 : i32
        %dma_wait3A_76 = arith.constant 0 : i32
        %dma_wait3A_77 = arith.constant 0 : i32
        %dma_wait3A_78 = arith.constant 0 : i32
        %dma_wait3A_79 = tpu.memref_slice %arg5[%dma_wait3A_75, %dma_wait3A_76, %dma_wait3A_77, %dma_wait3A_78] : memref<2x2x8x1024xf32, #tpu.memory_space<vmem>> -> memref<1x1x8x1024xf32, #tpu.memory_space<vmem>>
        %dma_wait3A_80 = tpu.memref_squeeze %dma_wait3A_79 : memref<1x1x8x1024xf32, #tpu.memory_space<vmem>> -> memref<8x1024xf32, #tpu.memory_space<vmem>>
        %dma_wait3A_81 = arith.constant 0 : i32
        %dma_wait3A_82 = arith.constant 0 : i32
        %dma_wait3A_83 = tpu.memref_slice %arg2[%dma_wait3A_81, %dma_wait3A_82] : memref<16x2600000xf32, #tpu.memory_space<hbm>> -> memref<8x1024xf32, #tpu.memory_space<hbm>>
        %dma_wait3A_84 = arith.constant 0 : i32
        %dma_wait3A_85 = arith.constant 0 : i32
        %dma_wait3A_86 = tpu.memref_slice %arg5[%dma_wait3A_75, %dma_wait3A_76, %dma_wait3A_84, %dma_wait3A_85] : memref<2x2x8x1024xf32, #tpu.memory_space<vmem>> -> memref<1x1x8x1024xf32, #tpu.memory_space<vmem>>
        %dma_wait3A_87 = tpu.memref_squeeze %dma_wait3A_86 : memref<1x1x8x1024xf32, #tpu.memory_space<vmem>> -> memref<8x1024xf32, #tpu.memory_space<vmem>>
        %dma_wait3A_88 = arith.constant 0 : i32
        %dma_wait3A_89 = arith.constant 0 : i32
        %dma_wait3A_90 = tpu.memref_slice %arg2[%dma_wait3A_88, %dma_wait3A_89] : memref<16x2600000xf32, #tpu.memory_space<hbm>> -> memref<8x1024xf32, #tpu.memory_space<hbm>>
        tpu.wait_dma2 semaphore(%arg8 : memref<!tpu.dma_semaphore, #tpu.memory_space<semaphore_mem>>) src(%dma_wait3A_90 : memref<8x1024xf32, #tpu.memory_space<hbm>>) dst(%dma_wait3A_87 : memref<8x1024xf32, #tpu.memory_space<vmem>>)
        %dma_wait3A_91 = arith.constant 1 : i32
        %dma_wait3A_92 = arith.constant 1 : i32
        %dma_wait3A_93 = arith.constant 0 : i32
        %dma_wait3A_94 = arith.constant 0 : i32
        %dma_wait3A_95 = tpu.memref_slice %arg5[%dma_wait3A_91, %dma_wait3A_92, %dma_wait3A_93, %dma_wait3A_94] : memref<2x2x8x1024xf32, #tpu.memory_space<vmem>> -> memref<1x1x8x1024xf32, #tpu.memory_space<vmem>>
        %dma_wait3A_96 = tpu.memref_squeeze %dma_wait3A_95 : memref<1x1x8x1024xf32, #tpu.memory_space<vmem>> -> memref<8x1024xf32, #tpu.memory_space<vmem>>
        %dma_wait3A_97 = arith.constant 8 : i32
        %dma_wait3A_98 = arith.constant 0 : i32
        %dma_wait3A_99 = tpu.memref_slice %arg2[%dma_wait3A_97, %dma_wait3A_98] : memref<16x2600000xf32, #tpu.memory_space<hbm>> -> memref<8x1024xf32, #tpu.memory_space<hbm>>
        %dma_wait3A_100 = arith.constant 0 : i32
        %dma_wait3A_101 = arith.constant 0 : i32
        %dma_wait3A_102 = tpu.memref_slice %arg5[%dma_wait3A_91, %dma_wait3A_92, %dma_wait3A_100, %dma_wait3A_101] : memref<2x2x8x1024xf32, #tpu.memory_space<vmem>> -> memref<1x1x8x1024xf32, #tpu.memory_space<vmem>>
        %dma_wait3A_103 = tpu.memref_squeeze %dma_wait3A_102 : memref<1x1x8x1024xf32, #tpu.memory_space<vmem>> -> memref<8x1024xf32, #tpu.memory_space<vmem>>
        %dma_wait3A_104 = arith.constant 8 : i32
        %dma_wait3A_105 = arith.constant 0 : i32
        %dma_wait3A_106 = tpu.memref_slice %arg2[%dma_wait3A_104, %dma_wait3A_105] : memref<16x2600000xf32, #tpu.memory_space<hbm>> -> memref<8x1024xf32, #tpu.memory_space<hbm>>
        tpu.wait_dma2 semaphore(%arg8 : memref<!tpu.dma_semaphore, #tpu.memory_space<semaphore_mem>>) src(%dma_wait3A_106 : memref<8x1024xf32, #tpu.memory_space<hbm>>) dst(%dma_wait3A_103 : memref<8x1024xf32, #tpu.memory_space<vmem>>)
        %add3A_107 = arith.constant 1 : i32
        %add3A_108 = arith.addi %add3A_69, %add3A_107 : i32
        %lt3A_109 = arith.cmpi slt, %add3A_108, %min3A_5 : i32
        %convert_element_type3A_110 = arith.extui %lt3A_109 : i1 to i32
        %cond3A_111 = arith.constant 0 : i32
        %cond3A_112 = arith.cmpi ne, %convert_element_type3A_110, %cond3A_111 : i32
        scf.if %cond3A_112 {
          %add3A_131 = arith.constant 1 : i32
          %add3A_132 = arith.addi %add3A_69, %add3A_131 : i32
          %mul3A_133 = arith.constant 80 : i32
          %mul3A_134 = arith.muli %add3A, %mul3A_133 : i32
          %add3A_135 = arith.addi %mul3A_134, %add3A_132 : i32
          %mul3A_136 = arith.constant 1024 : i32
          %mul3A_137 = arith.muli %add3A_135, %mul3A_136 : i32
          %dma_start3A_138 = arith.constant 0 : i32
          %dma_start3A_139 = arith.constant 0 : i32
          %dma_start3A_140 = arith.constant 0 : i32
          %dma_start3A_141 = arith.constant 0 : i32
          %dma_start3A_142 = tpu.memref_slice %arg5[%dma_start3A_138, %dma_start3A_139, %dma_start3A_140, %dma_start3A_141] : memref<2x2x8x1024xf32, #tpu.memory_space<vmem>> -> memref<1x1x8x1024xf32, #tpu.memory_space<vmem>>
          %dma_start3A_143 = tpu.memref_squeeze %dma_start3A_142 : memref<1x1x8x1024xf32, #tpu.memory_space<vmem>> -> memref<8x1024xf32, #tpu.memory_space<vmem>>
          %dma_start3A_144 = arith.constant 0 : i32
          %dma_start3A_145 = tpu.memref_slice %arg2[%dma_start3A_144, %mul3A_137] : memref<16x2600000xf32, #tpu.memory_space<hbm>> -> memref<8x1024xf32, #tpu.memory_space<hbm>>
          %dma_start3A_146 = arith.constant 0 : i32
          %dma_start3A_147 = arith.constant 0 : i32
          %dma_start3A_148 = tpu.memref_slice %arg5[%dma_start3A_138, %dma_start3A_139, %dma_start3A_146, %dma_start3A_147] : memref<2x2x8x1024xf32, #tpu.memory_space<vmem>> -> memref<1x1x8x1024xf32, #tpu.memory_space<vmem>>
          %dma_start3A_149 = tpu.memref_squeeze %dma_start3A_148 : memref<1x1x8x1024xf32, #tpu.memory_space<vmem>> -> memref<8x1024xf32, #tpu.memory_space<vmem>>
          %dma_start3A_150 = arith.constant 0 : i32
          %dma_start3A_151 = tpu.memref_slice %arg2[%dma_start3A_150, %mul3A_137] : memref<16x2600000xf32, #tpu.memory_space<hbm>> -> memref<8x1024xf32, #tpu.memory_space<hbm>>
          tpu.enqueue_dma source(%dma_start3A_151 : memref<8x1024xf32, #tpu.memory_space<hbm>>) target(%dma_start3A_149 : memref<8x1024xf32, #tpu.memory_space<vmem>>) target_semaphore(%arg8 : memref<!tpu.dma_semaphore, #tpu.memory_space<semaphore_mem>>)
          %dma_start3A_152 = arith.constant 0 : i32
          %dma_start3A_153 = arith.constant 1 : i32
          %dma_start3A_154 = arith.constant 0 : i32
          %dma_start3A_155 = arith.constant 0 : i32
          %dma_start3A_156 = tpu.memref_slice %arg5[%dma_start3A_152, %dma_start3A_153, %dma_start3A_154, %dma_start3A_155] : memref<2x2x8x1024xf32, #tpu.memory_space<vmem>> -> memref<1x1x8x1024xf32, #tpu.memory_space<vmem>>
          %dma_start3A_157 = tpu.memref_squeeze %dma_start3A_156 : memref<1x1x8x1024xf32, #tpu.memory_space<vmem>> -> memref<8x1024xf32, #tpu.memory_space<vmem>>
          %dma_start3A_158 = arith.constant 8 : i32
          %dma_start3A_159 = tpu.memref_slice %arg2[%dma_start3A_158, %mul3A_137] : memref<16x2600000xf32, #tpu.memory_space<hbm>> -> memref<8x1024xf32, #tpu.memory_space<hbm>>
          %dma_start3A_160 = arith.constant 0 : i32
          %dma_start3A_161 = arith.constant 0 : i32
          %dma_start3A_162 = tpu.memref_slice %arg5[%dma_start3A_152, %dma_start3A_153, %dma_start3A_160, %dma_start3A_161] : memref<2x2x8x1024xf32, #tpu.memory_space<vmem>> -> memref<1x1x8x1024xf32, #tpu.memory_space<vmem>>
          %dma_start3A_163 = tpu.memref_squeeze %dma_start3A_162 : memref<1x1x8x1024xf32, #tpu.memory_space<vmem>> -> memref<8x1024xf32, #tpu.memory_space<vmem>>
          %dma_start3A_164 = arith.constant 8 : i32
          %dma_start3A_165 = tpu.memref_slice %arg2[%dma_start3A_164, %mul3A_137] : memref<16x2600000xf32, #tpu.memory_space<hbm>> -> memref<8x1024xf32, #tpu.memory_space<hbm>>
          tpu.enqueue_dma source(%dma_start3A_165 : memref<8x1024xf32, #tpu.memory_space<hbm>>) target(%dma_start3A_163 : memref<8x1024xf32, #tpu.memory_space<vmem>>) target_semaphore(%arg8 : memref<!tpu.dma_semaphore, #tpu.memory_space<semaphore_mem>>)
        } else {
        }
        %ge3A = arith.constant 2 : i32
        %ge3A_113 = arith.cmpi sge, %add3A_69, %ge3A : i32
        %convert_element_type3A_114 = arith.extui %ge3A_113 : i1 to i32
        %cond3A_115 = arith.constant 0 : i32
        %cond3A_116 = arith.cmpi ne, %convert_element_type3A_114, %cond3A_115 : i32
        scf.if %cond3A_116 {
          %dma_wait3A_131 = arith.constant 0 : i32
          %dma_wait3A_132 = tpu.memref_slice %arg4[%dma_wait3A_131] : memref<41600000xf32, #tpu.memory_space<hbm>> -> memref<16384xf32, #tpu.memory_space<hbm>>
          %dma_wait3A_133 = arith.constant 0 : i32
          %dma_wait3A_134 = tpu.memref_slice %arg4[%dma_wait3A_133] : memref<41600000xf32, #tpu.memory_space<hbm>> -> memref<16384xf32, #tpu.memory_space<hbm>>
          tpu.wait_dma2 semaphore(%arg11 : memref<!tpu.dma_semaphore, #tpu.memory_space<semaphore_mem>>) src(%arg7 : memref<16384xf32, #tpu.memory_space<vmem>>) dst(%dma_wait3A_134 : memref<16384xf32, #tpu.memory_space<hbm>>)
        } else {
        }
        %scan3A_117 = arith.constant 0 : i32
        %scan3A_118 = arith.constant 0 : i32
        %scan3A_119 = arith.constant 64 : i32
        %scan3A_120 = arith.addi %scan3A_118, %scan3A_119 : i32
        %scan3A_121 = arith.constant 2 : i32
        %scan3A_122 = scf.for %scan3A_131 = %scan3A_118 to %scan3A_120 step %scan3A_121 iter_args(%scan3A_132 = %scan3A_117) -> (i32)  : i32 {
          %mul3A_133 = arith.constant 16 : i32
          %mul3A_134 = arith.muli %scan3A_131, %mul3A_133 : i32
          %mul3A_135 = arith.constant 16 : i32
          %mul3A_136 = arith.muli %scan3A_131, %mul3A_135 : i32
          %mul3A_137 = arith.constant 16 : i32
          %mul3A_138 = arith.muli %mul3A_136, %mul3A_137 : i32
          %get3A = arith.constant 1 : i32
          %get3A_139 = arith.constant 0 : i32
          %get3A_140 = arith.constant 0 : i32
          %get3A_141 = arith.index_cast %get3A : i32 to index
          %get3A_142 = arith.index_cast %get3A_139 : i32 to index
          %get3A_143 = arith.index_cast %get3A_140 : i32 to index
          %get3A_144 = arith.index_cast %mul3A_134 : i32 to index
          %get3A_145 = tpu.vector_load %arg5[%get3A_141, %get3A_142, %get3A_143, %get3A_144] {strides = array<i32>} : memref<2x2x8x1024xf32, #tpu.memory_space<vmem>>, vector<16xf32>,
          %add3A_146 = arith.constant 0 : i32
          %add3A_147 = arith.addi %mul3A_138, %add3A_146 : i32
          %add3A_148 = vector.broadcast %add3A_147 : i32 to vector<16xi32>
          %add3A_149 = arith.addi %mul3A_8, %add3A_148 : vector<16xi32>
          tpu.vector_store_idx %arg7[%add3A_149], %get3A_145 : memref<16384xf32, #tpu.memory_space<vmem>>[vector<16xi32>], vector<16xf32>,
          %get3A_150 = arith.constant 1 : i32
          %get3A_151 = arith.constant 0 : i32
          %get3A_152 = arith.constant 1 : i32
          %get3A_153 = arith.index_cast %get3A_150 : i32 to index
          %get3A_154 = arith.index_cast %get3A_151 : i32 to index
          %get3A_155 = arith.index_cast %get3A_152 : i32 to index
          %get3A_156 = arith.index_cast %mul3A_134 : i32 to index
          %get3A_157 = tpu.vector_load %arg5[%get3A_153, %get3A_154, %get3A_155, %get3A_156] {strides = array<i32>} : memref<2x2x8x1024xf32, #tpu.memory_space<vmem>>, vector<16xf32>,
          %add3A_158 = arith.constant 1 : i32
          %add3A_159 = arith.addi %mul3A_138, %add3A_158 : i32
          %add3A_160 = vector.broadcast %add3A_159 : i32 to vector<16xi32>
          %add3A_161 = arith.addi %mul3A_8, %add3A_160 : vector<16xi32>
          tpu.vector_store_idx %arg7[%add3A_161], %get3A_157 : memref<16384xf32, #tpu.memory_space<vmem>>[vector<16xi32>], vector<16xf32>,
          %get3A_162 = arith.constant 1 : i32
          %get3A_163 = arith.constant 0 : i32
          %get3A_164 = arith.constant 2 : i32
          %get3A_165 = arith.index_cast %get3A_162 : i32 to index
          %get3A_166 = arith.index_cast %get3A_163 : i32 to index
          %get3A_167 = arith.index_cast %get3A_164 : i32 to index
          %get3A_168 = arith.index_cast %mul3A_134 : i32 to index
          %get3A_169 = tpu.vector_load %arg5[%get3A_165, %get3A_166, %get3A_167, %get3A_168] {strides = array<i32>} : memref<2x2x8x1024xf32, #tpu.memory_space<vmem>>, vector<16xf32>,
          %add3A_170 = arith.constant 2 : i32
          %add3A_171 = arith.addi %mul3A_138, %add3A_170 : i32
          %add3A_172 = vector.broadcast %add3A_171 : i32 to vector<16xi32>
          %add3A_173 = arith.addi %mul3A_8, %add3A_172 : vector<16xi32>
          tpu.vector_store_idx %arg7[%add3A_173], %get3A_169 : memref<16384xf32, #tpu.memory_space<vmem>>[vector<16xi32>], vector<16xf32>,
          %get3A_174 = arith.constant 1 : i32
          %get3A_175 = arith.constant 0 : i32
          %get3A_176 = arith.constant 3 : i32
          %get3A_177 = arith.index_cast %get3A_174 : i32 to index
          %get3A_178 = arith.index_cast %get3A_175 : i32 to index
          %get3A_179 = arith.index_cast %get3A_176 : i32 to index
          %get3A_180 = arith.index_cast %mul3A_134 : i32 to index
          %get3A_181 = tpu.vector_load %arg5[%get3A_177, %get3A_178, %get3A_179, %get3A_180] {strides = array<i32>} : memref<2x2x8x1024xf32, #tpu.memory_space<vmem>>, vector<16xf32>,
          %add3A_182 = arith.constant 3 : i32
          %add3A_183 = arith.addi %mul3A_138, %add3A_182 : i32
          %add3A_184 = vector.broadcast %add3A_183 : i32 to vector<16xi32>
          %add3A_185 = arith.addi %mul3A_8, %add3A_184 : vector<16xi32>
          tpu.vector_store_idx %arg7[%add3A_185], %get3A_181 : memref<16384xf32, #tpu.memory_space<vmem>>[vector<16xi32>], vector<16xf32>,
          %get3A_186 = arith.constant 1 : i32
          %get3A_187 = arith.constant 0 : i32
          %get3A_188 = arith.constant 4 : i32
          %get3A_189 = arith.index_cast %get3A_186 : i32 to index
          %get3A_190 = arith.index_cast %get3A_187 : i32 to index
          %get3A_191 = arith.index_cast %get3A_188 : i32 to index
          %get3A_192 = arith.index_cast %mul3A_134 : i32 to index
          %get3A_193 = tpu.vector_load %arg5[%get3A_189, %get3A_190, %get3A_191, %get3A_192] {strides = array<i32>} : memref<2x2x8x1024xf32, #tpu.memory_space<vmem>>, vector<16xf32>,
          %add3A_194 = arith.constant 4 : i32
          %add3A_195 = arith.addi %mul3A_138, %add3A_194 : i32
          %add3A_196 = vector.broadcast %add3A_195 : i32 to vector<16xi32>
          %add3A_197 = arith.addi %mul3A_8, %add3A_196 : vector<16xi32>
          tpu.vector_store_idx %arg7[%add3A_197], %get3A_193 : memref<16384xf32, #tpu.memory_space<vmem>>[vector<16xi32>], vector<16xf32>,
          %get3A_198 = arith.constant 1 : i32
          %get3A_199 = arith.constant 0 : i32
          %get3A_200 = arith.constant 5 : i32
          %get3A_201 = arith.index_cast %get3A_198 : i32 to index
          %get3A_202 = arith.index_cast %get3A_199 : i32 to index
          %get3A_203 = arith.index_cast %get3A_200 : i32 to index
          %get3A_204 = arith.index_cast %mul3A_134 : i32 to index
          %get3A_205 = tpu.vector_load %arg5[%get3A_201, %get3A_202, %get3A_203, %get3A_204] {strides = array<i32>} : memref<2x2x8x1024xf32, #tpu.memory_space<vmem>>, vector<16xf32>,
          %add3A_206 = arith.constant 5 : i32
          %add3A_207 = arith.addi %mul3A_138, %add3A_206 : i32
          %add3A_208 = vector.broadcast %add3A_207 : i32 to vector<16xi32>
          %add3A_209 = arith.addi %mul3A_8, %add3A_208 : vector<16xi32>
          tpu.vector_store_idx %arg7[%add3A_209], %get3A_205 : memref<16384xf32, #tpu.memory_space<vmem>>[vector<16xi32>], vector<16xf32>,
          %get3A_210 = arith.constant 1 : i32
          %get3A_211 = arith.constant 0 : i32
          %get3A_212 = arith.constant 6 : i32
          %get3A_213 = arith.index_cast %get3A_210 : i32 to index
          %get3A_214 = arith.index_cast %get3A_211 : i32 to index
          %get3A_215 = arith.index_cast %get3A_212 : i32 to index
          %get3A_216 = arith.index_cast %mul3A_134 : i32 to index
          %get3A_217 = tpu.vector_load %arg5[%get3A_213, %get3A_214, %get3A_215, %get3A_216] {strides = array<i32>} : memref<2x2x8x1024xf32, #tpu.memory_space<vmem>>, vector<16xf32>,
          %add3A_218 = arith.constant 6 : i32
          %add3A_219 = arith.addi %mul3A_138, %add3A_218 : i32
          %add3A_220 = vector.broadcast %add3A_219 : i32 to vector<16xi32>
          %add3A_221 = arith.addi %mul3A_8, %add3A_220 : vector<16xi32>
          tpu.vector_store_idx %arg7[%add3A_221], %get3A_217 : memref<16384xf32, #tpu.memory_space<vmem>>[vector<16xi32>], vector<16xf32>,
          %get3A_222 = arith.constant 1 : i32
          %get3A_223 = arith.constant 0 : i32
          %get3A_224 = arith.constant 7 : i32
          %get3A_225 = arith.index_cast %get3A_222 : i32 to index
          %get3A_226 = arith.index_cast %get3A_223 : i32 to index
          %get3A_227 = arith.index_cast %get3A_224 : i32 to index
          %get3A_228 = arith.index_cast %mul3A_134 : i32 to index
          %get3A_229 = tpu.vector_load %arg5[%get3A_225, %get3A_226, %get3A_227, %get3A_228] {strides = array<i32>} : memref<2x2x8x1024xf32, #tpu.memory_space<vmem>>, vector<16xf32>,
          %add3A_230 = arith.constant 7 : i32
          %add3A_231 = arith.addi %mul3A_138, %add3A_230 : i32
          %add3A_232 = vector.broadcast %add3A_231 : i32 to vector<16xi32>
          %add3A_233 = arith.addi %mul3A_8, %add3A_232 : vector<16xi32>
          tpu.vector_store_idx %arg7[%add3A_233], %get3A_229 : memref<16384xf32, #tpu.memory_space<vmem>>[vector<16xi32>], vector<16xf32>,
          %get3A_234 = arith.constant 1 : i32
          %get3A_235 = arith.constant 1 : i32
          %get3A_236 = arith.constant 0 : i32
          %get3A_237 = arith.index_cast %get3A_234 : i32 to index
          %get3A_238 = arith.index_cast %get3A_235 : i32 to index
          %get3A_239 = arith.index_cast %get3A_236 : i32 to index
          %get3A_240 = arith.index_cast %mul3A_134 : i32 to index
          %get3A_241 = tpu.vector_load %arg5[%get3A_237, %get3A_238, %get3A_239, %get3A_240] {strides = array<i32>} : memref<2x2x8x1024xf32, #tpu.memory_space<vmem>>, vector<16xf32>,
          %add3A_242 = arith.constant 8 : i32
          %add3A_243 = arith.addi %mul3A_138, %add3A_242 : i32
          %add3A_244 = vector.broadcast %add3A_243 : i32 to vector<16xi32>
          %add3A_245 = arith.addi %mul3A_8, %add3A_244 : vector<16xi32>
          tpu.vector_store_idx %arg7[%add3A_245], %get3A_241 : memref<16384xf32, #tpu.memory_space<vmem>>[vector<16xi32>], vector<16xf32>,
          %get3A_246 = arith.constant 1 : i32
          %get3A_247 = arith.constant 1 : i32
          %get3A_248 = arith.constant 1 : i32
          %get3A_249 = arith.index_cast %get3A_246 : i32 to index
          %get3A_250 = arith.index_cast %get3A_247 : i32 to index
          %get3A_251 = arith.index_cast %get3A_248 : i32 to index
          %get3A_252 = arith.index_cast %mul3A_134 : i32 to index
          %get3A_253 = tpu.vector_load %arg5[%get3A_249, %get3A_250, %get3A_251, %get3A_252] {strides = array<i32>} : memref<2x2x8x1024xf32, #tpu.memory_space<vmem>>, vector<16xf32>,
          %add3A_254 = arith.constant 9 : i32
          %add3A_255 = arith.addi %mul3A_138, %add3A_254 : i32
          %add3A_256 = vector.broadcast %add3A_255 : i32 to vector<16xi32>
          %add3A_257 = arith.addi %mul3A_8, %add3A_256 : vector<16xi32>
          tpu.vector_store_idx %arg7[%add3A_257], %get3A_253 : memref<16384xf32, #tpu.memory_space<vmem>>[vector<16xi32>], vector<16xf32>,
          %get3A_258 = arith.constant 1 : i32
          %get3A_259 = arith.constant 1 : i32
          %get3A_260 = arith.constant 2 : i32
          %get3A_261 = arith.index_cast %get3A_258 : i32 to index
          %get3A_262 = arith.index_cast %get3A_259 : i32 to index
          %get3A_263 = arith.index_cast %get3A_260 : i32 to index
          %get3A_264 = arith.index_cast %mul3A_134 : i32 to index
          %get3A_265 = tpu.vector_load %arg5[%get3A_261, %get3A_262, %get3A_263, %get3A_264] {strides = array<i32>} : memref<2x2x8x1024xf32, #tpu.memory_space<vmem>>, vector<16xf32>,
          %add3A_266 = arith.constant 10 : i32
          %add3A_267 = arith.addi %mul3A_138, %add3A_266 : i32
          %add3A_268 = vector.broadcast %add3A_267 : i32 to vector<16xi32>
          %add3A_269 = arith.addi %mul3A_8, %add3A_268 : vector<16xi32>
          tpu.vector_store_idx %arg7[%add3A_269], %get3A_265 : memref<16384xf32, #tpu.memory_space<vmem>>[vector<16xi32>], vector<16xf32>,
          %get3A_270 = arith.constant 1 : i32
          %get3A_271 = arith.constant 1 : i32
          %get3A_272 = arith.constant 3 : i32
          %get3A_273 = arith.index_cast %get3A_270 : i32 to index
          %get3A_274 = arith.index_cast %get3A_271 : i32 to index
          %get3A_275 = arith.index_cast %get3A_272 : i32 to index
          %get3A_276 = arith.index_cast %mul3A_134 : i32 to index
          %get3A_277 = tpu.vector_load %arg5[%get3A_273, %get3A_274, %get3A_275, %get3A_276] {strides = array<i32>} : memref<2x2x8x1024xf32, #tpu.memory_space<vmem>>, vector<16xf32>,
          %add3A_278 = arith.constant 11 : i32
          %add3A_279 = arith.addi %mul3A_138, %add3A_278 : i32
          %add3A_280 = vector.broadcast %add3A_279 : i32 to vector<16xi32>
          %add3A_281 = arith.addi %mul3A_8, %add3A_280 : vector<16xi32>
          tpu.vector_store_idx %arg7[%add3A_281], %get3A_277 : memref<16384xf32, #tpu.memory_space<vmem>>[vector<16xi32>], vector<16xf32>,
          %get3A_282 = arith.constant 1 : i32
          %get3A_283 = arith.constant 1 : i32
          %get3A_284 = arith.constant 4 : i32
          %get3A_285 = arith.index_cast %get3A_282 : i32 to index
          %get3A_286 = arith.index_cast %get3A_283 : i32 to index
          %get3A_287 = arith.index_cast %get3A_284 : i32 to index
          %get3A_288 = arith.index_cast %mul3A_134 : i32 to index
          %get3A_289 = tpu.vector_load %arg5[%get3A_285, %get3A_286, %get3A_287, %get3A_288] {strides = array<i32>} : memref<2x2x8x1024xf32, #tpu.memory_space<vmem>>, vector<16xf32>,
          %add3A_290 = arith.constant 12 : i32
          %add3A_291 = arith.addi %mul3A_138, %add3A_290 : i32
          %add3A_292 = vector.broadcast %add3A_291 : i32 to vector<16xi32>
          %add3A_293 = arith.addi %mul3A_8, %add3A_292 : vector<16xi32>
          tpu.vector_store_idx %arg7[%add3A_293], %get3A_289 : memref<16384xf32, #tpu.memory_space<vmem>>[vector<16xi32>], vector<16xf32>,
          %get3A_294 = arith.constant 1 : i32
          %get3A_295 = arith.constant 1 : i32
          %get3A_296 = arith.constant 5 : i32
          %get3A_297 = arith.index_cast %get3A_294 : i32 to index
          %get3A_298 = arith.index_cast %get3A_295 : i32 to index
          %get3A_299 = arith.index_cast %get3A_296 : i32 to index
          %get3A_300 = arith.index_cast %mul3A_134 : i32 to index
          %get3A_301 = tpu.vector_load %arg5[%get3A_297, %get3A_298, %get3A_299, %get3A_300] {strides = array<i32>} : memref<2x2x8x1024xf32, #tpu.memory_space<vmem>>, vector<16xf32>,
          %add3A_302 = arith.constant 13 : i32
          %add3A_303 = arith.addi %mul3A_138, %add3A_302 : i32
          %add3A_304 = vector.broadcast %add3A_303 : i32 to vector<16xi32>
          %add3A_305 = arith.addi %mul3A_8, %add3A_304 : vector<16xi32>
          tpu.vector_store_idx %arg7[%add3A_305], %get3A_301 : memref<16384xf32, #tpu.memory_space<vmem>>[vector<16xi32>], vector<16xf32>,
          %get3A_306 = arith.constant 1 : i32
          %get3A_307 = arith.constant 1 : i32
          %get3A_308 = arith.constant 6 : i32
          %get3A_309 = arith.index_cast %get3A_306 : i32 to index
          %get3A_310 = arith.index_cast %get3A_307 : i32 to index
          %get3A_311 = arith.index_cast %get3A_308 : i32 to index
          %get3A_312 = arith.index_cast %mul3A_134 : i32 to index
          %get3A_313 = tpu.vector_load %arg5[%get3A_309, %get3A_310, %get3A_311, %get3A_312] {strides = array<i32>} : memref<2x2x8x1024xf32, #tpu.memory_space<vmem>>, vector<16xf32>,
          %add3A_314 = arith.constant 14 : i32
          %add3A_315 = arith.addi %mul3A_138, %add3A_314 : i32
          %add3A_316 = vector.broadcast %add3A_315 : i32 to vector<16xi32>
          %add3A_317 = arith.addi %mul3A_8, %add3A_316 : vector<16xi32>
          tpu.vector_store_idx %arg7[%add3A_317], %get3A_313 : memref<16384xf32, #tpu.memory_space<vmem>>[vector<16xi32>], vector<16xf32>,
          %get3A_318 = arith.constant 1 : i32
          %get3A_319 = arith.constant 1 : i32
          %get3A_320 = arith.constant 7 : i32
          %get3A_321 = arith.index_cast %get3A_318 : i32 to index
          %get3A_322 = arith.index_cast %get3A_319 : i32 to index
          %get3A_323 = arith.index_cast %get3A_320 : i32 to index
          %get3A_324 = arith.index_cast %mul3A_134 : i32 to index
          %get3A_325 = tpu.vector_load %arg5[%get3A_321, %get3A_322, %get3A_323, %get3A_324] {strides = array<i32>} : memref<2x2x8x1024xf32, #tpu.memory_space<vmem>>, vector<16xf32>,
          %add3A_326 = arith.constant 15 : i32
          %add3A_327 = arith.addi %mul3A_138, %add3A_326 : i32
          %add3A_328 = vector.broadcast %add3A_327 : i32 to vector<16xi32>
          %add3A_329 = arith.addi %mul3A_8, %add3A_328 : vector<16xi32>
          tpu.vector_store_idx %arg7[%add3A_329], %get3A_325 : memref<16384xf32, #tpu.memory_space<vmem>>[vector<16xi32>], vector<16xf32>,
          %scan3A_330 = arith.constant 0 : i32
          %scan3A_331 = arith.constant 1 : i32
          %scan3A_332 = arith.addi %scan3A_131, %scan3A_331 : i32
          %mul3A_333 = arith.constant 16 : i32
          %mul3A_334 = arith.muli %scan3A_332, %mul3A_333 : i32
          %mul3A_335 = arith.constant 16 : i32
          %mul3A_336 = arith.muli %scan3A_332, %mul3A_335 : i32
          %mul3A_337 = arith.constant 16 : i32
          %mul3A_338 = arith.muli %mul3A_336, %mul3A_337 : i32
          %get3A_339 = arith.constant 1 : i32
          %get3A_340 = arith.constant 0 : i32
          %get3A_341 = arith.constant 0 : i32
          %get3A_342 = arith.index_cast %get3A_339 : i32 to index
          %get3A_343 = arith.index_cast %get3A_340 : i32 to index
          %get3A_344 = arith.index_cast %get3A_341 : i32 to index
          %get3A_345 = arith.index_cast %mul3A_334 : i32 to index
          %get3A_346 = tpu.vector_load %arg5[%get3A_342, %get3A_343, %get3A_344, %get3A_345] {strides = array<i32>} : memref<2x2x8x1024xf32, #tpu.memory_space<vmem>>, vector<16xf32>,
          %add3A_347 = arith.constant 0 : i32
          %add3A_348 = arith.addi %mul3A_338, %add3A_347 : i32
          %add3A_349 = vector.broadcast %add3A_348 : i32 to vector<16xi32>
          %add3A_350 = arith.addi %mul3A_8, %add3A_349 : vector<16xi32>
          tpu.vector_store_idx %arg7[%add3A_350], %get3A_346 : memref<16384xf32, #tpu.memory_space<vmem>>[vector<16xi32>], vector<16xf32>,
          %get3A_351 = arith.constant 1 : i32
          %get3A_352 = arith.constant 0 : i32
          %get3A_353 = arith.constant 1 : i32
          %get3A_354 = arith.index_cast %get3A_351 : i32 to index
          %get3A_355 = arith.index_cast %get3A_352 : i32 to index
          %get3A_356 = arith.index_cast %get3A_353 : i32 to index
          %get3A_357 = arith.index_cast %mul3A_334 : i32 to index
          %get3A_358 = tpu.vector_load %arg5[%get3A_354, %get3A_355, %get3A_356, %get3A_357] {strides = array<i32>} : memref<2x2x8x1024xf32, #tpu.memory_space<vmem>>, vector<16xf32>,
          %add3A_359 = arith.constant 1 : i32
          %add3A_360 = arith.addi %mul3A_338, %add3A_359 : i32
          %add3A_361 = vector.broadcast %add3A_360 : i32 to vector<16xi32>
          %add3A_362 = arith.addi %mul3A_8, %add3A_361 : vector<16xi32>
          tpu.vector_store_idx %arg7[%add3A_362], %get3A_358 : memref<16384xf32, #tpu.memory_space<vmem>>[vector<16xi32>], vector<16xf32>,
          %get3A_363 = arith.constant 1 : i32
          %get3A_364 = arith.constant 0 : i32
          %get3A_365 = arith.constant 2 : i32
          %get3A_366 = arith.index_cast %get3A_363 : i32 to index
          %get3A_367 = arith.index_cast %get3A_364 : i32 to index
          %get3A_368 = arith.index_cast %get3A_365 : i32 to index
          %get3A_369 = arith.index_cast %mul3A_334 : i32 to index
          %get3A_370 = tpu.vector_load %arg5[%get3A_366, %get3A_367, %get3A_368, %get3A_369] {strides = array<i32>} : memref<2x2x8x1024xf32, #tpu.memory_space<vmem>>, vector<16xf32>,
          %add3A_371 = arith.constant 2 : i32
          %add3A_372 = arith.addi %mul3A_338, %add3A_371 : i32
          %add3A_373 = vector.broadcast %add3A_372 : i32 to vector<16xi32>
          %add3A_374 = arith.addi %mul3A_8, %add3A_373 : vector<16xi32>
          tpu.vector_store_idx %arg7[%add3A_374], %get3A_370 : memref<16384xf32, #tpu.memory_space<vmem>>[vector<16xi32>], vector<16xf32>,
          %get3A_375 = arith.constant 1 : i32
          %get3A_376 = arith.constant 0 : i32
          %get3A_377 = arith.constant 3 : i32
          %get3A_378 = arith.index_cast %get3A_375 : i32 to index
          %get3A_379 = arith.index_cast %get3A_376 : i32 to index
          %get3A_380 = arith.index_cast %get3A_377 : i32 to index
          %get3A_381 = arith.index_cast %mul3A_334 : i32 to index
          %get3A_382 = tpu.vector_load %arg5[%get3A_378, %get3A_379, %get3A_380, %get3A_381] {strides = array<i32>} : memref<2x2x8x1024xf32, #tpu.memory_space<vmem>>, vector<16xf32>,
          %add3A_383 = arith.constant 3 : i32
          %add3A_384 = arith.addi %mul3A_338, %add3A_383 : i32
          %add3A_385 = vector.broadcast %add3A_384 : i32 to vector<16xi32>
          %add3A_386 = arith.addi %mul3A_8, %add3A_385 : vector<16xi32>
          tpu.vector_store_idx %arg7[%add3A_386], %get3A_382 : memref<16384xf32, #tpu.memory_space<vmem>>[vector<16xi32>], vector<16xf32>,
          %get3A_387 = arith.constant 1 : i32
          %get3A_388 = arith.constant 0 : i32
          %get3A_389 = arith.constant 4 : i32
          %get3A_390 = arith.index_cast %get3A_387 : i32 to index
          %get3A_391 = arith.index_cast %get3A_388 : i32 to index
          %get3A_392 = arith.index_cast %get3A_389 : i32 to index
          %get3A_393 = arith.index_cast %mul3A_334 : i32 to index
          %get3A_394 = tpu.vector_load %arg5[%get3A_390, %get3A_391, %get3A_392, %get3A_393] {strides = array<i32>} : memref<2x2x8x1024xf32, #tpu.memory_space<vmem>>, vector<16xf32>,
          %add3A_395 = arith.constant 4 : i32
          %add3A_396 = arith.addi %mul3A_338, %add3A_395 : i32
          %add3A_397 = vector.broadcast %add3A_396 : i32 to vector<16xi32>
          %add3A_398 = arith.addi %mul3A_8, %add3A_397 : vector<16xi32>
          tpu.vector_store_idx %arg7[%add3A_398], %get3A_394 : memref<16384xf32, #tpu.memory_space<vmem>>[vector<16xi32>], vector<16xf32>,
          %get3A_399 = arith.constant 1 : i32
          %get3A_400 = arith.constant 0 : i32
          %get3A_401 = arith.constant 5 : i32
          %get3A_402 = arith.index_cast %get3A_399 : i32 to index
          %get3A_403 = arith.index_cast %get3A_400 : i32 to index
          %get3A_404 = arith.index_cast %get3A_401 : i32 to index
          %get3A_405 = arith.index_cast %mul3A_334 : i32 to index
          %get3A_406 = tpu.vector_load %arg5[%get3A_402, %get3A_403, %get3A_404, %get3A_405] {strides = array<i32>} : memref<2x2x8x1024xf32, #tpu.memory_space<vmem>>, vector<16xf32>,
          %add3A_407 = arith.constant 5 : i32
          %add3A_408 = arith.addi %mul3A_338, %add3A_407 : i32
          %add3A_409 = vector.broadcast %add3A_408 : i32 to vector<16xi32>
          %add3A_410 = arith.addi %mul3A_8, %add3A_409 : vector<16xi32>
          tpu.vector_store_idx %arg7[%add3A_410], %get3A_406 : memref<16384xf32, #tpu.memory_space<vmem>>[vector<16xi32>], vector<16xf32>,
          %get3A_411 = arith.constant 1 : i32
          %get3A_412 = arith.constant 0 : i32
          %get3A_413 = arith.constant 6 : i32
          %get3A_414 = arith.index_cast %get3A_411 : i32 to index
          %get3A_415 = arith.index_cast %get3A_412 : i32 to index
          %get3A_416 = arith.index_cast %get3A_413 : i32 to index
          %get3A_417 = arith.index_cast %mul3A_334 : i32 to index
          %get3A_418 = tpu.vector_load %arg5[%get3A_414, %get3A_415, %get3A_416, %get3A_417] {strides = array<i32>} : memref<2x2x8x1024xf32, #tpu.memory_space<vmem>>, vector<16xf32>,
          %add3A_419 = arith.constant 6 : i32
          %add3A_420 = arith.addi %mul3A_338, %add3A_419 : i32
          %add3A_421 = vector.broadcast %add3A_420 : i32 to vector<16xi32>
          %add3A_422 = arith.addi %mul3A_8, %add3A_421 : vector<16xi32>
          tpu.vector_store_idx %arg7[%add3A_422], %get3A_418 : memref<16384xf32, #tpu.memory_space<vmem>>[vector<16xi32>], vector<16xf32>,
          %get3A_423 = arith.constant 1 : i32
          %get3A_424 = arith.constant 0 : i32
          %get3A_425 = arith.constant 7 : i32
          %get3A_426 = arith.index_cast %get3A_423 : i32 to index
          %get3A_427 = arith.index_cast %get3A_424 : i32 to index
          %get3A_428 = arith.index_cast %get3A_425 : i32 to index
          %get3A_429 = arith.index_cast %mul3A_334 : i32 to index
          %get3A_430 = tpu.vector_load %arg5[%get3A_426, %get3A_427, %get3A_428, %get3A_429] {strides = array<i32>} : memref<2x2x8x1024xf32, #tpu.memory_space<vmem>>, vector<16xf32>,
          %add3A_431 = arith.constant 7 : i32
          %add3A_432 = arith.addi %mul3A_338, %add3A_431 : i32
          %add3A_433 = vector.broadcast %add3A_432 : i32 to vector<16xi32>
          %add3A_434 = arith.addi %mul3A_8, %add3A_433 : vector<16xi32>
          tpu.vector_store_idx %arg7[%add3A_434], %get3A_430 : memref<16384xf32, #tpu.memory_space<vmem>>[vector<16xi32>], vector<16xf32>,
          %get3A_435 = arith.constant 1 : i32
          %get3A_436 = arith.constant 1 : i32
          %get3A_437 = arith.constant 0 : i32
          %get3A_438 = arith.index_cast %get3A_435 : i32 to index
          %get3A_439 = arith.index_cast %get3A_436 : i32 to index
          %get3A_440 = arith.index_cast %get3A_437 : i32 to index
          %get3A_441 = arith.index_cast %mul3A_334 : i32 to index
          %get3A_442 = tpu.vector_load %arg5[%get3A_438, %get3A_439, %get3A_440, %get3A_441] {strides = array<i32>} : memref<2x2x8x1024xf32, #tpu.memory_space<vmem>>, vector<16xf32>,
          %add3A_443 = arith.constant 8 : i32
          %add3A_444 = arith.addi %mul3A_338, %add3A_443 : i32
          %add3A_445 = vector.broadcast %add3A_444 : i32 to vector<16xi32>
          %add3A_446 = arith.addi %mul3A_8, %add3A_445 : vector<16xi32>
          tpu.vector_store_idx %arg7[%add3A_446], %get3A_442 : memref<16384xf32, #tpu.memory_space<vmem>>[vector<16xi32>], vector<16xf32>,
          %get3A_447 = arith.constant 1 : i32
          %get3A_448 = arith.constant 1 : i32
          %get3A_449 = arith.constant 1 : i32
          %get3A_450 = arith.index_cast %get3A_447 : i32 to index
          %get3A_451 = arith.index_cast %get3A_448 : i32 to index
          %get3A_452 = arith.index_cast %get3A_449 : i32 to index
          %get3A_453 = arith.index_cast %mul3A_334 : i32 to index
          %get3A_454 = tpu.vector_load %arg5[%get3A_450, %get3A_451, %get3A_452, %get3A_453] {strides = array<i32>} : memref<2x2x8x1024xf32, #tpu.memory_space<vmem>>, vector<16xf32>,
          %add3A_455 = arith.constant 9 : i32
          %add3A_456 = arith.addi %mul3A_338, %add3A_455 : i32
          %add3A_457 = vector.broadcast %add3A_456 : i32 to vector<16xi32>
          %add3A_458 = arith.addi %mul3A_8, %add3A_457 : vector<16xi32>
          tpu.vector_store_idx %arg7[%add3A_458], %get3A_454 : memref<16384xf32, #tpu.memory_space<vmem>>[vector<16xi32>], vector<16xf32>,
          %get3A_459 = arith.constant 1 : i32
          %get3A_460 = arith.constant 1 : i32
          %get3A_461 = arith.constant 2 : i32
          %get3A_462 = arith.index_cast %get3A_459 : i32 to index
          %get3A_463 = arith.index_cast %get3A_460 : i32 to index
          %get3A_464 = arith.index_cast %get3A_461 : i32 to index
          %get3A_465 = arith.index_cast %mul3A_334 : i32 to index
          %get3A_466 = tpu.vector_load %arg5[%get3A_462, %get3A_463, %get3A_464, %get3A_465] {strides = array<i32>} : memref<2x2x8x1024xf32, #tpu.memory_space<vmem>>, vector<16xf32>,
          %add3A_467 = arith.constant 10 : i32
          %add3A_468 = arith.addi %mul3A_338, %add3A_467 : i32
          %add3A_469 = vector.broadcast %add3A_468 : i32 to vector<16xi32>
          %add3A_470 = arith.addi %mul3A_8, %add3A_469 : vector<16xi32>
          tpu.vector_store_idx %arg7[%add3A_470], %get3A_466 : memref<16384xf32, #tpu.memory_space<vmem>>[vector<16xi32>], vector<16xf32>,
          %get3A_471 = arith.constant 1 : i32
          %get3A_472 = arith.constant 1 : i32
          %get3A_473 = arith.constant 3 : i32
          %get3A_474 = arith.index_cast %get3A_471 : i32 to index
          %get3A_475 = arith.index_cast %get3A_472 : i32 to index
          %get3A_476 = arith.index_cast %get3A_473 : i32 to index
          %get3A_477 = arith.index_cast %mul3A_334 : i32 to index
          %get3A_478 = tpu.vector_load %arg5[%get3A_474, %get3A_475, %get3A_476, %get3A_477] {strides = array<i32>} : memref<2x2x8x1024xf32, #tpu.memory_space<vmem>>, vector<16xf32>,
          %add3A_479 = arith.constant 11 : i32
          %add3A_480 = arith.addi %mul3A_338, %add3A_479 : i32
          %add3A_481 = vector.broadcast %add3A_480 : i32 to vector<16xi32>
          %add3A_482 = arith.addi %mul3A_8, %add3A_481 : vector<16xi32>
          tpu.vector_store_idx %arg7[%add3A_482], %get3A_478 : memref<16384xf32, #tpu.memory_space<vmem>>[vector<16xi32>], vector<16xf32>,
          %get3A_483 = arith.constant 1 : i32
          %get3A_484 = arith.constant 1 : i32
          %get3A_485 = arith.constant 4 : i32
          %get3A_486 = arith.index_cast %get3A_483 : i32 to index
          %get3A_487 = arith.index_cast %get3A_484 : i32 to index
          %get3A_488 = arith.index_cast %get3A_485 : i32 to index
          %get3A_489 = arith.index_cast %mul3A_334 : i32 to index
          %get3A_490 = tpu.vector_load %arg5[%get3A_486, %get3A_487, %get3A_488, %get3A_489] {strides = array<i32>} : memref<2x2x8x1024xf32, #tpu.memory_space<vmem>>, vector<16xf32>,
          %add3A_491 = arith.constant 12 : i32
          %add3A_492 = arith.addi %mul3A_338, %add3A_491 : i32
          %add3A_493 = vector.broadcast %add3A_492 : i32 to vector<16xi32>
          %add3A_494 = arith.addi %mul3A_8, %add3A_493 : vector<16xi32>
          tpu.vector_store_idx %arg7[%add3A_494], %get3A_490 : memref<16384xf32, #tpu.memory_space<vmem>>[vector<16xi32>], vector<16xf32>,
          %get3A_495 = arith.constant 1 : i32
          %get3A_496 = arith.constant 1 : i32
          %get3A_497 = arith.constant 5 : i32
          %get3A_498 = arith.index_cast %get3A_495 : i32 to index
          %get3A_499 = arith.index_cast %get3A_496 : i32 to index
          %get3A_500 = arith.index_cast %get3A_497 : i32 to index
          %get3A_501 = arith.index_cast %mul3A_334 : i32 to index
          %get3A_502 = tpu.vector_load %arg5[%get3A_498, %get3A_499, %get3A_500, %get3A_501] {strides = array<i32>} : memref<2x2x8x1024xf32, #tpu.memory_space<vmem>>, vector<16xf32>,
          %add3A_503 = arith.constant 13 : i32
          %add3A_504 = arith.addi %mul3A_338, %add3A_503 : i32
          %add3A_505 = vector.broadcast %add3A_504 : i32 to vector<16xi32>
          %add3A_506 = arith.addi %mul3A_8, %add3A_505 : vector<16xi32>
          tpu.vector_store_idx %arg7[%add3A_506], %get3A_502 : memref<16384xf32, #tpu.memory_space<vmem>>[vector<16xi32>], vector<16xf32>,
          %get3A_507 = arith.constant 1 : i32
          %get3A_508 = arith.constant 1 : i32
          %get3A_509 = arith.constant 6 : i32
          %get3A_510 = arith.index_cast %get3A_507 : i32 to index
          %get3A_511 = arith.index_cast %get3A_508 : i32 to index
          %get3A_512 = arith.index_cast %get3A_509 : i32 to index
          %get3A_513 = arith.index_cast %mul3A_334 : i32 to index
          %get3A_514 = tpu.vector_load %arg5[%get3A_510, %get3A_511, %get3A_512, %get3A_513] {strides = array<i32>} : memref<2x2x8x1024xf32, #tpu.memory_space<vmem>>, vector<16xf32>,
          %add3A_515 = arith.constant 14 : i32
          %add3A_516 = arith.addi %mul3A_338, %add3A_515 : i32
          %add3A_517 = vector.broadcast %add3A_516 : i32 to vector<16xi32>
          %add3A_518 = arith.addi %mul3A_8, %add3A_517 : vector<16xi32>
          tpu.vector_store_idx %arg7[%add3A_518], %get3A_514 : memref<16384xf32, #tpu.memory_space<vmem>>[vector<16xi32>], vector<16xf32>,
          %get3A_519 = arith.constant 1 : i32
          %get3A_520 = arith.constant 1 : i32
          %get3A_521 = arith.constant 7 : i32
          %get3A_522 = arith.index_cast %get3A_519 : i32 to index
          %get3A_523 = arith.index_cast %get3A_520 : i32 to index
          %get3A_524 = arith.index_cast %get3A_521 : i32 to index
          %get3A_525 = arith.index_cast %mul3A_334 : i32 to index
          %get3A_526 = tpu.vector_load %arg5[%get3A_522, %get3A_523, %get3A_524, %get3A_525] {strides = array<i32>} : memref<2x2x8x1024xf32, #tpu.memory_space<vmem>>, vector<16xf32>,
          %add3A_527 = arith.constant 15 : i32
          %add3A_528 = arith.addi %mul3A_338, %add3A_527 : i32
          %add3A_529 = vector.broadcast %add3A_528 : i32 to vector<16xi32>
          %add3A_530 = arith.addi %mul3A_8, %add3A_529 : vector<16xi32>
          tpu.vector_store_idx %arg7[%add3A_530], %get3A_526 : memref<16384xf32, #tpu.memory_space<vmem>>[vector<16xi32>], vector<16xf32>,
          %scan3A_531 = arith.constant 0 : i32
          scf.yield %scan3A_531 : i32
        }
        %scan3A_123 = arith.constant 64 : i32
        %mul3A_124 = arith.constant 80 : i32
        %mul3A_125 = arith.muli %add3A, %mul3A_124 : i32
        %add3A_126 = arith.addi %mul3A_125, %add3A_69 : i32
        %mul3A_127 = arith.constant 16384 : i32
        %mul3A_128 = arith.muli %add3A_126, %mul3A_127 : i32
        %dma_start3A_129 = tpu.memref_slice %arg4[%mul3A_128] : memref<41600000xf32, #tpu.memory_space<hbm>> -> memref<16384xf32, #tpu.memory_space<hbm>>
        %dma_start3A_130 = tpu.memref_slice %arg4[%mul3A_128] : memref<41600000xf32, #tpu.memory_space<hbm>> -> memref<16384xf32, #tpu.memory_space<hbm>>
        tpu.enqueue_dma source(%arg7 : memref<16384xf32, #tpu.memory_space<vmem>>) target(%dma_start3A_130 : memref<16384xf32, #tpu.memory_space<hbm>>) target_semaphore(%arg11 : memref<!tpu.dma_semaphore, #tpu.memory_space<semaphore_mem>>)
      } else {
      }
      %scan3A_74 = arith.constant 0 : i32
      scf.yield %scan3A_74 : i32
    }
    %scan3A_47 = arith.constant 40 : i32
    %dma_wait3A = arith.constant 0 : i32
    %dma_wait3A_48 = tpu.memref_slice %arg4[%dma_wait3A] : memref<41600000xf32, #tpu.memory_space<hbm>> -> memref<16384xf32, #tpu.memory_space<hbm>>
    %dma_wait3A_49 = arith.constant 0 : i32
    %dma_wait3A_50 = tpu.memref_slice %arg4[%dma_wait3A_49] : memref<41600000xf32, #tpu.memory_space<hbm>> -> memref<16384xf32, #tpu.memory_space<hbm>>
    tpu.wait_dma2 semaphore(%arg10 : memref<!tpu.dma_semaphore, #tpu.memory_space<semaphore_mem>>) src(%arg6 : memref<16384xf32, #tpu.memory_space<vmem>>) dst(%dma_wait3A_50 : memref<16384xf32, #tpu.memory_space<hbm>>)
    %dma_wait3A_51 = arith.constant 0 : i32
    %dma_wait3A_52 = tpu.memref_slice %arg4[%dma_wait3A_51] : memref<41600000xf32, #tpu.memory_space<hbm>> -> memref<16384xf32, #tpu.memory_space<hbm>>
    %dma_wait3A_53 = arith.constant 0 : i32
    %dma_wait3A_54 = tpu.memref_slice %arg4[%dma_wait3A_53] : memref<41600000xf32, #tpu.memory_space<hbm>> -> memref<16384xf32, #tpu.memory_space<hbm>>
    tpu.wait_dma2 semaphore(%arg11 : memref<!tpu.dma_semaphore, #tpu.memory_space<semaphore_mem>>) src(%arg7 : memref<16384xf32, #tpu.memory_space<vmem>>) dst(%dma_wait3A_54 : memref<16384xf32, #tpu.memory_space<hbm>>)
    %eq3A = arith.constant 31 : i32
    %eq3A_55 = arith.cmpi eq, %add3A, %eq3A : i32
    %convert_element_type3A = arith.extui %eq3A_55 : i1 to i32
    %cond3A = arith.constant 0 : i32
    %cond3A_56 = arith.cmpi ne, %convert_element_type3A, %cond3A : i32
    scf.if %cond3A_56 {
      "tpu.region"() ({
        %run_scoped3A = tpu.sem_alloc : memref<!tpu.dma_semaphore, #tpu.memory_space<semaphore_mem>>
        %dma_start3A_57 = arith.constant 0 : i32
        %dma_start3A_58 = tpu.memref_slice %arg6[%dma_start3A_57] : memref<16384xf32, #tpu.memory_space<vmem>> -> memref<1024xf32, #tpu.memory_space<vmem>>
        %dma_start3A_59 = arith.constant 0 : i32
        %dma_start3A_60 = tpu.memref_slice %arg6[%dma_start3A_59] : memref<16384xf32, #tpu.memory_space<vmem>> -> memref<1024xf32, #tpu.memory_space<vmem>>
        tpu.enqueue_dma source(%arg3 : memref<1024xf32, #tpu.memory_space<hbm>>) target(%dma_start3A_60 : memref<1024xf32, #tpu.memory_space<vmem>>) target_semaphore(%run_scoped3A : memref<!tpu.dma_semaphore, #tpu.memory_space<semaphore_mem>>)
        %dma_wait3A_61 = arith.constant 0 : i32
        %dma_wait3A_62 = tpu.memref_slice %arg6[%dma_wait3A_61] : memref<16384xf32, #tpu.memory_space<vmem>> -> memref<1024xf32, #tpu.memory_space<vmem>>
        %dma_wait3A_63 = arith.constant 0 : i32
        %dma_wait3A_64 = tpu.memref_slice %arg6[%dma_wait3A_63] : memref<16384xf32, #tpu.memory_space<vmem>> -> memref<1024xf32, #tpu.memory_space<vmem>>
        tpu.wait_dma2 semaphore(%run_scoped3A : memref<!tpu.dma_semaphore, #tpu.memory_space<semaphore_mem>>) src(%arg3 : memref<1024xf32, #tpu.memory_space<hbm>>) dst(%dma_wait3A_64 : memref<1024xf32, #tpu.memory_space<vmem>>)
        tpu.yield
      }) : () -> ()
      "tpu.region"() ({
        %run_scoped3A = tpu.sem_alloc : memref<!tpu.dma_semaphore, #tpu.memory_space<semaphore_mem>>
        %dma_start3A_57 = arith.constant 0 : i32
        %dma_start3A_58 = tpu.memref_slice %arg6[%dma_start3A_57] : memref<16384xf32, #tpu.memory_space<vmem>> -> memref<1024xf32, #tpu.memory_space<vmem>>
        %dma_start3A_59 = arith.constant 41598976 : i32
        %dma_start3A_60 = tpu.memref_slice %arg4[%dma_start3A_59] : memref<41600000xf32, #tpu.memory_space<hbm>> -> memref<1024xf32, #tpu.memory_space<hbm>>
        %dma_start3A_61 = arith.constant 41598976 : i32
        %dma_start3A_62 = tpu.memref_slice %arg4[%dma_start3A_61] : memref<41600000xf32, #tpu.memory_space<hbm>> -> memref<1024xf32, #tpu.memory_space<hbm>>
        %dma_start3A_63 = arith.constant 0 : i32
        %dma_start3A_64 = tpu.memref_slice %arg6[%dma_start3A_63] : memref<16384xf32, #tpu.memory_space<vmem>> -> memref<1024xf32, #tpu.memory_space<vmem>>
        tpu.enqueue_dma source(%dma_start3A_64 : memref<1024xf32, #tpu.memory_space<vmem>>) target(%dma_start3A_62 : memref<1024xf32, #tpu.memory_space<hbm>>) target_semaphore(%run_scoped3A : memref<!tpu.dma_semaphore, #tpu.memory_space<semaphore_mem>>)
        %dma_wait3A_65 = arith.constant 0 : i32
        %dma_wait3A_66 = tpu.memref_slice %arg6[%dma_wait3A_65] : memref<16384xf32, #tpu.memory_space<vmem>> -> memref<1024xf32, #tpu.memory_space<vmem>>
        %dma_wait3A_67 = arith.constant 41598976 : i32
        %dma_wait3A_68 = tpu.memref_slice %arg4[%dma_wait3A_67] : memref<41600000xf32, #tpu.memory_space<hbm>> -> memref<1024xf32, #tpu.memory_space<hbm>>
        %dma_wait3A_69 = arith.constant 41598976 : i32
        %dma_wait3A_70 = tpu.memref_slice %arg4[%dma_wait3A_69] : memref<41600000xf32, #tpu.memory_space<hbm>> -> memref<1024xf32, #tpu.memory_space<hbm>>
        %dma_wait3A_71 = arith.constant 0 : i32
        %dma_wait3A_72 = tpu.memref_slice %arg6[%dma_wait3A_71] : memref<16384xf32, #tpu.memory_space<vmem>> -> memref<1024xf32, #tpu.memory_space<vmem>>
        tpu.wait_dma2 semaphore(%run_scoped3A : memref<!tpu.dma_semaphore, #tpu.memory_space<semaphore_mem>>) src(%dma_wait3A_72 : memref<1024xf32, #tpu.memory_space<vmem>>) dst(%dma_wait3A_70 : memref<1024xf32, #tpu.memory_space<hbm>>)
        tpu.yield
      }) : () -> ()
    } else {
    }
    return
  }
}

#map = affine_map<(d0, d1) -> (0, 0)>
#map1 = affine_map<(d0, d1) -> (0, 0, 0)>
module attributes {stable_mosaic.version = 14 : i64} {
  func.func @_sc_gather(%arg0: i32, %arg1: i32, %arg2: memref<32x13312xi32, #tpu.memory_space<hbm>>, %arg3: memref<2600000x16xf32, #tpu.memory_space<hbm>>, %arg4: memref<1x2600000xf32, #tpu.memory_space<hbm>>, %arg5: memref<32x13312x16xf32, #tpu.memory_space<hbm>>, %arg6: memref<32x13312xf32, #tpu.memory_space<hbm>>, %arg7: memref<13312xi32, #tpu.memory_space<vmem>>, %arg8: memref<2x1664x16xf32, #tpu.memory_space<vmem>>, %arg9: memref<13312xf32, #tpu.memory_space<vmem>>, %arg10: memref<!tpu.dma_semaphore, #tpu.memory_space<semaphore_mem>>, %arg11: memref<!tpu.dma_semaphore, #tpu.memory_space<semaphore_mem>>, %arg12: memref<!tpu.dma_semaphore, #tpu.memory_space<semaphore_mem>>) attributes {dimension_semantics = [#tpu.dimension_semantics<core_parallel>, #tpu.dimension_semantics<subcore_parallel>], iteration_bounds = array<i64: 2, 16>, scalar_prefetch = 0 : i64, scratch_operands = 6 : i64, tpu.core_type = #tpu.core_type<sc_vector_subcore>, window_params = [{transform_indices = #map}, {transform_indices = #map}, {transform_indices = #map}, {transform_indices = #map1}, {transform_indices = #map}]} {
    %mul3A = arith.constant 2 : i32
    %mul3A_0 = arith.muli %arg1, %mul3A : i32
    %add3A = arith.addi %mul3A_0, %arg0 : i32
    "tpu.region"() ({
      %run_scoped3A_178 = tpu.sem_alloc : memref<!tpu.dma_semaphore, #tpu.memory_space<semaphore_mem>>
      %dma_start3A_179 = arith.constant 0 : i32
      %dma_start3A_180 = tpu.memref_slice %arg2[%add3A, %dma_start3A_179] : memref<32x13312xi32, #tpu.memory_space<hbm>> -> memref<1x13312xi32, #tpu.memory_space<hbm>>
      %dma_start3A_181 = tpu.memref_squeeze %dma_start3A_180 : memref<1x13312xi32, #tpu.memory_space<hbm>> -> memref<13312xi32, #tpu.memory_space<hbm>>
      %dma_start3A_182 = arith.constant 0 : i32
      %dma_start3A_183 = tpu.memref_slice %arg2[%add3A, %dma_start3A_182] : memref<32x13312xi32, #tpu.memory_space<hbm>> -> memref<1x13312xi32, #tpu.memory_space<hbm>>
      %dma_start3A_184 = tpu.memref_squeeze %dma_start3A_183 : memref<1x13312xi32, #tpu.memory_space<hbm>> -> memref<13312xi32, #tpu.memory_space<hbm>>
      tpu.enqueue_dma source(%dma_start3A_184 : memref<13312xi32, #tpu.memory_space<hbm>>) target(%arg7 : memref<13312xi32, #tpu.memory_space<vmem>>) target_semaphore(%run_scoped3A_178 : memref<!tpu.dma_semaphore, #tpu.memory_space<semaphore_mem>>)
      %dma_wait3A_185 = arith.constant 0 : i32
      %dma_wait3A_186 = tpu.memref_slice %arg2[%add3A, %dma_wait3A_185] : memref<32x13312xi32, #tpu.memory_space<hbm>> -> memref<1x13312xi32, #tpu.memory_space<hbm>>
      %dma_wait3A_187 = tpu.memref_squeeze %dma_wait3A_186 : memref<1x13312xi32, #tpu.memory_space<hbm>> -> memref<13312xi32, #tpu.memory_space<hbm>>
      %dma_wait3A_188 = arith.constant 0 : i32
      %dma_wait3A_189 = tpu.memref_slice %arg2[%add3A, %dma_wait3A_188] : memref<32x13312xi32, #tpu.memory_space<hbm>> -> memref<1x13312xi32, #tpu.memory_space<hbm>>
      %dma_wait3A_190 = tpu.memref_squeeze %dma_wait3A_189 : memref<1x13312xi32, #tpu.memory_space<hbm>> -> memref<13312xi32, #tpu.memory_space<hbm>>
      tpu.wait_dma2 semaphore(%run_scoped3A_178 : memref<!tpu.dma_semaphore, #tpu.memory_space<semaphore_mem>>) src(%dma_wait3A_190 : memref<13312xi32, #tpu.memory_space<hbm>>) dst(%arg7 : memref<13312xi32, #tpu.memory_space<vmem>>)
      tpu.yield
    }) : () -> ()
    %dma_start3A = arith.constant 0 : i32
    %dma_start3A_1 = arith.constant 0 : i32
    %dma_start3A_2 = tpu.memref_slice %arg4[%dma_start3A, %dma_start3A_1] : memref<1x2600000xf32, #tpu.memory_space<hbm>> -> memref<1x2600000xf32, #tpu.memory_space<hbm>>
    %dma_start3A_3 = tpu.memref_squeeze %dma_start3A_2 : memref<1x2600000xf32, #tpu.memory_space<hbm>> -> memref<2600000xf32, #tpu.memory_space<hbm>>
    %dma_start3A_4 = arith.constant 0 : i32
    %dma_start3A_5 = tpu.memref_slice %dma_start3A_3[%dma_start3A_4] : memref<2600000xf32, #tpu.memory_space<hbm>> -> memref<2600000xf32, #tpu.memory_space<hbm>>
    tpu.enqueue_indirect_dma source(%dma_start3A_5 : memref<2600000xf32, #tpu.memory_space<hbm>>) target(%arg9 : memref<13312xf32, #tpu.memory_space<vmem>>) offsets(%arg7 : memref<13312xi32, #tpu.memory_space<vmem>>) semaphore(%arg12 : memref<!tpu.dma_semaphore, #tpu.memory_space<semaphore_mem>>)
    %dma_start3A_6 = arith.constant 0 : i32
    %dma_start3A_7 = arith.constant 0 : i32
    %dma_start3A_8 = arith.constant 0 : i32
    %dma_start3A_9 = tpu.memref_slice %arg8[%dma_start3A_6, %dma_start3A_7, %dma_start3A_8] : memref<2x1664x16xf32, #tpu.memory_space<vmem>> -> memref<1x1664x16xf32, #tpu.memory_space<vmem>>
    %dma_start3A_10 = tpu.memref_squeeze %dma_start3A_9 : memref<1x1664x16xf32, #tpu.memory_space<vmem>> -> memref<1664x16xf32, #tpu.memory_space<vmem>>
    %dma_start3A_11 = arith.constant 0 : i32
    %dma_start3A_12 = tpu.memref_slice %arg7[%dma_start3A_11] : memref<13312xi32, #tpu.memory_space<vmem>> -> memref<1664xi32, #tpu.memory_space<vmem>>
    %dma_start3A_13 = arith.constant 0 : i32
    %dma_start3A_14 = arith.constant 0 : i32
    %dma_start3A_15 = tpu.memref_slice %arg3[%dma_start3A_13, %dma_start3A_14] : memref<2600000x16xf32, #tpu.memory_space<hbm>> -> memref<2600000x16xf32, #tpu.memory_space<hbm>>
    tpu.enqueue_indirect_dma source(%dma_start3A_15 : memref<2600000x16xf32, #tpu.memory_space<hbm>>) target(%dma_start3A_10 : memref<1664x16xf32, #tpu.memory_space<vmem>>) offsets(%dma_start3A_12 : memref<1664xi32, #tpu.memory_space<vmem>>) semaphore(%arg10 : memref<!tpu.dma_semaphore, #tpu.memory_space<semaphore_mem>>)
    %dma_start3A_16 = arith.constant 1 : i32
    %dma_start3A_17 = arith.constant 0 : i32
    %dma_start3A_18 = arith.constant 0 : i32
    %dma_start3A_19 = tpu.memref_slice %arg8[%dma_start3A_16, %dma_start3A_17, %dma_start3A_18] : memref<2x1664x16xf32, #tpu.memory_space<vmem>> -> memref<1x1664x16xf32, #tpu.memory_space<vmem>>
    %dma_start3A_20 = tpu.memref_squeeze %dma_start3A_19 : memref<1x1664x16xf32, #tpu.memory_space<vmem>> -> memref<1664x16xf32, #tpu.memory_space<vmem>>
    %dma_start3A_21 = arith.constant 1664 : i32
    %dma_start3A_22 = tpu.memref_slice %arg7[%dma_start3A_21] : memref<13312xi32, #tpu.memory_space<vmem>> -> memref<1664xi32, #tpu.memory_space<vmem>>
    %dma_start3A_23 = arith.constant 0 : i32
    %dma_start3A_24 = arith.constant 0 : i32
    %dma_start3A_25 = tpu.memref_slice %arg3[%dma_start3A_23, %dma_start3A_24] : memref<2600000x16xf32, #tpu.memory_space<hbm>> -> memref<2600000x16xf32, #tpu.memory_space<hbm>>
    tpu.enqueue_indirect_dma source(%dma_start3A_25 : memref<2600000x16xf32, #tpu.memory_space<hbm>>) target(%dma_start3A_20 : memref<1664x16xf32, #tpu.memory_space<vmem>>) offsets(%dma_start3A_22 : memref<1664xi32, #tpu.memory_space<vmem>>) semaphore(%arg11 : memref<!tpu.dma_semaphore, #tpu.memory_space<semaphore_mem>>)
    %dma_wait3A = arith.constant 0 : i32
    %dma_wait3A_26 = arith.constant 0 : i32
    %dma_wait3A_27 = arith.constant 0 : i32
    %dma_wait3A_28 = tpu.memref_slice %arg8[%dma_wait3A, %dma_wait3A_26, %dma_wait3A_27] : memref<2x1664x16xf32, #tpu.memory_space<vmem>> -> memref<1x1664x16xf32, #tpu.memory_space<vmem>>
    %dma_wait3A_29 = tpu.memref_squeeze %dma_wait3A_28 : memref<1x1664x16xf32, #tpu.memory_space<vmem>> -> memref<1664x16xf32, #tpu.memory_space<vmem>>
    %dma_wait3A_30 = arith.constant 0 : i32
    %dma_wait3A_31 = tpu.memref_slice %arg7[%dma_wait3A_30] : memref<13312xi32, #tpu.memory_space<vmem>> -> memref<1664xi32, #tpu.memory_space<vmem>>
    %dma_wait3A_32 = arith.constant 0 : i32
    %dma_wait3A_33 = arith.constant 0 : i32
    %dma_wait3A_34 = tpu.memref_slice %arg3[%dma_wait3A_32, %dma_wait3A_33] : memref<2600000x16xf32, #tpu.memory_space<hbm>> -> memref<2600000x16xf32, #tpu.memory_space<hbm>>
    tpu.wait_indirect_dma semaphore(%arg10 : memref<!tpu.dma_semaphore, #tpu.memory_space<semaphore_mem>>) src(%dma_wait3A_34 : memref<2600000x16xf32, #tpu.memory_space<hbm>>) dst(%dma_wait3A_29 : memref<1664x16xf32, #tpu.memory_space<vmem>>)
    %run_scoped3A = arith.constant 0 : i32
    "tpu.region"() ({
      %run_scoped3A_178 = tpu.sem_alloc : memref<!tpu.dma_semaphore, #tpu.memory_space<semaphore_mem>>
      %dma_start3A_179 = arith.constant 0 : i32
      %dma_start3A_180 = arith.constant 0 : i32
      %dma_start3A_181 = tpu.memref_slice %arg8[%run_scoped3A, %dma_start3A_179, %dma_start3A_180] : memref<2x1664x16xf32, #tpu.memory_space<vmem>> -> memref<1x1664x16xf32, #tpu.memory_space<vmem>>
      %dma_start3A_182 = tpu.memref_squeeze %dma_start3A_181 : memref<1x1664x16xf32, #tpu.memory_space<vmem>> -> memref<1664x16xf32, #tpu.memory_space<vmem>>
      %dma_start3A_183 = arith.constant 0 : i32
      %dma_start3A_184 = arith.constant 0 : i32
      %dma_start3A_185 = tpu.memref_slice %arg5[%add3A, %dma_start3A_183, %dma_start3A_184] : memref<32x13312x16xf32, #tpu.memory_space<hbm>> -> memref<1x1664x16xf32, #tpu.memory_space<hbm>>
      %dma_start3A_186 = tpu.memref_squeeze %dma_start3A_185 : memref<1x1664x16xf32, #tpu.memory_space<hbm>> -> memref<1664x16xf32, #tpu.memory_space<hbm>>
      %dma_start3A_187 = arith.constant 0 : i32
      %dma_start3A_188 = arith.constant 0 : i32
      %dma_start3A_189 = tpu.memref_slice %arg5[%add3A, %dma_start3A_187, %dma_start3A_188] : memref<32x13312x16xf32, #tpu.memory_space<hbm>> -> memref<1x1664x16xf32, #tpu.memory_space<hbm>>
      %dma_start3A_190 = tpu.memref_squeeze %dma_start3A_189 : memref<1x1664x16xf32, #tpu.memory_space<hbm>> -> memref<1664x16xf32, #tpu.memory_space<hbm>>
      %dma_start3A_191 = arith.constant 0 : i32
      %dma_start3A_192 = arith.constant 0 : i32
      %dma_start3A_193 = tpu.memref_slice %arg8[%run_scoped3A, %dma_start3A_191, %dma_start3A_192] : memref<2x1664x16xf32, #tpu.memory_space<vmem>> -> memref<1x1664x16xf32, #tpu.memory_space<vmem>>
      %dma_start3A_194 = tpu.memref_squeeze %dma_start3A_193 : memref<1x1664x16xf32, #tpu.memory_space<vmem>> -> memref<1664x16xf32, #tpu.memory_space<vmem>>
      tpu.enqueue_dma source(%dma_start3A_194 : memref<1664x16xf32, #tpu.memory_space<vmem>>) target(%dma_start3A_190 : memref<1664x16xf32, #tpu.memory_space<hbm>>) target_semaphore(%run_scoped3A_178 : memref<!tpu.dma_semaphore, #tpu.memory_space<semaphore_mem>>)
      %dma_wait3A_195 = arith.constant 0 : i32
      %dma_wait3A_196 = arith.constant 0 : i32
      %dma_wait3A_197 = tpu.memref_slice %arg8[%run_scoped3A, %dma_wait3A_195, %dma_wait3A_196] : memref<2x1664x16xf32, #tpu.memory_space<vmem>> -> memref<1x1664x16xf32, #tpu.memory_space<vmem>>
      %dma_wait3A_198 = tpu.memref_squeeze %dma_wait3A_197 : memref<1x1664x16xf32, #tpu.memory_space<vmem>> -> memref<1664x16xf32, #tpu.memory_space<vmem>>
      %dma_wait3A_199 = arith.constant 0 : i32
      %dma_wait3A_200 = arith.constant 0 : i32
      %dma_wait3A_201 = tpu.memref_slice %arg5[%add3A, %dma_wait3A_199, %dma_wait3A_200] : memref<32x13312x16xf32, #tpu.memory_space<hbm>> -> memref<1x1664x16xf32, #tpu.memory_space<hbm>>
      %dma_wait3A_202 = tpu.memref_squeeze %dma_wait3A_201 : memref<1x1664x16xf32, #tpu.memory_space<hbm>> -> memref<1664x16xf32, #tpu.memory_space<hbm>>
      %dma_wait3A_203 = arith.constant 0 : i32
      %dma_wait3A_204 = arith.constant 0 : i32
      %dma_wait3A_205 = tpu.memref_slice %arg5[%add3A, %dma_wait3A_203, %dma_wait3A_204] : memref<32x13312x16xf32, #tpu.memory_space<hbm>> -> memref<1x1664x16xf32, #tpu.memory_space<hbm>>
      %dma_wait3A_206 = tpu.memref_squeeze %dma_wait3A_205 : memref<1x1664x16xf32, #tpu.memory_space<hbm>> -> memref<1664x16xf32, #tpu.memory_space<hbm>>
      %dma_wait3A_207 = arith.constant 0 : i32
      %dma_wait3A_208 = arith.constant 0 : i32
      %dma_wait3A_209 = tpu.memref_slice %arg8[%run_scoped3A, %dma_wait3A_207, %dma_wait3A_208] : memref<2x1664x16xf32, #tpu.memory_space<vmem>> -> memref<1x1664x16xf32, #tpu.memory_space<vmem>>
      %dma_wait3A_210 = tpu.memref_squeeze %dma_wait3A_209 : memref<1x1664x16xf32, #tpu.memory_space<vmem>> -> memref<1664x16xf32, #tpu.memory_space<vmem>>
      tpu.wait_dma2 semaphore(%run_scoped3A_178 : memref<!tpu.dma_semaphore, #tpu.memory_space<semaphore_mem>>) src(%dma_wait3A_210 : memref<1664x16xf32, #tpu.memory_space<vmem>>) dst(%dma_wait3A_206 : memref<1664x16xf32, #tpu.memory_space<hbm>>)
      tpu.yield
    }) : () -> ()
    %dma_start3A_35 = arith.constant 0 : i32
    %dma_start3A_36 = arith.constant 0 : i32
    %dma_start3A_37 = arith.constant 0 : i32
    %dma_start3A_38 = tpu.memref_slice %arg8[%dma_start3A_35, %dma_start3A_36, %dma_start3A_37] : memref<2x1664x16xf32, #tpu.memory_space<vmem>> -> memref<1x1664x16xf32, #tpu.memory_space<vmem>>
    %dma_start3A_39 = tpu.memref_squeeze %dma_start3A_38 : memref<1x1664x16xf32, #tpu.memory_space<vmem>> -> memref<1664x16xf32, #tpu.memory_space<vmem>>
    %dma_start3A_40 = arith.constant 3328 : i32
    %dma_start3A_41 = tpu.memref_slice %arg7[%dma_start3A_40] : memref<13312xi32, #tpu.memory_space<vmem>> -> memref<1664xi32, #tpu.memory_space<vmem>>
    %dma_start3A_42 = arith.constant 0 : i32
    %dma_start3A_43 = arith.constant 0 : i32
    %dma_start3A_44 = tpu.memref_slice %arg3[%dma_start3A_42, %dma_start3A_43] : memref<2600000x16xf32, #tpu.memory_space<hbm>> -> memref<2600000x16xf32, #tpu.memory_space<hbm>>
    tpu.enqueue_indirect_dma source(%dma_start3A_44 : memref<2600000x16xf32, #tpu.memory_space<hbm>>) target(%dma_start3A_39 : memref<1664x16xf32, #tpu.memory_space<vmem>>) offsets(%dma_start3A_41 : memref<1664xi32, #tpu.memory_space<vmem>>) semaphore(%arg10 : memref<!tpu.dma_semaphore, #tpu.memory_space<semaphore_mem>>)
    %dma_wait3A_45 = arith.constant 1 : i32
    %dma_wait3A_46 = arith.constant 0 : i32
    %dma_wait3A_47 = arith.constant 0 : i32
    %dma_wait3A_48 = tpu.memref_slice %arg8[%dma_wait3A_45, %dma_wait3A_46, %dma_wait3A_47] : memref<2x1664x16xf32, #tpu.memory_space<vmem>> -> memref<1x1664x16xf32, #tpu.memory_space<vmem>>
    %dma_wait3A_49 = tpu.memref_squeeze %dma_wait3A_48 : memref<1x1664x16xf32, #tpu.memory_space<vmem>> -> memref<1664x16xf32, #tpu.memory_space<vmem>>
    %dma_wait3A_50 = arith.constant 1664 : i32
    %dma_wait3A_51 = tpu.memref_slice %arg7[%dma_wait3A_50] : memref<13312xi32, #tpu.memory_space<vmem>> -> memref<1664xi32, #tpu.memory_space<vmem>>
    %dma_wait3A_52 = arith.constant 0 : i32
    %dma_wait3A_53 = arith.constant 0 : i32
    %dma_wait3A_54 = tpu.memref_slice %arg3[%dma_wait3A_52, %dma_wait3A_53] : memref<2600000x16xf32, #tpu.memory_space<hbm>> -> memref<2600000x16xf32, #tpu.memory_space<hbm>>
    tpu.wait_indirect_dma semaphore(%arg11 : memref<!tpu.dma_semaphore, #tpu.memory_space<semaphore_mem>>) src(%dma_wait3A_54 : memref<2600000x16xf32, #tpu.memory_space<hbm>>) dst(%dma_wait3A_49 : memref<1664x16xf32, #tpu.memory_space<vmem>>)
    %run_scoped3A_55 = arith.constant 1 : i32
    "tpu.region"() ({
      %run_scoped3A_178 = tpu.sem_alloc : memref<!tpu.dma_semaphore, #tpu.memory_space<semaphore_mem>>
      %dma_start3A_179 = arith.constant 0 : i32
      %dma_start3A_180 = arith.constant 0 : i32
      %dma_start3A_181 = tpu.memref_slice %arg8[%run_scoped3A_55, %dma_start3A_179, %dma_start3A_180] : memref<2x1664x16xf32, #tpu.memory_space<vmem>> -> memref<1x1664x16xf32, #tpu.memory_space<vmem>>
      %dma_start3A_182 = tpu.memref_squeeze %dma_start3A_181 : memref<1x1664x16xf32, #tpu.memory_space<vmem>> -> memref<1664x16xf32, #tpu.memory_space<vmem>>
      %dma_start3A_183 = arith.constant 1664 : i32
      %dma_start3A_184 = arith.constant 0 : i32
      %dma_start3A_185 = tpu.memref_slice %arg5[%add3A, %dma_start3A_183, %dma_start3A_184] : memref<32x13312x16xf32, #tpu.memory_space<hbm>> -> memref<1x1664x16xf32, #tpu.memory_space<hbm>>
      %dma_start3A_186 = tpu.memref_squeeze %dma_start3A_185 : memref<1x1664x16xf32, #tpu.memory_space<hbm>> -> memref<1664x16xf32, #tpu.memory_space<hbm>>
      %dma_start3A_187 = arith.constant 1664 : i32
      %dma_start3A_188 = arith.constant 0 : i32
      %dma_start3A_189 = tpu.memref_slice %arg5[%add3A, %dma_start3A_187, %dma_start3A_188] : memref<32x13312x16xf32, #tpu.memory_space<hbm>> -> memref<1x1664x16xf32, #tpu.memory_space<hbm>>
      %dma_start3A_190 = tpu.memref_squeeze %dma_start3A_189 : memref<1x1664x16xf32, #tpu.memory_space<hbm>> -> memref<1664x16xf32, #tpu.memory_space<hbm>>
      %dma_start3A_191 = arith.constant 0 : i32
      %dma_start3A_192 = arith.constant 0 : i32
      %dma_start3A_193 = tpu.memref_slice %arg8[%run_scoped3A_55, %dma_start3A_191, %dma_start3A_192] : memref<2x1664x16xf32, #tpu.memory_space<vmem>> -> memref<1x1664x16xf32, #tpu.memory_space<vmem>>
      %dma_start3A_194 = tpu.memref_squeeze %dma_start3A_193 : memref<1x1664x16xf32, #tpu.memory_space<vmem>> -> memref<1664x16xf32, #tpu.memory_space<vmem>>
      tpu.enqueue_dma source(%dma_start3A_194 : memref<1664x16xf32, #tpu.memory_space<vmem>>) target(%dma_start3A_190 : memref<1664x16xf32, #tpu.memory_space<hbm>>) target_semaphore(%run_scoped3A_178 : memref<!tpu.dma_semaphore, #tpu.memory_space<semaphore_mem>>)
      %dma_wait3A_195 = arith.constant 0 : i32
      %dma_wait3A_196 = arith.constant 0 : i32
      %dma_wait3A_197 = tpu.memref_slice %arg8[%run_scoped3A_55, %dma_wait3A_195, %dma_wait3A_196] : memref<2x1664x16xf32, #tpu.memory_space<vmem>> -> memref<1x1664x16xf32, #tpu.memory_space<vmem>>
      %dma_wait3A_198 = tpu.memref_squeeze %dma_wait3A_197 : memref<1x1664x16xf32, #tpu.memory_space<vmem>> -> memref<1664x16xf32, #tpu.memory_space<vmem>>
      %dma_wait3A_199 = arith.constant 1664 : i32
      %dma_wait3A_200 = arith.constant 0 : i32
      %dma_wait3A_201 = tpu.memref_slice %arg5[%add3A, %dma_wait3A_199, %dma_wait3A_200] : memref<32x13312x16xf32, #tpu.memory_space<hbm>> -> memref<1x1664x16xf32, #tpu.memory_space<hbm>>
      %dma_wait3A_202 = tpu.memref_squeeze %dma_wait3A_201 : memref<1x1664x16xf32, #tpu.memory_space<hbm>> -> memref<1664x16xf32, #tpu.memory_space<hbm>>
      %dma_wait3A_203 = arith.constant 1664 : i32
      %dma_wait3A_204 = arith.constant 0 : i32
      %dma_wait3A_205 = tpu.memref_slice %arg5[%add3A, %dma_wait3A_203, %dma_wait3A_204] : memref<32x13312x16xf32, #tpu.memory_space<hbm>> -> memref<1x1664x16xf32, #tpu.memory_space<hbm>>
      %dma_wait3A_206 = tpu.memref_squeeze %dma_wait3A_205 : memref<1x1664x16xf32, #tpu.memory_space<hbm>> -> memref<1664x16xf32, #tpu.memory_space<hbm>>
      %dma_wait3A_207 = arith.constant 0 : i32
      %dma_wait3A_208 = arith.constant 0 : i32
      %dma_wait3A_209 = tpu.memref_slice %arg8[%run_scoped3A_55, %dma_wait3A_207, %dma_wait3A_208] : memref<2x1664x16xf32, #tpu.memory_space<vmem>> -> memref<1x1664x16xf32, #tpu.memory_space<vmem>>
      %dma_wait3A_210 = tpu.memref_squeeze %dma_wait3A_209 : memref<1x1664x16xf32, #tpu.memory_space<vmem>> -> memref<1664x16xf32, #tpu.memory_space<vmem>>
      tpu.wait_dma2 semaphore(%run_scoped3A_178 : memref<!tpu.dma_semaphore, #tpu.memory_space<semaphore_mem>>) src(%dma_wait3A_210 : memref<1664x16xf32, #tpu.memory_space<vmem>>) dst(%dma_wait3A_206 : memref<1664x16xf32, #tpu.memory_space<hbm>>)
      tpu.yield
    }) : () -> ()
    %dma_start3A_56 = arith.constant 1 : i32
    %dma_start3A_57 = arith.constant 0 : i32
    %dma_start3A_58 = arith.constant 0 : i32
    %dma_start3A_59 = tpu.memref_slice %arg8[%dma_start3A_56, %dma_start3A_57, %dma_start3A_58] : memref<2x1664x16xf32, #tpu.memory_space<vmem>> -> memref<1x1664x16xf32, #tpu.memory_space<vmem>>
    %dma_start3A_60 = tpu.memref_squeeze %dma_start3A_59 : memref<1x1664x16xf32, #tpu.memory_space<vmem>> -> memref<1664x16xf32, #tpu.memory_space<vmem>>
    %dma_start3A_61 = arith.constant 4992 : i32
    %dma_start3A_62 = tpu.memref_slice %arg7[%dma_start3A_61] : memref<13312xi32, #tpu.memory_space<vmem>> -> memref<1664xi32, #tpu.memory_space<vmem>>
    %dma_start3A_63 = arith.constant 0 : i32
    %dma_start3A_64 = arith.constant 0 : i32
    %dma_start3A_65 = tpu.memref_slice %arg3[%dma_start3A_63, %dma_start3A_64] : memref<2600000x16xf32, #tpu.memory_space<hbm>> -> memref<2600000x16xf32, #tpu.memory_space<hbm>>
    tpu.enqueue_indirect_dma source(%dma_start3A_65 : memref<2600000x16xf32, #tpu.memory_space<hbm>>) target(%dma_start3A_60 : memref<1664x16xf32, #tpu.memory_space<vmem>>) offsets(%dma_start3A_62 : memref<1664xi32, #tpu.memory_space<vmem>>) semaphore(%arg11 : memref<!tpu.dma_semaphore, #tpu.memory_space<semaphore_mem>>)
    %dma_wait3A_66 = arith.constant 0 : i32
    %dma_wait3A_67 = arith.constant 0 : i32
    %dma_wait3A_68 = arith.constant 0 : i32
    %dma_wait3A_69 = tpu.memref_slice %arg8[%dma_wait3A_66, %dma_wait3A_67, %dma_wait3A_68] : memref<2x1664x16xf32, #tpu.memory_space<vmem>> -> memref<1x1664x16xf32, #tpu.memory_space<vmem>>
    %dma_wait3A_70 = tpu.memref_squeeze %dma_wait3A_69 : memref<1x1664x16xf32, #tpu.memory_space<vmem>> -> memref<1664x16xf32, #tpu.memory_space<vmem>>
    %dma_wait3A_71 = arith.constant 3328 : i32
    %dma_wait3A_72 = tpu.memref_slice %arg7[%dma_wait3A_71] : memref<13312xi32, #tpu.memory_space<vmem>> -> memref<1664xi32, #tpu.memory_space<vmem>>
    %dma_wait3A_73 = arith.constant 0 : i32
    %dma_wait3A_74 = arith.constant 0 : i32
    %dma_wait3A_75 = tpu.memref_slice %arg3[%dma_wait3A_73, %dma_wait3A_74] : memref<2600000x16xf32, #tpu.memory_space<hbm>> -> memref<2600000x16xf32, #tpu.memory_space<hbm>>
    tpu.wait_indirect_dma semaphore(%arg10 : memref<!tpu.dma_semaphore, #tpu.memory_space<semaphore_mem>>) src(%dma_wait3A_75 : memref<2600000x16xf32, #tpu.memory_space<hbm>>) dst(%dma_wait3A_70 : memref<1664x16xf32, #tpu.memory_space<vmem>>)
    %run_scoped3A_76 = arith.constant 0 : i32
    "tpu.region"() ({
      %run_scoped3A_178 = tpu.sem_alloc : memref<!tpu.dma_semaphore, #tpu.memory_space<semaphore_mem>>
      %dma_start3A_179 = arith.constant 0 : i32
      %dma_start3A_180 = arith.constant 0 : i32
      %dma_start3A_181 = tpu.memref_slice %arg8[%run_scoped3A_76, %dma_start3A_179, %dma_start3A_180] : memref<2x1664x16xf32, #tpu.memory_space<vmem>> -> memref<1x1664x16xf32, #tpu.memory_space<vmem>>
      %dma_start3A_182 = tpu.memref_squeeze %dma_start3A_181 : memref<1x1664x16xf32, #tpu.memory_space<vmem>> -> memref<1664x16xf32, #tpu.memory_space<vmem>>
      %dma_start3A_183 = arith.constant 3328 : i32
      %dma_start3A_184 = arith.constant 0 : i32
      %dma_start3A_185 = tpu.memref_slice %arg5[%add3A, %dma_start3A_183, %dma_start3A_184] : memref<32x13312x16xf32, #tpu.memory_space<hbm>> -> memref<1x1664x16xf32, #tpu.memory_space<hbm>>
      %dma_start3A_186 = tpu.memref_squeeze %dma_start3A_185 : memref<1x1664x16xf32, #tpu.memory_space<hbm>> -> memref<1664x16xf32, #tpu.memory_space<hbm>>
      %dma_start3A_187 = arith.constant 3328 : i32
      %dma_start3A_188 = arith.constant 0 : i32
      %dma_start3A_189 = tpu.memref_slice %arg5[%add3A, %dma_start3A_187, %dma_start3A_188] : memref<32x13312x16xf32, #tpu.memory_space<hbm>> -> memref<1x1664x16xf32, #tpu.memory_space<hbm>>
      %dma_start3A_190 = tpu.memref_squeeze %dma_start3A_189 : memref<1x1664x16xf32, #tpu.memory_space<hbm>> -> memref<1664x16xf32, #tpu.memory_space<hbm>>
      %dma_start3A_191 = arith.constant 0 : i32
      %dma_start3A_192 = arith.constant 0 : i32
      %dma_start3A_193 = tpu.memref_slice %arg8[%run_scoped3A_76, %dma_start3A_191, %dma_start3A_192] : memref<2x1664x16xf32, #tpu.memory_space<vmem>> -> memref<1x1664x16xf32, #tpu.memory_space<vmem>>
      %dma_start3A_194 = tpu.memref_squeeze %dma_start3A_193 : memref<1x1664x16xf32, #tpu.memory_space<vmem>> -> memref<1664x16xf32, #tpu.memory_space<vmem>>
      tpu.enqueue_dma source(%dma_start3A_194 : memref<1664x16xf32, #tpu.memory_space<vmem>>) target(%dma_start3A_190 : memref<1664x16xf32, #tpu.memory_space<hbm>>) target_semaphore(%run_scoped3A_178 : memref<!tpu.dma_semaphore, #tpu.memory_space<semaphore_mem>>)
      %dma_wait3A_195 = arith.constant 0 : i32
      %dma_wait3A_196 = arith.constant 0 : i32
      %dma_wait3A_197 = tpu.memref_slice %arg8[%run_scoped3A_76, %dma_wait3A_195, %dma_wait3A_196] : memref<2x1664x16xf32, #tpu.memory_space<vmem>> -> memref<1x1664x16xf32, #tpu.memory_space<vmem>>
      %dma_wait3A_198 = tpu.memref_squeeze %dma_wait3A_197 : memref<1x1664x16xf32, #tpu.memory_space<vmem>> -> memref<1664x16xf32, #tpu.memory_space<vmem>>
      %dma_wait3A_199 = arith.constant 3328 : i32
      %dma_wait3A_200 = arith.constant 0 : i32
      %dma_wait3A_201 = tpu.memref_slice %arg5[%add3A, %dma_wait3A_199, %dma_wait3A_200] : memref<32x13312x16xf32, #tpu.memory_space<hbm>> -> memref<1x1664x16xf32, #tpu.memory_space<hbm>>
      %dma_wait3A_202 = tpu.memref_squeeze %dma_wait3A_201 : memref<1x1664x16xf32, #tpu.memory_space<hbm>> -> memref<1664x16xf32, #tpu.memory_space<hbm>>
      %dma_wait3A_203 = arith.constant 3328 : i32
      %dma_wait3A_204 = arith.constant 0 : i32
      %dma_wait3A_205 = tpu.memref_slice %arg5[%add3A, %dma_wait3A_203, %dma_wait3A_204] : memref<32x13312x16xf32, #tpu.memory_space<hbm>> -> memref<1x1664x16xf32, #tpu.memory_space<hbm>>
      %dma_wait3A_206 = tpu.memref_squeeze %dma_wait3A_205 : memref<1x1664x16xf32, #tpu.memory_space<hbm>> -> memref<1664x16xf32, #tpu.memory_space<hbm>>
      %dma_wait3A_207 = arith.constant 0 : i32
      %dma_wait3A_208 = arith.constant 0 : i32
      %dma_wait3A_209 = tpu.memref_slice %arg8[%run_scoped3A_76, %dma_wait3A_207, %dma_wait3A_208] : memref<2x1664x16xf32, #tpu.memory_space<vmem>> -> memref<1x1664x16xf32, #tpu.memory_space<vmem>>
      %dma_wait3A_210 = tpu.memref_squeeze %dma_wait3A_209 : memref<1x1664x16xf32, #tpu.memory_space<vmem>> -> memref<1664x16xf32, #tpu.memory_space<vmem>>
      tpu.wait_dma2 semaphore(%run_scoped3A_178 : memref<!tpu.dma_semaphore, #tpu.memory_space<semaphore_mem>>) src(%dma_wait3A_210 : memref<1664x16xf32, #tpu.memory_space<vmem>>) dst(%dma_wait3A_206 : memref<1664x16xf32, #tpu.memory_space<hbm>>)
      tpu.yield
    }) : () -> ()
    %dma_start3A_77 = arith.constant 0 : i32
    %dma_start3A_78 = arith.constant 0 : i32
    %dma_start3A_79 = arith.constant 0 : i32
    %dma_start3A_80 = tpu.memref_slice %arg8[%dma_start3A_77, %dma_start3A_78, %dma_start3A_79] : memref<2x1664x16xf32, #tpu.memory_space<vmem>> -> memref<1x1664x16xf32, #tpu.memory_space<vmem>>
    %dma_start3A_81 = tpu.memref_squeeze %dma_start3A_80 : memref<1x1664x16xf32, #tpu.memory_space<vmem>> -> memref<1664x16xf32, #tpu.memory_space<vmem>>
    %dma_start3A_82 = arith.constant 6656 : i32
    %dma_start3A_83 = tpu.memref_slice %arg7[%dma_start3A_82] : memref<13312xi32, #tpu.memory_space<vmem>> -> memref<1664xi32, #tpu.memory_space<vmem>>
    %dma_start3A_84 = arith.constant 0 : i32
    %dma_start3A_85 = arith.constant 0 : i32
    %dma_start3A_86 = tpu.memref_slice %arg3[%dma_start3A_84, %dma_start3A_85] : memref<2600000x16xf32, #tpu.memory_space<hbm>> -> memref<2600000x16xf32, #tpu.memory_space<hbm>>
    tpu.enqueue_indirect_dma source(%dma_start3A_86 : memref<2600000x16xf32, #tpu.memory_space<hbm>>) target(%dma_start3A_81 : memref<1664x16xf32, #tpu.memory_space<vmem>>) offsets(%dma_start3A_83 : memref<1664xi32, #tpu.memory_space<vmem>>) semaphore(%arg10 : memref<!tpu.dma_semaphore, #tpu.memory_space<semaphore_mem>>)
    %dma_wait3A_87 = arith.constant 1 : i32
    %dma_wait3A_88 = arith.constant 0 : i32
    %dma_wait3A_89 = arith.constant 0 : i32
    %dma_wait3A_90 = tpu.memref_slice %arg8[%dma_wait3A_87, %dma_wait3A_88, %dma_wait3A_89] : memref<2x1664x16xf32, #tpu.memory_space<vmem>> -> memref<1x1664x16xf32, #tpu.memory_space<vmem>>
    %dma_wait3A_91 = tpu.memref_squeeze %dma_wait3A_90 : memref<1x1664x16xf32, #tpu.memory_space<vmem>> -> memref<1664x16xf32, #tpu.memory_space<vmem>>
    %dma_wait3A_92 = arith.constant 4992 : i32
    %dma_wait3A_93 = tpu.memref_slice %arg7[%dma_wait3A_92] : memref<13312xi32, #tpu.memory_space<vmem>> -> memref<1664xi32, #tpu.memory_space<vmem>>
    %dma_wait3A_94 = arith.constant 0 : i32
    %dma_wait3A_95 = arith.constant 0 : i32
    %dma_wait3A_96 = tpu.memref_slice %arg3[%dma_wait3A_94, %dma_wait3A_95] : memref<2600000x16xf32, #tpu.memory_space<hbm>> -> memref<2600000x16xf32, #tpu.memory_space<hbm>>
    tpu.wait_indirect_dma semaphore(%arg11 : memref<!tpu.dma_semaphore, #tpu.memory_space<semaphore_mem>>) src(%dma_wait3A_96 : memref<2600000x16xf32, #tpu.memory_space<hbm>>) dst(%dma_wait3A_91 : memref<1664x16xf32, #tpu.memory_space<vmem>>)
    %run_scoped3A_97 = arith.constant 1 : i32
    "tpu.region"() ({
      %run_scoped3A_178 = tpu.sem_alloc : memref<!tpu.dma_semaphore, #tpu.memory_space<semaphore_mem>>
      %dma_start3A_179 = arith.constant 0 : i32
      %dma_start3A_180 = arith.constant 0 : i32
      %dma_start3A_181 = tpu.memref_slice %arg8[%run_scoped3A_97, %dma_start3A_179, %dma_start3A_180] : memref<2x1664x16xf32, #tpu.memory_space<vmem>> -> memref<1x1664x16xf32, #tpu.memory_space<vmem>>
      %dma_start3A_182 = tpu.memref_squeeze %dma_start3A_181 : memref<1x1664x16xf32, #tpu.memory_space<vmem>> -> memref<1664x16xf32, #tpu.memory_space<vmem>>
      %dma_start3A_183 = arith.constant 4992 : i32
      %dma_start3A_184 = arith.constant 0 : i32
      %dma_start3A_185 = tpu.memref_slice %arg5[%add3A, %dma_start3A_183, %dma_start3A_184] : memref<32x13312x16xf32, #tpu.memory_space<hbm>> -> memref<1x1664x16xf32, #tpu.memory_space<hbm>>
      %dma_start3A_186 = tpu.memref_squeeze %dma_start3A_185 : memref<1x1664x16xf32, #tpu.memory_space<hbm>> -> memref<1664x16xf32, #tpu.memory_space<hbm>>
      %dma_start3A_187 = arith.constant 4992 : i32
      %dma_start3A_188 = arith.constant 0 : i32
      %dma_start3A_189 = tpu.memref_slice %arg5[%add3A, %dma_start3A_187, %dma_start3A_188] : memref<32x13312x16xf32, #tpu.memory_space<hbm>> -> memref<1x1664x16xf32, #tpu.memory_space<hbm>>
      %dma_start3A_190 = tpu.memref_squeeze %dma_start3A_189 : memref<1x1664x16xf32, #tpu.memory_space<hbm>> -> memref<1664x16xf32, #tpu.memory_space<hbm>>
      %dma_start3A_191 = arith.constant 0 : i32
      %dma_start3A_192 = arith.constant 0 : i32
      %dma_start3A_193 = tpu.memref_slice %arg8[%run_scoped3A_97, %dma_start3A_191, %dma_start3A_192] : memref<2x1664x16xf32, #tpu.memory_space<vmem>> -> memref<1x1664x16xf32, #tpu.memory_space<vmem>>
      %dma_start3A_194 = tpu.memref_squeeze %dma_start3A_193 : memref<1x1664x16xf32, #tpu.memory_space<vmem>> -> memref<1664x16xf32, #tpu.memory_space<vmem>>
      tpu.enqueue_dma source(%dma_start3A_194 : memref<1664x16xf32, #tpu.memory_space<vmem>>) target(%dma_start3A_190 : memref<1664x16xf32, #tpu.memory_space<hbm>>) target_semaphore(%run_scoped3A_178 : memref<!tpu.dma_semaphore, #tpu.memory_space<semaphore_mem>>)
      %dma_wait3A_195 = arith.constant 0 : i32
      %dma_wait3A_196 = arith.constant 0 : i32
      %dma_wait3A_197 = tpu.memref_slice %arg8[%run_scoped3A_97, %dma_wait3A_195, %dma_wait3A_196] : memref<2x1664x16xf32, #tpu.memory_space<vmem>> -> memref<1x1664x16xf32, #tpu.memory_space<vmem>>
      %dma_wait3A_198 = tpu.memref_squeeze %dma_wait3A_197 : memref<1x1664x16xf32, #tpu.memory_space<vmem>> -> memref<1664x16xf32, #tpu.memory_space<vmem>>
      %dma_wait3A_199 = arith.constant 4992 : i32
      %dma_wait3A_200 = arith.constant 0 : i32
      %dma_wait3A_201 = tpu.memref_slice %arg5[%add3A, %dma_wait3A_199, %dma_wait3A_200] : memref<32x13312x16xf32, #tpu.memory_space<hbm>> -> memref<1x1664x16xf32, #tpu.memory_space<hbm>>
      %dma_wait3A_202 = tpu.memref_squeeze %dma_wait3A_201 : memref<1x1664x16xf32, #tpu.memory_space<hbm>> -> memref<1664x16xf32, #tpu.memory_space<hbm>>
      %dma_wait3A_203 = arith.constant 4992 : i32
      %dma_wait3A_204 = arith.constant 0 : i32
      %dma_wait3A_205 = tpu.memref_slice %arg5[%add3A, %dma_wait3A_203, %dma_wait3A_204] : memref<32x13312x16xf32, #tpu.memory_space<hbm>> -> memref<1x1664x16xf32, #tpu.memory_space<hbm>>
      %dma_wait3A_206 = tpu.memref_squeeze %dma_wait3A_205 : memref<1x1664x16xf32, #tpu.memory_space<hbm>> -> memref<1664x16xf32, #tpu.memory_space<hbm>>
      %dma_wait3A_207 = arith.constant 0 : i32
      %dma_wait3A_208 = arith.constant 0 : i32
      %dma_wait3A_209 = tpu.memref_slice %arg8[%run_scoped3A_97, %dma_wait3A_207, %dma_wait3A_208] : memref<2x1664x16xf32, #tpu.memory_space<vmem>> -> memref<1x1664x16xf32, #tpu.memory_space<vmem>>
      %dma_wait3A_210 = tpu.memref_squeeze %dma_wait3A_209 : memref<1x1664x16xf32, #tpu.memory_space<vmem>> -> memref<1664x16xf32, #tpu.memory_space<vmem>>
      tpu.wait_dma2 semaphore(%run_scoped3A_178 : memref<!tpu.dma_semaphore, #tpu.memory_space<semaphore_mem>>) src(%dma_wait3A_210 : memref<1664x16xf32, #tpu.memory_space<vmem>>) dst(%dma_wait3A_206 : memref<1664x16xf32, #tpu.memory_space<hbm>>)
      tpu.yield
    }) : () -> ()
    %dma_start3A_98 = arith.constant 1 : i32
    %dma_start3A_99 = arith.constant 0 : i32
    %dma_start3A_100 = arith.constant 0 : i32
    %dma_start3A_101 = tpu.memref_slice %arg8[%dma_start3A_98, %dma_start3A_99, %dma_start3A_100] : memref<2x1664x16xf32, #tpu.memory_space<vmem>> -> memref<1x1664x16xf32, #tpu.memory_space<vmem>>
    %dma_start3A_102 = tpu.memref_squeeze %dma_start3A_101 : memref<1x1664x16xf32, #tpu.memory_space<vmem>> -> memref<1664x16xf32, #tpu.memory_space<vmem>>
    %dma_start3A_103 = arith.constant 8320 : i32
    %dma_start3A_104 = tpu.memref_slice %arg7[%dma_start3A_103] : memref<13312xi32, #tpu.memory_space<vmem>> -> memref<1664xi32, #tpu.memory_space<vmem>>
    %dma_start3A_105 = arith.constant 0 : i32
    %dma_start3A_106 = arith.constant 0 : i32
    %dma_start3A_107 = tpu.memref_slice %arg3[%dma_start3A_105, %dma_start3A_106] : memref<2600000x16xf32, #tpu.memory_space<hbm>> -> memref<2600000x16xf32, #tpu.memory_space<hbm>>
    tpu.enqueue_indirect_dma source(%dma_start3A_107 : memref<2600000x16xf32, #tpu.memory_space<hbm>>) target(%dma_start3A_102 : memref<1664x16xf32, #tpu.memory_space<vmem>>) offsets(%dma_start3A_104 : memref<1664xi32, #tpu.memory_space<vmem>>) semaphore(%arg11 : memref<!tpu.dma_semaphore, #tpu.memory_space<semaphore_mem>>)
    %dma_wait3A_108 = arith.constant 0 : i32
    %dma_wait3A_109 = arith.constant 0 : i32
    %dma_wait3A_110 = arith.constant 0 : i32
    %dma_wait3A_111 = tpu.memref_slice %arg8[%dma_wait3A_108, %dma_wait3A_109, %dma_wait3A_110] : memref<2x1664x16xf32, #tpu.memory_space<vmem>> -> memref<1x1664x16xf32, #tpu.memory_space<vmem>>
    %dma_wait3A_112 = tpu.memref_squeeze %dma_wait3A_111 : memref<1x1664x16xf32, #tpu.memory_space<vmem>> -> memref<1664x16xf32, #tpu.memory_space<vmem>>
    %dma_wait3A_113 = arith.constant 6656 : i32
    %dma_wait3A_114 = tpu.memref_slice %arg7[%dma_wait3A_113] : memref<13312xi32, #tpu.memory_space<vmem>> -> memref<1664xi32, #tpu.memory_space<vmem>>
    %dma_wait3A_115 = arith.constant 0 : i32
    %dma_wait3A_116 = arith.constant 0 : i32
    %dma_wait3A_117 = tpu.memref_slice %arg3[%dma_wait3A_115, %dma_wait3A_116] : memref<2600000x16xf32, #tpu.memory_space<hbm>> -> memref<2600000x16xf32, #tpu.memory_space<hbm>>
    tpu.wait_indirect_dma semaphore(%arg10 : memref<!tpu.dma_semaphore, #tpu.memory_space<semaphore_mem>>) src(%dma_wait3A_117 : memref<2600000x16xf32, #tpu.memory_space<hbm>>) dst(%dma_wait3A_112 : memref<1664x16xf32, #tpu.memory_space<vmem>>)
    %run_scoped3A_118 = arith.constant 0 : i32
    "tpu.region"() ({
      %run_scoped3A_178 = tpu.sem_alloc : memref<!tpu.dma_semaphore, #tpu.memory_space<semaphore_mem>>
      %dma_start3A_179 = arith.constant 0 : i32
      %dma_start3A_180 = arith.constant 0 : i32
      %dma_start3A_181 = tpu.memref_slice %arg8[%run_scoped3A_118, %dma_start3A_179, %dma_start3A_180] : memref<2x1664x16xf32, #tpu.memory_space<vmem>> -> memref<1x1664x16xf32, #tpu.memory_space<vmem>>
      %dma_start3A_182 = tpu.memref_squeeze %dma_start3A_181 : memref<1x1664x16xf32, #tpu.memory_space<vmem>> -> memref<1664x16xf32, #tpu.memory_space<vmem>>
      %dma_start3A_183 = arith.constant 6656 : i32
      %dma_start3A_184 = arith.constant 0 : i32
      %dma_start3A_185 = tpu.memref_slice %arg5[%add3A, %dma_start3A_183, %dma_start3A_184] : memref<32x13312x16xf32, #tpu.memory_space<hbm>> -> memref<1x1664x16xf32, #tpu.memory_space<hbm>>
      %dma_start3A_186 = tpu.memref_squeeze %dma_start3A_185 : memref<1x1664x16xf32, #tpu.memory_space<hbm>> -> memref<1664x16xf32, #tpu.memory_space<hbm>>
      %dma_start3A_187 = arith.constant 6656 : i32
      %dma_start3A_188 = arith.constant 0 : i32
      %dma_start3A_189 = tpu.memref_slice %arg5[%add3A, %dma_start3A_187, %dma_start3A_188] : memref<32x13312x16xf32, #tpu.memory_space<hbm>> -> memref<1x1664x16xf32, #tpu.memory_space<hbm>>
      %dma_start3A_190 = tpu.memref_squeeze %dma_start3A_189 : memref<1x1664x16xf32, #tpu.memory_space<hbm>> -> memref<1664x16xf32, #tpu.memory_space<hbm>>
      %dma_start3A_191 = arith.constant 0 : i32
      %dma_start3A_192 = arith.constant 0 : i32
      %dma_start3A_193 = tpu.memref_slice %arg8[%run_scoped3A_118, %dma_start3A_191, %dma_start3A_192] : memref<2x1664x16xf32, #tpu.memory_space<vmem>> -> memref<1x1664x16xf32, #tpu.memory_space<vmem>>
      %dma_start3A_194 = tpu.memref_squeeze %dma_start3A_193 : memref<1x1664x16xf32, #tpu.memory_space<vmem>> -> memref<1664x16xf32, #tpu.memory_space<vmem>>
      tpu.enqueue_dma source(%dma_start3A_194 : memref<1664x16xf32, #tpu.memory_space<vmem>>) target(%dma_start3A_190 : memref<1664x16xf32, #tpu.memory_space<hbm>>) target_semaphore(%run_scoped3A_178 : memref<!tpu.dma_semaphore, #tpu.memory_space<semaphore_mem>>)
      %dma_wait3A_195 = arith.constant 0 : i32
      %dma_wait3A_196 = arith.constant 0 : i32
      %dma_wait3A_197 = tpu.memref_slice %arg8[%run_scoped3A_118, %dma_wait3A_195, %dma_wait3A_196] : memref<2x1664x16xf32, #tpu.memory_space<vmem>> -> memref<1x1664x16xf32, #tpu.memory_space<vmem>>
      %dma_wait3A_198 = tpu.memref_squeeze %dma_wait3A_197 : memref<1x1664x16xf32, #tpu.memory_space<vmem>> -> memref<1664x16xf32, #tpu.memory_space<vmem>>
      %dma_wait3A_199 = arith.constant 6656 : i32
      %dma_wait3A_200 = arith.constant 0 : i32
      %dma_wait3A_201 = tpu.memref_slice %arg5[%add3A, %dma_wait3A_199, %dma_wait3A_200] : memref<32x13312x16xf32, #tpu.memory_space<hbm>> -> memref<1x1664x16xf32, #tpu.memory_space<hbm>>
      %dma_wait3A_202 = tpu.memref_squeeze %dma_wait3A_201 : memref<1x1664x16xf32, #tpu.memory_space<hbm>> -> memref<1664x16xf32, #tpu.memory_space<hbm>>
      %dma_wait3A_203 = arith.constant 6656 : i32
      %dma_wait3A_204 = arith.constant 0 : i32
      %dma_wait3A_205 = tpu.memref_slice %arg5[%add3A, %dma_wait3A_203, %dma_wait3A_204] : memref<32x13312x16xf32, #tpu.memory_space<hbm>> -> memref<1x1664x16xf32, #tpu.memory_space<hbm>>
      %dma_wait3A_206 = tpu.memref_squeeze %dma_wait3A_205 : memref<1x1664x16xf32, #tpu.memory_space<hbm>> -> memref<1664x16xf32, #tpu.memory_space<hbm>>
      %dma_wait3A_207 = arith.constant 0 : i32
      %dma_wait3A_208 = arith.constant 0 : i32
      %dma_wait3A_209 = tpu.memref_slice %arg8[%run_scoped3A_118, %dma_wait3A_207, %dma_wait3A_208] : memref<2x1664x16xf32, #tpu.memory_space<vmem>> -> memref<1x1664x16xf32, #tpu.memory_space<vmem>>
      %dma_wait3A_210 = tpu.memref_squeeze %dma_wait3A_209 : memref<1x1664x16xf32, #tpu.memory_space<vmem>> -> memref<1664x16xf32, #tpu.memory_space<vmem>>
      tpu.wait_dma2 semaphore(%run_scoped3A_178 : memref<!tpu.dma_semaphore, #tpu.memory_space<semaphore_mem>>) src(%dma_wait3A_210 : memref<1664x16xf32, #tpu.memory_space<vmem>>) dst(%dma_wait3A_206 : memref<1664x16xf32, #tpu.memory_space<hbm>>)
      tpu.yield
    }) : () -> ()
    %dma_start3A_119 = arith.constant 0 : i32
    %dma_start3A_120 = arith.constant 0 : i32
    %dma_start3A_121 = arith.constant 0 : i32
    %dma_start3A_122 = tpu.memref_slice %arg8[%dma_start3A_119, %dma_start3A_120, %dma_start3A_121] : memref<2x1664x16xf32, #tpu.memory_space<vmem>> -> memref<1x1664x16xf32, #tpu.memory_space<vmem>>
    %dma_start3A_123 = tpu.memref_squeeze %dma_start3A_122 : memref<1x1664x16xf32, #tpu.memory_space<vmem>> -> memref<1664x16xf32, #tpu.memory_space<vmem>>
    %dma_start3A_124 = arith.constant 9984 : i32
    %dma_start3A_125 = tpu.memref_slice %arg7[%dma_start3A_124] : memref<13312xi32, #tpu.memory_space<vmem>> -> memref<1664xi32, #tpu.memory_space<vmem>>
    %dma_start3A_126 = arith.constant 0 : i32
    %dma_start3A_127 = arith.constant 0 : i32
    %dma_start3A_128 = tpu.memref_slice %arg3[%dma_start3A_126, %dma_start3A_127] : memref<2600000x16xf32, #tpu.memory_space<hbm>> -> memref<2600000x16xf32, #tpu.memory_space<hbm>>
    tpu.enqueue_indirect_dma source(%dma_start3A_128 : memref<2600000x16xf32, #tpu.memory_space<hbm>>) target(%dma_start3A_123 : memref<1664x16xf32, #tpu.memory_space<vmem>>) offsets(%dma_start3A_125 : memref<1664xi32, #tpu.memory_space<vmem>>) semaphore(%arg10 : memref<!tpu.dma_semaphore, #tpu.memory_space<semaphore_mem>>)
    %dma_wait3A_129 = arith.constant 1 : i32
    %dma_wait3A_130 = arith.constant 0 : i32
    %dma_wait3A_131 = arith.constant 0 : i32
    %dma_wait3A_132 = tpu.memref_slice %arg8[%dma_wait3A_129, %dma_wait3A_130, %dma_wait3A_131] : memref<2x1664x16xf32, #tpu.memory_space<vmem>> -> memref<1x1664x16xf32, #tpu.memory_space<vmem>>
    %dma_wait3A_133 = tpu.memref_squeeze %dma_wait3A_132 : memref<1x1664x16xf32, #tpu.memory_space<vmem>> -> memref<1664x16xf32, #tpu.memory_space<vmem>>
    %dma_wait3A_134 = arith.constant 8320 : i32
    %dma_wait3A_135 = tpu.memref_slice %arg7[%dma_wait3A_134] : memref<13312xi32, #tpu.memory_space<vmem>> -> memref<1664xi32, #tpu.memory_space<vmem>>
    %dma_wait3A_136 = arith.constant 0 : i32
    %dma_wait3A_137 = arith.constant 0 : i32
    %dma_wait3A_138 = tpu.memref_slice %arg3[%dma_wait3A_136, %dma_wait3A_137] : memref<2600000x16xf32, #tpu.memory_space<hbm>> -> memref<2600000x16xf32, #tpu.memory_space<hbm>>
    tpu.wait_indirect_dma semaphore(%arg11 : memref<!tpu.dma_semaphore, #tpu.memory_space<semaphore_mem>>) src(%dma_wait3A_138 : memref<2600000x16xf32, #tpu.memory_space<hbm>>) dst(%dma_wait3A_133 : memref<1664x16xf32, #tpu.memory_space<vmem>>)
    %run_scoped3A_139 = arith.constant 1 : i32
    "tpu.region"() ({
      %run_scoped3A_178 = tpu.sem_alloc : memref<!tpu.dma_semaphore, #tpu.memory_space<semaphore_mem>>
      %dma_start3A_179 = arith.constant 0 : i32
      %dma_start3A_180 = arith.constant 0 : i32
      %dma_start3A_181 = tpu.memref_slice %arg8[%run_scoped3A_139, %dma_start3A_179, %dma_start3A_180] : memref<2x1664x16xf32, #tpu.memory_space<vmem>> -> memref<1x1664x16xf32, #tpu.memory_space<vmem>>
      %dma_start3A_182 = tpu.memref_squeeze %dma_start3A_181 : memref<1x1664x16xf32, #tpu.memory_space<vmem>> -> memref<1664x16xf32, #tpu.memory_space<vmem>>
      %dma_start3A_183 = arith.constant 8320 : i32
      %dma_start3A_184 = arith.constant 0 : i32
      %dma_start3A_185 = tpu.memref_slice %arg5[%add3A, %dma_start3A_183, %dma_start3A_184] : memref<32x13312x16xf32, #tpu.memory_space<hbm>> -> memref<1x1664x16xf32, #tpu.memory_space<hbm>>
      %dma_start3A_186 = tpu.memref_squeeze %dma_start3A_185 : memref<1x1664x16xf32, #tpu.memory_space<hbm>> -> memref<1664x16xf32, #tpu.memory_space<hbm>>
      %dma_start3A_187 = arith.constant 8320 : i32
      %dma_start3A_188 = arith.constant 0 : i32
      %dma_start3A_189 = tpu.memref_slice %arg5[%add3A, %dma_start3A_187, %dma_start3A_188] : memref<32x13312x16xf32, #tpu.memory_space<hbm>> -> memref<1x1664x16xf32, #tpu.memory_space<hbm>>
      %dma_start3A_190 = tpu.memref_squeeze %dma_start3A_189 : memref<1x1664x16xf32, #tpu.memory_space<hbm>> -> memref<1664x16xf32, #tpu.memory_space<hbm>>
      %dma_start3A_191 = arith.constant 0 : i32
      %dma_start3A_192 = arith.constant 0 : i32
      %dma_start3A_193 = tpu.memref_slice %arg8[%run_scoped3A_139, %dma_start3A_191, %dma_start3A_192] : memref<2x1664x16xf32, #tpu.memory_space<vmem>> -> memref<1x1664x16xf32, #tpu.memory_space<vmem>>
      %dma_start3A_194 = tpu.memref_squeeze %dma_start3A_193 : memref<1x1664x16xf32, #tpu.memory_space<vmem>> -> memref<1664x16xf32, #tpu.memory_space<vmem>>
      tpu.enqueue_dma source(%dma_start3A_194 : memref<1664x16xf32, #tpu.memory_space<vmem>>) target(%dma_start3A_190 : memref<1664x16xf32, #tpu.memory_space<hbm>>) target_semaphore(%run_scoped3A_178 : memref<!tpu.dma_semaphore, #tpu.memory_space<semaphore_mem>>)
      %dma_wait3A_195 = arith.constant 0 : i32
      %dma_wait3A_196 = arith.constant 0 : i32
      %dma_wait3A_197 = tpu.memref_slice %arg8[%run_scoped3A_139, %dma_wait3A_195, %dma_wait3A_196] : memref<2x1664x16xf32, #tpu.memory_space<vmem>> -> memref<1x1664x16xf32, #tpu.memory_space<vmem>>
      %dma_wait3A_198 = tpu.memref_squeeze %dma_wait3A_197 : memref<1x1664x16xf32, #tpu.memory_space<vmem>> -> memref<1664x16xf32, #tpu.memory_space<vmem>>
      %dma_wait3A_199 = arith.constant 8320 : i32
      %dma_wait3A_200 = arith.constant 0 : i32
      %dma_wait3A_201 = tpu.memref_slice %arg5[%add3A, %dma_wait3A_199, %dma_wait3A_200] : memref<32x13312x16xf32, #tpu.memory_space<hbm>> -> memref<1x1664x16xf32, #tpu.memory_space<hbm>>
      %dma_wait3A_202 = tpu.memref_squeeze %dma_wait3A_201 : memref<1x1664x16xf32, #tpu.memory_space<hbm>> -> memref<1664x16xf32, #tpu.memory_space<hbm>>
      %dma_wait3A_203 = arith.constant 8320 : i32
      %dma_wait3A_204 = arith.constant 0 : i32
      %dma_wait3A_205 = tpu.memref_slice %arg5[%add3A, %dma_wait3A_203, %dma_wait3A_204] : memref<32x13312x16xf32, #tpu.memory_space<hbm>> -> memref<1x1664x16xf32, #tpu.memory_space<hbm>>
      %dma_wait3A_206 = tpu.memref_squeeze %dma_wait3A_205 : memref<1x1664x16xf32, #tpu.memory_space<hbm>> -> memref<1664x16xf32, #tpu.memory_space<hbm>>
      %dma_wait3A_207 = arith.constant 0 : i32
      %dma_wait3A_208 = arith.constant 0 : i32
      %dma_wait3A_209 = tpu.memref_slice %arg8[%run_scoped3A_139, %dma_wait3A_207, %dma_wait3A_208] : memref<2x1664x16xf32, #tpu.memory_space<vmem>> -> memref<1x1664x16xf32, #tpu.memory_space<vmem>>
      %dma_wait3A_210 = tpu.memref_squeeze %dma_wait3A_209 : memref<1x1664x16xf32, #tpu.memory_space<vmem>> -> memref<1664x16xf32, #tpu.memory_space<vmem>>
      tpu.wait_dma2 semaphore(%run_scoped3A_178 : memref<!tpu.dma_semaphore, #tpu.memory_space<semaphore_mem>>) src(%dma_wait3A_210 : memref<1664x16xf32, #tpu.memory_space<vmem>>) dst(%dma_wait3A_206 : memref<1664x16xf32, #tpu.memory_space<hbm>>)
      tpu.yield
    }) : () -> ()
    %dma_start3A_140 = arith.constant 1 : i32
    %dma_start3A_141 = arith.constant 0 : i32
    %dma_start3A_142 = arith.constant 0 : i32
    %dma_start3A_143 = tpu.memref_slice %arg8[%dma_start3A_140, %dma_start3A_141, %dma_start3A_142] : memref<2x1664x16xf32, #tpu.memory_space<vmem>> -> memref<1x1664x16xf32, #tpu.memory_space<vmem>>
    %dma_start3A_144 = tpu.memref_squeeze %dma_start3A_143 : memref<1x1664x16xf32, #tpu.memory_space<vmem>> -> memref<1664x16xf32, #tpu.memory_space<vmem>>
    %dma_start3A_145 = arith.constant 11648 : i32
    %dma_start3A_146 = tpu.memref_slice %arg7[%dma_start3A_145] : memref<13312xi32, #tpu.memory_space<vmem>> -> memref<1664xi32, #tpu.memory_space<vmem>>
    %dma_start3A_147 = arith.constant 0 : i32
    %dma_start3A_148 = arith.constant 0 : i32
    %dma_start3A_149 = tpu.memref_slice %arg3[%dma_start3A_147, %dma_start3A_148] : memref<2600000x16xf32, #tpu.memory_space<hbm>> -> memref<2600000x16xf32, #tpu.memory_space<hbm>>
    tpu.enqueue_indirect_dma source(%dma_start3A_149 : memref<2600000x16xf32, #tpu.memory_space<hbm>>) target(%dma_start3A_144 : memref<1664x16xf32, #tpu.memory_space<vmem>>) offsets(%dma_start3A_146 : memref<1664xi32, #tpu.memory_space<vmem>>) semaphore(%arg11 : memref<!tpu.dma_semaphore, #tpu.memory_space<semaphore_mem>>)
    %dma_wait3A_150 = arith.constant 0 : i32
    %dma_wait3A_151 = arith.constant 0 : i32
    %dma_wait3A_152 = arith.constant 0 : i32
    %dma_wait3A_153 = tpu.memref_slice %arg8[%dma_wait3A_150, %dma_wait3A_151, %dma_wait3A_152] : memref<2x1664x16xf32, #tpu.memory_space<vmem>> -> memref<1x1664x16xf32, #tpu.memory_space<vmem>>
    %dma_wait3A_154 = tpu.memref_squeeze %dma_wait3A_153 : memref<1x1664x16xf32, #tpu.memory_space<vmem>> -> memref<1664x16xf32, #tpu.memory_space<vmem>>
    %dma_wait3A_155 = arith.constant 9984 : i32
    %dma_wait3A_156 = tpu.memref_slice %arg7[%dma_wait3A_155] : memref<13312xi32, #tpu.memory_space<vmem>> -> memref<1664xi32, #tpu.memory_space<vmem>>
    %dma_wait3A_157 = arith.constant 0 : i32
    %dma_wait3A_158 = arith.constant 0 : i32
    %dma_wait3A_159 = tpu.memref_slice %arg3[%dma_wait3A_157, %dma_wait3A_158] : memref<2600000x16xf32, #tpu.memory_space<hbm>> -> memref<2600000x16xf32, #tpu.memory_space<hbm>>
    tpu.wait_indirect_dma semaphore(%arg10 : memref<!tpu.dma_semaphore, #tpu.memory_space<semaphore_mem>>) src(%dma_wait3A_159 : memref<2600000x16xf32, #tpu.memory_space<hbm>>) dst(%dma_wait3A_154 : memref<1664x16xf32, #tpu.memory_space<vmem>>)
    %run_scoped3A_160 = arith.constant 0 : i32
    "tpu.region"() ({
      %run_scoped3A_178 = tpu.sem_alloc : memref<!tpu.dma_semaphore, #tpu.memory_space<semaphore_mem>>
      %dma_start3A_179 = arith.constant 0 : i32
      %dma_start3A_180 = arith.constant 0 : i32
      %dma_start3A_181 = tpu.memref_slice %arg8[%run_scoped3A_160, %dma_start3A_179, %dma_start3A_180] : memref<2x1664x16xf32, #tpu.memory_space<vmem>> -> memref<1x1664x16xf32, #tpu.memory_space<vmem>>
      %dma_start3A_182 = tpu.memref_squeeze %dma_start3A_181 : memref<1x1664x16xf32, #tpu.memory_space<vmem>> -> memref<1664x16xf32, #tpu.memory_space<vmem>>
      %dma_start3A_183 = arith.constant 9984 : i32
      %dma_start3A_184 = arith.constant 0 : i32
      %dma_start3A_185 = tpu.memref_slice %arg5[%add3A, %dma_start3A_183, %dma_start3A_184] : memref<32x13312x16xf32, #tpu.memory_space<hbm>> -> memref<1x1664x16xf32, #tpu.memory_space<hbm>>
      %dma_start3A_186 = tpu.memref_squeeze %dma_start3A_185 : memref<1x1664x16xf32, #tpu.memory_space<hbm>> -> memref<1664x16xf32, #tpu.memory_space<hbm>>
      %dma_start3A_187 = arith.constant 9984 : i32
      %dma_start3A_188 = arith.constant 0 : i32
      %dma_start3A_189 = tpu.memref_slice %arg5[%add3A, %dma_start3A_187, %dma_start3A_188] : memref<32x13312x16xf32, #tpu.memory_space<hbm>> -> memref<1x1664x16xf32, #tpu.memory_space<hbm>>
      %dma_start3A_190 = tpu.memref_squeeze %dma_start3A_189 : memref<1x1664x16xf32, #tpu.memory_space<hbm>> -> memref<1664x16xf32, #tpu.memory_space<hbm>>
      %dma_start3A_191 = arith.constant 0 : i32
      %dma_start3A_192 = arith.constant 0 : i32
      %dma_start3A_193 = tpu.memref_slice %arg8[%run_scoped3A_160, %dma_start3A_191, %dma_start3A_192] : memref<2x1664x16xf32, #tpu.memory_space<vmem>> -> memref<1x1664x16xf32, #tpu.memory_space<vmem>>
      %dma_start3A_194 = tpu.memref_squeeze %dma_start3A_193 : memref<1x1664x16xf32, #tpu.memory_space<vmem>> -> memref<1664x16xf32, #tpu.memory_space<vmem>>
      tpu.enqueue_dma source(%dma_start3A_194 : memref<1664x16xf32, #tpu.memory_space<vmem>>) target(%dma_start3A_190 : memref<1664x16xf32, #tpu.memory_space<hbm>>) target_semaphore(%run_scoped3A_178 : memref<!tpu.dma_semaphore, #tpu.memory_space<semaphore_mem>>)
      %dma_wait3A_195 = arith.constant 0 : i32
      %dma_wait3A_196 = arith.constant 0 : i32
      %dma_wait3A_197 = tpu.memref_slice %arg8[%run_scoped3A_160, %dma_wait3A_195, %dma_wait3A_196] : memref<2x1664x16xf32, #tpu.memory_space<vmem>> -> memref<1x1664x16xf32, #tpu.memory_space<vmem>>
      %dma_wait3A_198 = tpu.memref_squeeze %dma_wait3A_197 : memref<1x1664x16xf32, #tpu.memory_space<vmem>> -> memref<1664x16xf32, #tpu.memory_space<vmem>>
      %dma_wait3A_199 = arith.constant 9984 : i32
      %dma_wait3A_200 = arith.constant 0 : i32
      %dma_wait3A_201 = tpu.memref_slice %arg5[%add3A, %dma_wait3A_199, %dma_wait3A_200] : memref<32x13312x16xf32, #tpu.memory_space<hbm>> -> memref<1x1664x16xf32, #tpu.memory_space<hbm>>
      %dma_wait3A_202 = tpu.memref_squeeze %dma_wait3A_201 : memref<1x1664x16xf32, #tpu.memory_space<hbm>> -> memref<1664x16xf32, #tpu.memory_space<hbm>>
      %dma_wait3A_203 = arith.constant 9984 : i32
      %dma_wait3A_204 = arith.constant 0 : i32
      %dma_wait3A_205 = tpu.memref_slice %arg5[%add3A, %dma_wait3A_203, %dma_wait3A_204] : memref<32x13312x16xf32, #tpu.memory_space<hbm>> -> memref<1x1664x16xf32, #tpu.memory_space<hbm>>
      %dma_wait3A_206 = tpu.memref_squeeze %dma_wait3A_205 : memref<1x1664x16xf32, #tpu.memory_space<hbm>> -> memref<1664x16xf32, #tpu.memory_space<hbm>>
      %dma_wait3A_207 = arith.constant 0 : i32
      %dma_wait3A_208 = arith.constant 0 : i32
      %dma_wait3A_209 = tpu.memref_slice %arg8[%run_scoped3A_160, %dma_wait3A_207, %dma_wait3A_208] : memref<2x1664x16xf32, #tpu.memory_space<vmem>> -> memref<1x1664x16xf32, #tpu.memory_space<vmem>>
      %dma_wait3A_210 = tpu.memref_squeeze %dma_wait3A_209 : memref<1x1664x16xf32, #tpu.memory_space<vmem>> -> memref<1664x16xf32, #tpu.memory_space<vmem>>
      tpu.wait_dma2 semaphore(%run_scoped3A_178 : memref<!tpu.dma_semaphore, #tpu.memory_space<semaphore_mem>>) src(%dma_wait3A_210 : memref<1664x16xf32, #tpu.memory_space<vmem>>) dst(%dma_wait3A_206 : memref<1664x16xf32, #tpu.memory_space<hbm>>)
      tpu.yield
    }) : () -> ()
    %dma_wait3A_161 = arith.constant 1 : i32
    %dma_wait3A_162 = arith.constant 0 : i32
    %dma_wait3A_163 = arith.constant 0 : i32
    %dma_wait3A_164 = tpu.memref_slice %arg8[%dma_wait3A_161, %dma_wait3A_162, %dma_wait3A_163] : memref<2x1664x16xf32, #tpu.memory_space<vmem>> -> memref<1x1664x16xf32, #tpu.memory_space<vmem>>
    %dma_wait3A_165 = tpu.memref_squeeze %dma_wait3A_164 : memref<1x1664x16xf32, #tpu.memory_space<vmem>> -> memref<1664x16xf32, #tpu.memory_space<vmem>>
    %dma_wait3A_166 = arith.constant 11648 : i32
    %dma_wait3A_167 = tpu.memref_slice %arg7[%dma_wait3A_166] : memref<13312xi32, #tpu.memory_space<vmem>> -> memref<1664xi32, #tpu.memory_space<vmem>>
    %dma_wait3A_168 = arith.constant 0 : i32
    %dma_wait3A_169 = arith.constant 0 : i32
    %dma_wait3A_170 = tpu.memref_slice %arg3[%dma_wait3A_168, %dma_wait3A_169] : memref<2600000x16xf32, #tpu.memory_space<hbm>> -> memref<2600000x16xf32, #tpu.memory_space<hbm>>
    tpu.wait_indirect_dma semaphore(%arg11 : memref<!tpu.dma_semaphore, #tpu.memory_space<semaphore_mem>>) src(%dma_wait3A_170 : memref<2600000x16xf32, #tpu.memory_space<hbm>>) dst(%dma_wait3A_165 : memref<1664x16xf32, #tpu.memory_space<vmem>>)
    %run_scoped3A_171 = arith.constant 1 : i32
    "tpu.region"() ({
      %run_scoped3A_178 = tpu.sem_alloc : memref<!tpu.dma_semaphore, #tpu.memory_space<semaphore_mem>>
      %dma_start3A_179 = arith.constant 0 : i32
      %dma_start3A_180 = arith.constant 0 : i32
      %dma_start3A_181 = tpu.memref_slice %arg8[%run_scoped3A_171, %dma_start3A_179, %dma_start3A_180] : memref<2x1664x16xf32, #tpu.memory_space<vmem>> -> memref<1x1664x16xf32, #tpu.memory_space<vmem>>
      %dma_start3A_182 = tpu.memref_squeeze %dma_start3A_181 : memref<1x1664x16xf32, #tpu.memory_space<vmem>> -> memref<1664x16xf32, #tpu.memory_space<vmem>>
      %dma_start3A_183 = arith.constant 11648 : i32
      %dma_start3A_184 = arith.constant 0 : i32
      %dma_start3A_185 = tpu.memref_slice %arg5[%add3A, %dma_start3A_183, %dma_start3A_184] : memref<32x13312x16xf32, #tpu.memory_space<hbm>> -> memref<1x1664x16xf32, #tpu.memory_space<hbm>>
      %dma_start3A_186 = tpu.memref_squeeze %dma_start3A_185 : memref<1x1664x16xf32, #tpu.memory_space<hbm>> -> memref<1664x16xf32, #tpu.memory_space<hbm>>
      %dma_start3A_187 = arith.constant 11648 : i32
      %dma_start3A_188 = arith.constant 0 : i32
      %dma_start3A_189 = tpu.memref_slice %arg5[%add3A, %dma_start3A_187, %dma_start3A_188] : memref<32x13312x16xf32, #tpu.memory_space<hbm>> -> memref<1x1664x16xf32, #tpu.memory_space<hbm>>
      %dma_start3A_190 = tpu.memref_squeeze %dma_start3A_189 : memref<1x1664x16xf32, #tpu.memory_space<hbm>> -> memref<1664x16xf32, #tpu.memory_space<hbm>>
      %dma_start3A_191 = arith.constant 0 : i32
      %dma_start3A_192 = arith.constant 0 : i32
      %dma_start3A_193 = tpu.memref_slice %arg8[%run_scoped3A_171, %dma_start3A_191, %dma_start3A_192] : memref<2x1664x16xf32, #tpu.memory_space<vmem>> -> memref<1x1664x16xf32, #tpu.memory_space<vmem>>
      %dma_start3A_194 = tpu.memref_squeeze %dma_start3A_193 : memref<1x1664x16xf32, #tpu.memory_space<vmem>> -> memref<1664x16xf32, #tpu.memory_space<vmem>>
      tpu.enqueue_dma source(%dma_start3A_194 : memref<1664x16xf32, #tpu.memory_space<vmem>>) target(%dma_start3A_190 : memref<1664x16xf32, #tpu.memory_space<hbm>>) target_semaphore(%run_scoped3A_178 : memref<!tpu.dma_semaphore, #tpu.memory_space<semaphore_mem>>)
      %dma_wait3A_195 = arith.constant 0 : i32
      %dma_wait3A_196 = arith.constant 0 : i32
      %dma_wait3A_197 = tpu.memref_slice %arg8[%run_scoped3A_171, %dma_wait3A_195, %dma_wait3A_196] : memref<2x1664x16xf32, #tpu.memory_space<vmem>> -> memref<1x1664x16xf32, #tpu.memory_space<vmem>>
      %dma_wait3A_198 = tpu.memref_squeeze %dma_wait3A_197 : memref<1x1664x16xf32, #tpu.memory_space<vmem>> -> memref<1664x16xf32, #tpu.memory_space<vmem>>
      %dma_wait3A_199 = arith.constant 11648 : i32
      %dma_wait3A_200 = arith.constant 0 : i32
      %dma_wait3A_201 = tpu.memref_slice %arg5[%add3A, %dma_wait3A_199, %dma_wait3A_200] : memref<32x13312x16xf32, #tpu.memory_space<hbm>> -> memref<1x1664x16xf32, #tpu.memory_space<hbm>>
      %dma_wait3A_202 = tpu.memref_squeeze %dma_wait3A_201 : memref<1x1664x16xf32, #tpu.memory_space<hbm>> -> memref<1664x16xf32, #tpu.memory_space<hbm>>
      %dma_wait3A_203 = arith.constant 11648 : i32
      %dma_wait3A_204 = arith.constant 0 : i32
      %dma_wait3A_205 = tpu.memref_slice %arg5[%add3A, %dma_wait3A_203, %dma_wait3A_204] : memref<32x13312x16xf32, #tpu.memory_space<hbm>> -> memref<1x1664x16xf32, #tpu.memory_space<hbm>>
      %dma_wait3A_206 = tpu.memref_squeeze %dma_wait3A_205 : memref<1x1664x16xf32, #tpu.memory_space<hbm>> -> memref<1664x16xf32, #tpu.memory_space<hbm>>
      %dma_wait3A_207 = arith.constant 0 : i32
      %dma_wait3A_208 = arith.constant 0 : i32
      %dma_wait3A_209 = tpu.memref_slice %arg8[%run_scoped3A_171, %dma_wait3A_207, %dma_wait3A_208] : memref<2x1664x16xf32, #tpu.memory_space<vmem>> -> memref<1x1664x16xf32, #tpu.memory_space<vmem>>
      %dma_wait3A_210 = tpu.memref_squeeze %dma_wait3A_209 : memref<1x1664x16xf32, #tpu.memory_space<vmem>> -> memref<1664x16xf32, #tpu.memory_space<vmem>>
      tpu.wait_dma2 semaphore(%run_scoped3A_178 : memref<!tpu.dma_semaphore, #tpu.memory_space<semaphore_mem>>) src(%dma_wait3A_210 : memref<1664x16xf32, #tpu.memory_space<vmem>>) dst(%dma_wait3A_206 : memref<1664x16xf32, #tpu.memory_space<hbm>>)
      tpu.yield
    }) : () -> ()
    %dma_wait3A_172 = arith.constant 0 : i32
    %dma_wait3A_173 = arith.constant 0 : i32
    %dma_wait3A_174 = tpu.memref_slice %arg4[%dma_wait3A_172, %dma_wait3A_173] : memref<1x2600000xf32, #tpu.memory_space<hbm>> -> memref<1x2600000xf32, #tpu.memory_space<hbm>>
    %dma_wait3A_175 = tpu.memref_squeeze %dma_wait3A_174 : memref<1x2600000xf32, #tpu.memory_space<hbm>> -> memref<2600000xf32, #tpu.memory_space<hbm>>
    %dma_wait3A_176 = arith.constant 0 : i32
    %dma_wait3A_177 = tpu.memref_slice %dma_wait3A_175[%dma_wait3A_176] : memref<2600000xf32, #tpu.memory_space<hbm>> -> memref<2600000xf32, #tpu.memory_space<hbm>>
    tpu.wait_indirect_dma semaphore(%arg12 : memref<!tpu.dma_semaphore, #tpu.memory_space<semaphore_mem>>) src(%dma_wait3A_177 : memref<2600000xf32, #tpu.memory_space<hbm>>) dst(%arg9 : memref<13312xf32, #tpu.memory_space<vmem>>)
    "tpu.region"() ({
      %run_scoped3A_178 = tpu.sem_alloc : memref<!tpu.dma_semaphore, #tpu.memory_space<semaphore_mem>>
      %dma_start3A_179 = arith.constant 0 : i32
      %dma_start3A_180 = tpu.memref_slice %arg6[%add3A, %dma_start3A_179] : memref<32x13312xf32, #tpu.memory_space<hbm>> -> memref<1x13312xf32, #tpu.memory_space<hbm>>
      %dma_start3A_181 = tpu.memref_squeeze %dma_start3A_180 : memref<1x13312xf32, #tpu.memory_space<hbm>> -> memref<13312xf32, #tpu.memory_space<hbm>>
      %dma_start3A_182 = arith.constant 0 : i32
      %dma_start3A_183 = tpu.memref_slice %arg6[%add3A, %dma_start3A_182] : memref<32x13312xf32, #tpu.memory_space<hbm>> -> memref<1x13312xf32, #tpu.memory_space<hbm>>
      %dma_start3A_184 = tpu.memref_squeeze %dma_start3A_183 : memref<1x13312xf32, #tpu.memory_space<hbm>> -> memref<13312xf32, #tpu.memory_space<hbm>>
      tpu.enqueue_dma source(%arg9 : memref<13312xf32, #tpu.memory_space<vmem>>) target(%dma_start3A_184 : memref<13312xf32, #tpu.memory_space<hbm>>) target_semaphore(%run_scoped3A_178 : memref<!tpu.dma_semaphore, #tpu.memory_space<semaphore_mem>>)
      %dma_wait3A_185 = arith.constant 0 : i32
      %dma_wait3A_186 = tpu.memref_slice %arg6[%add3A, %dma_wait3A_185] : memref<32x13312xf32, #tpu.memory_space<hbm>> -> memref<1x13312xf32, #tpu.memory_space<hbm>>
      %dma_wait3A_187 = tpu.memref_squeeze %dma_wait3A_186 : memref<1x13312xf32, #tpu.memory_space<hbm>> -> memref<13312xf32, #tpu.memory_space<hbm>>
      %dma_wait3A_188 = arith.constant 0 : i32
      %dma_wait3A_189 = tpu.memref_slice %arg6[%add3A, %dma_wait3A_188] : memref<32x13312xf32, #tpu.memory_space<hbm>> -> memref<1x13312xf32, #tpu.memory_space<hbm>>
      %dma_wait3A_190 = tpu.memref_squeeze %dma_wait3A_189 : memref<1x13312xf32, #tpu.memory_space<hbm>> -> memref<13312xf32, #tpu.memory_space<hbm>>
      tpu.wait_dma2 semaphore(%run_scoped3A_178 : memref<!tpu.dma_semaphore, #tpu.memory_space<semaphore_mem>>) src(%arg9 : memref<13312xf32, #tpu.memory_space<vmem>>) dst(%dma_wait3A_190 : memref<13312xf32, #tpu.memory_space<hbm>>)
      tpu.yield
    }) : () -> ()
    return
  }
}

module attributes {stable_mosaic.version = 14 : i64} {
  func.func @_tc_body(%arg0: i32, %arg1: memref<1024x416xf32, #tpu.memory_space<vmem>>, %arg2: memref<1024x26xf32, #tpu.memory_space<vmem>>, %arg3: memref<416x128xf32, #tpu.memory_space<vmem>>, %arg4: memref<416x256xf32, #tpu.memory_space<vmem>>, %arg5: memref<1x256xf32, #tpu.memory_space<vmem>>, %arg6: memref<256x128xf32, #tpu.memory_space<vmem>>, %arg7: memref<1x128xf32, #tpu.memory_space<vmem>>, %arg8: memref<1x128xf32, #tpu.memory_space<vmem>>, %arg9: memref<1xf32, #tpu.memory_space<vmem>>, %arg10: memref<1024xf32, #tpu.memory_space<vmem>>) attributes {dimension_semantics = [#tpu.dimension_semantics<arbitrary>], iteration_bounds = array<i64: 16>, scalar_prefetch = 0 : i64, scratch_operands = 0 : i64, tpu.core_type = #tpu.core_type<tc>, window_params = [{transform_indices = @transform_0, window_bounds = array<i64: 1024, 416>}, {transform_indices = @transform_1, window_bounds = array<i64: 1024, 26>}, {pipeline_mode = #tpu.pipeline_mode<synchronous>, transform_indices = @transform_2, window_bounds = array<i64: 416, 128>}, {pipeline_mode = #tpu.pipeline_mode<synchronous>, transform_indices = @transform_3, window_bounds = array<i64: 416, 256>}, {pipeline_mode = #tpu.pipeline_mode<synchronous>, transform_indices = @transform_4, window_bounds = array<i64: 1, 256>}, {pipeline_mode = #tpu.pipeline_mode<synchronous>, transform_indices = @transform_5, window_bounds = array<i64: 256, 128>}, {pipeline_mode = #tpu.pipeline_mode<synchronous>, transform_indices = @transform_6, window_bounds = array<i64: 1, 128>}, {pipeline_mode = #tpu.pipeline_mode<synchronous>, transform_indices = @transform_7, window_bounds = array<i64: 1, 128>}, {pipeline_mode = #tpu.pipeline_mode<synchronous>, transform_indices = @transform_8, window_bounds = array<i64: 1>}, {transform_indices = @transform_9, window_bounds = array<i64: 1024>}]} {
    %get3A = arith.constant 0 : index
    %get3A_0 = arith.constant 0 : index
    %get3A_1 = vector.load %arg1[%get3A, %get3A_0] : memref<1024x416xf32, #tpu.memory_space<vmem>>, vector<1024x416xf32>
    %get3A_2 = arith.constant 0 : index
    %get3A_3 = arith.constant 0 : index
    %get3A_4 = vector.load %arg3[%get3A_2, %get3A_3] : memref<416x128xf32, #tpu.memory_space<vmem>>, vector<416x128xf32>
    %dot_general3A = arith.constant dense<0.000000e+00> : vector<1024x128xf32>
    %dot_general3A_5 = tpu.matmul %get3A_1, %get3A_4, %dot_general3A {dimension_numbers = #tpu.dot_dimension_numbers<[1], [0], [0], [1], [0, 0, 1, 1], [], []>, transpose_lhs_hint = false} : vector<1024x416xf32>, vector<416x128xf32>, vector<1024x128xf32> -> vector<1024x128xf32>
    %mul3A = arith.mulf %dot_general3A_5, %dot_general3A_5 : vector<1024x128xf32>
    %reduce_sum3A = arith.constant dense<0.000000e+00> : vector<1024xf32>
    %reduce_sum3A_6 = vector.multi_reduction <add>, %mul3A, %reduce_sum3A [1] : vector<1024x128xf32> to vector<1024xf32>
    %mul3A_7 = arith.mulf %get3A_1, %get3A_1 : vector<1024x416xf32>
    %reduce_sum3A_8 = arith.constant dense<0.000000e+00> : vector<1024xf32>
    %reduce_sum3A_9 = vector.multi_reduction <add>, %mul3A_7, %reduce_sum3A_8 [1] : vector<1024x416xf32> to vector<1024xf32>
    %sub3A = arith.subf %reduce_sum3A_6, %reduce_sum3A_9 : vector<1024xf32>
    %mul3A_10 = arith.constant 5.000000e-01 : f32
    %mul3A_11 = vector.broadcast %mul3A_10 : f32 to vector<1024xf32>
    %mul3A_12 = arith.mulf %mul3A_11, %sub3A : vector<1024xf32>
    %get3A_13 = arith.constant 0 : index
    %get3A_14 = arith.constant 0 : index
    %get3A_15 = vector.load %arg2[%get3A_13, %get3A_14] : memref<1024x26xf32, #tpu.memory_space<vmem>>, vector<1024x26xf32>
    %reduce_sum3A_16 = arith.constant dense<0.000000e+00> : vector<1024xf32>
    %reduce_sum3A_17 = vector.multi_reduction <add>, %get3A_15, %reduce_sum3A_16 [1] : vector<1024x26xf32> to vector<1024xf32>
    %get3A_18 = arith.constant 0 : index
    %get3A_19 = arith.constant 0 : index
    %get3A_20 = vector.load %arg4[%get3A_18, %get3A_19] : memref<416x256xf32, #tpu.memory_space<vmem>>, vector<416x256xf32>
    %dot_general3A_21 = arith.constant dense<0.000000e+00> : vector<1024x256xf32>
    %dot_general3A_22 = tpu.matmul %get3A_1, %get3A_20, %dot_general3A_21 {dimension_numbers = #tpu.dot_dimension_numbers<[1], [0], [0], [1], [0, 0, 1, 1], [], []>, transpose_lhs_hint = false} : vector<1024x416xf32>, vector<416x256xf32>, vector<1024x256xf32> -> vector<1024x256xf32>
    %get3A_23 = arith.constant 0 : index
    %get3A_24 = arith.constant 0 : index
    %get3A_25 = vector.load %arg5[%get3A_23, %get3A_24] : memref<1x256xf32, #tpu.memory_space<vmem>>, vector<1x256xf32>
    %add3A = vector.broadcast %get3A_25 : vector<1x256xf32> to vector<1024x256xf32>
    %add3A_26 = arith.addf %dot_general3A_22, %add3A : vector<1024x256xf32>
    %max3A = arith.constant 0.000000e+00 : f32
    %max3A_27 = vector.broadcast %max3A : f32 to vector<1024x256xf32>
    %max3A_28 = arith.maximumf %add3A_26, %max3A_27 : vector<1024x256xf32>
    %get3A_29 = arith.constant 0 : index
    %get3A_30 = arith.constant 0 : index
    %get3A_31 = vector.load %arg6[%get3A_29, %get3A_30] : memref<256x128xf32, #tpu.memory_space<vmem>>, vector<256x128xf32>
    %dot_general3A_32 = arith.constant dense<0.000000e+00> : vector<1024x128xf32>
    %dot_general3A_33 = tpu.matmul %max3A_28, %get3A_31, %dot_general3A_32 {dimension_numbers = #tpu.dot_dimension_numbers<[1], [0], [0], [1], [0, 0, 1, 1], [], []>, transpose_lhs_hint = false} : vector<1024x256xf32>, vector<256x128xf32>, vector<1024x128xf32> -> vector<1024x128xf32>
    %get3A_34 = arith.constant 0 : index
    %get3A_35 = arith.constant 0 : index
    %get3A_36 = vector.load %arg7[%get3A_34, %get3A_35] : memref<1x128xf32, #tpu.memory_space<vmem>>, vector<1x128xf32>
    %add3A_37 = vector.broadcast %get3A_36 : vector<1x128xf32> to vector<1024x128xf32>
    %add3A_38 = arith.addf %dot_general3A_33, %add3A_37 : vector<1024x128xf32>
    %max3A_39 = arith.constant 0.000000e+00 : f32
    %max3A_40 = vector.broadcast %max3A_39 : f32 to vector<1024x128xf32>
    %max3A_41 = arith.maximumf %add3A_38, %max3A_40 : vector<1024x128xf32>
    %get3A_42 = arith.constant 0 : index
    %get3A_43 = arith.constant 0 : index
    %get3A_44 = vector.load %arg8[%get3A_42, %get3A_43] : memref<1x128xf32, #tpu.memory_space<vmem>>, vector<1x128xf32>
    %mul3A_45 = vector.broadcast %get3A_44 : vector<1x128xf32> to vector<1024x128xf32>
    %mul3A_46 = arith.mulf %max3A_41, %mul3A_45 : vector<1024x128xf32>
    %reduce_sum3A_47 = arith.constant dense<0.000000e+00> : vector<1024xf32>
    %reduce_sum3A_48 = vector.multi_reduction <add>, %mul3A_46, %reduce_sum3A_47 [1] : vector<1024x128xf32> to vector<1024xf32>
    %add3A_49 = arith.addf %mul3A_12, %reduce_sum3A_17 : vector<1024xf32>
    %add3A_50 = arith.addf %add3A_49, %reduce_sum3A_48 : vector<1024xf32>
    %get3A_51 = arith.constant 0 : index
    %get3A_52 = vector.load %arg9[%get3A_51] : memref<1xf32, #tpu.memory_space<vmem>>, vector<1xf32>
    %get3A_53 = vector.extract %get3A_52[0] : f32 from vector<1xf32>
    %add3A_54 = vector.broadcast %get3A_53 : f32 to vector<1024xf32>
    %add3A_55 = arith.addf %add3A_50, %add3A_54 : vector<1024xf32>
    %swap3A = arith.constant 0 : index
    %swap3A_56 = vector.load %arg10[%swap3A] : memref<1024xf32, #tpu.memory_space<vmem>>, vector<1024xf32>
    tpu.vector_store %arg10[%swap3A], %add3A_55 {strides = array<i32>} : memref<1024xf32, #tpu.memory_space<vmem>>, vector<1024xf32>,
    return
  }
  func.func @transform_0(%arg0: i32) -> (i32, i32) {
    %c0_i32 = arith.constant 0 : i32
    %c0_i32_0 = arith.constant 0 : i32
    return %arg0, %c0_i32 : i32, i32
  }
  func.func @transform_1(%arg0: i32) -> (i32, i32) {
    %c0_i32 = arith.constant 0 : i32
    %c0_i32_0 = arith.constant 0 : i32
    return %arg0, %c0_i32 : i32, i32
  }
  func.func @transform_2(%arg0: i32) -> (i32, i32) {
    %c0_i32 = arith.constant 0 : i32
    %c0_i32_0 = arith.constant 0 : i32
    %c0_i32_1 = arith.constant 0 : i32
    return %c0_i32, %c0_i32_0 : i32, i32
  }
  func.func @transform_3(%arg0: i32) -> (i32, i32) {
    %c0_i32 = arith.constant 0 : i32
    %c0_i32_0 = arith.constant 0 : i32
    %c0_i32_1 = arith.constant 0 : i32
    return %c0_i32, %c0_i32_0 : i32, i32
  }
  func.func @transform_4(%arg0: i32) -> (i32, i32) {
    %c0_i32 = arith.constant 0 : i32
    %c0_i32_0 = arith.constant 0 : i32
    %c0_i32_1 = arith.constant 0 : i32
    return %c0_i32, %c0_i32_0 : i32, i32
  }
  func.func @transform_5(%arg0: i32) -> (i32, i32) {
    %c0_i32 = arith.constant 0 : i32
    %c0_i32_0 = arith.constant 0 : i32
    %c0_i32_1 = arith.constant 0 : i32
    return %c0_i32, %c0_i32_0 : i32, i32
  }
  func.func @transform_6(%arg0: i32) -> (i32, i32) {
    %c0_i32 = arith.constant 0 : i32
    %c0_i32_0 = arith.constant 0 : i32
    %c0_i32_1 = arith.constant 0 : i32
    return %c0_i32, %c0_i32_0 : i32, i32
  }
  func.func @transform_7(%arg0: i32) -> (i32, i32) {
    %c0_i32 = arith.constant 0 : i32
    %c0_i32_0 = arith.constant 0 : i32
    %c0_i32_1 = arith.constant 0 : i32
    return %c0_i32, %c0_i32_0 : i32, i32
  }
  func.func @transform_8(%arg0: i32) -> i32 {
    %c0_i32 = arith.constant 0 : i32
    %c0_i32_0 = arith.constant 0 : i32
    return %c0_i32 : i32
  }
  func.func @transform_9(%arg0: i32) -> i32 {
    %c0_i32 = arith.constant 0 : i32
    return %arg0 : i32
  }
}

</mosaic_0001>

<sc_bundles>
// kernel: kernel.5.cloned.1.call-start
scs
__scs_entry_jumppad:
0x0: {  	(pc) =	sbr.rel $0x88, $3  }
0x1: {  	(tag) =	ssettag $0x0;
	lr =	simm.s32 $0x1  }
0x2: {  	[smem:$0x3F98] =	sst lr;
	_ =	strace $0xD0000000  }
0x3: {  	_ = 	snop  }
0x4: {  	_ = 	snop  }
0x5: {  	_ = 	snop  }
0x6: {  	_ = 	snop  }
0x7: {  	_ = 	snop  }
__scs_overlays_trampoline_lowered:
0x8: {  	[smem:$0x3FA7] =	sst s0  }
0x9: {  	[smem:$0x3FA8] =	sst s1  }
0xa: {  	[smem:$0x3FA9] =	sst s2  }
0xb: {  	[smem:$0x3FAA] =	sst s3  }
0xc: {  	[smem:$0x3FAB] =	sst s4  }
0xd: {  	[smem:$0x3FAC] =	sst s5  }
0xe: {  	[smem:$0x3FAD] =	sst s6  }
0xf: {  	[smem:$0x3FAE] =	sst s7  }
0x10: {  	[smem:$0x3FAF] =	sst s8  }
0x11: {  	[smem:$0x3FB0] =	sst s9;
	s0 =	simm.s32 @!p0 $0x0  }
0x12: {  	s1 =	sld [smem:$0x3F96];
	s0 =	simm.s32 @p0 $0x1  }
0x13: {  	[smem:$0x3FB1] =	sst s0;
	s0 =	simm.s32 @!p1 $0x0  }
0x14: {  	s2 =	sld [smem:$0x3F95];
	s0 =	simm.s32 @p1 $0x1  }
0x15: {  	[smem:$0x3FB2] =	sst s0;
	s0 =	simm.s32 @!p2 $0x0  }
0x16: {  	s3 =	sld [smem:$0x3FDB];
	s0 =	simm.s32 @p2 $0x1  }
0x17: {  	s4 =	simm.s32 $0x1BF5;
	[smem:$0x3FB4] =	sst s0  }
0x18: {  	s0 =	sld [smem:$0x3F97];
	_ =	swait.ge [sflag:s4], $0x0  }
0x19: {  	s7 =	sld [smem:$0x3F98]  }
0x1a: {  	s8 =	sadd.s32 $0xFFFFE003, lr  }
0x1b: {  	s9 =	sadd.s32 $0xFFFFFEF7, lr;
	s5 =	simm.s32 $0xFFFFFFFF;
	p2 =	slt.u32 s8, $0xFFFFF086  }
0x1c: {  	p1 =	slt.u32 s9, $0xF7A;
	s5 =	simm.s32 @!p2 $0x0  }
0x1d: {  	s5 =	simm.s32 @p1 $0x1;
	p0 =	seq.s32 s7, s2  }
0x1e: {  	s7 =	smul.u32 @!p0 $0xF7A, s2;
	p2 =	seq.s32 @!p0 s5, $0x0  }
0x1f: {  	s9 =	smul.u32 $0xF7A, s1;
	s8 =	simm.s32 @!p0 $0x1BF5;
	p2 =	por !p2, p0  }
0x20: {  	[sflag:s8] =	ssyncset.s32 @!p0 $0xFFFFF086;
	s6 =	sadd.s32 @!p0 s3, s7;
	s7 =	simm.s32 @!p0 $0x108  }
0x21: {  	s3 =	sadd.s32 s3, s9;
	s6 =	sadd.s32 @!p0 $0x88, s6;
	s7 =	simm.s32 @p2 $0x1082  }
0x22: {  	[simem:s7], [sflag:s8] =	dma.local @!p0 [hbm:s6], $0xF7A  }
0x23: {  	s9 =	sor.u32 $0xD0000000, s2;
	s6 =	simm.s32 $0x108;
	_ =	swait.ge @!p0 [sflag:s8], $0x0  }
0x24: {  	s3 =	sadd.s32 $0x88, s3;
	s6 =	simm.s32 @!p1 $0x1082;
	[sflag:s4] =	ssyncset.s32 $0xFFFFF086  }
0x25: {  	[simem:s6], [sflag:s4] =	dma.local [hbm:s3], $0xF7A  }
0x26: {  	[smem:$0x3F98] =	sst s1;
	(tag) =	ssettag s2;
	_ =	strace s9  }
0x27: {  	s1 =	sld [smem:$0x3FA8]  }
0x28: {  	s2 =	sld [smem:$0x3FA9]  }
0x29: {  	s4 =	sld [smem:$0x3FAB]  }
0x2a: {  	p0 =	seq.s32 s5, $0x0;
	s5 =	sld [smem:$0x3FAC]  }
0x2b: {  	s6 =	sld [smem:$0x3FAD]  }
0x2c: {  	s7 =	sld [smem:$0x3FAE]  }
0x2d: {  	s3 =	simm.s32 $0x108;
	s8 =	sld [smem:$0x3FAF]  }
0x2e: {  	s3 =	simm.s32 @!p0 $0x1082;
	s9 =	sld [smem:$0x3FB0]  }
0x2f: {  	lr =	sadd.s32 s0, s3;
	s0 =	sld [smem:$0x3FA7]  }
0x30: {  	s3 =	sld [smem:$0x3FAA]  }
0x31: {  	[smem:$0x3FB3] =	sst s10  }
0x32: {  	s10 =	sld [smem:$0x3FB1];
	_ =	sdelay $0x3  }
0x33: {  	p0 =	seq.s32 s10, $0x1;
	s10 =	sld [smem:$0x3FB3];
	_ =	sdelay $0x3  }
0x34: {  	[smem:$0x3FB3] =	sst s10  }
0x35: {  	s10 =	sld [smem:$0x3FB2];
	_ =	sdelay $0x3  }
0x36: {  	p1 =	seq.s32 s10, $0x1;
	s10 =	sld [smem:$0x3FB3];
	_ =	sdelay $0x3  }
0x37: {  	[smem:$0x3FB3] =	sst s10  }
0x38: {  	s10 =	sld [smem:$0x3FB4]  }
0x39: {  	_ = 	snop;
	(pc) =	sbr.ind lr, $3  }
0x3a: {  	_ = 	snop  }
0x3b: {  	_ = 	snop  }
0x3c: {  	p2 =	seq.s32 s10, $0x1;
	s10 =	sld [smem:$0x3FB3]  }
0x3d: {  	_ =	shalt  }
0x3e: {  	_ =	shalt  }
0x3f: {  	_ =	shalt  }
0x40: {  	_ =	shalt  }
0x41: {  	_ =	shalt  }
0x42: {  	_ =	shalt  }
0x43: {  	_ =	shalt  }
0x44: {  	_ =	shalt  }
0x45: {  	_ =	shalt  }
0x46: {  	_ =	shalt  }
0x47: {  	_ =	shalt  }
0x48: {  	_ =	shalt  }
0x49: {  	_ =	shalt  }
0x4a: {  	_ =	shalt  }
0x4b: {  	_ =	shalt  }
0x4c: {  	_ =	shalt  }
0x4d: {  	_ =	shalt  }
0x4e: {  	_ =	shalt  }
0x4f: {  	_ =	shalt  }
0x50: {  	_ =	shalt  }
0x51: {  	_ =	shalt  }
0x52: {  	_ =	shalt  }
0x53: {  	_ =	shalt  }
0x54: {  	_ =	shalt  }
0x55: {  	_ =	shalt  }
0x56: {  	_ =	shalt  }
0x57: {  	_ =	shalt  }
0x58: {  	_ =	shalt  }
0x59: {  	_ =	shalt  }
0x5a: {  	_ =	shalt  }
0x5b: {  	_ =	shalt  }
0x5c: {  	_ =	shalt  }
0x5d: {  	_ =	shalt  }
0x5e: {  	_ =	shalt  }
0x5f: {  	_ =	shalt  }
0x60: {  	_ =	shalt  }
0x61: {  	_ =	shalt  }
0x62: {  	_ =	shalt  }
0x63: {  	_ =	shalt  }
0x64: {  	_ =	shalt  }
0x65: {  	_ =	shalt  }
0x66: {  	_ =	shalt  }
0x67: {  	_ =	shalt  }
0x68: {  	_ =	shalt  }
0x69: {  	_ =	shalt  }
0x6a: {  	_ =	shalt  }
0x6b: {  	_ =	shalt  }
0x6c: {  	_ =	shalt  }
0x6d: {  	_ =	shalt  }
0x6e: {  	_ =	shalt  }
0x6f: {  	_ =	shalt  }
0x70: {  	_ =	shalt  }
0x71: {  	_ =	shalt  }
0x72: {  	_ =	shalt  }
0x73: {  	_ =	shalt  }
0x74: {  	_ =	shalt  }
0x75: {  	_ =	shalt  }
0x76: {  	_ =	shalt  }
0x77: {  	_ =	shalt  }
0x78: {  	_ =	shalt  }
0x79: {  	_ =	shalt  }
0x7a: {  	_ =	shalt  }
0x7b: {  	_ =	shalt  }
0x7c: {  	_ =	shalt  }
0x7d: {  	_ =	shalt  }
0x7e: {  	_ =	shalt  }
0x7f: {  	_ =	shalt  }
0x80: {  	_ =	shalt  }
0x81: {  	_ =	shalt  }
0x82: {  	_ =	shalt  }
0x83: {  	_ =	shalt  }
0x84: {  	_ =	shalt  }
0x85: {  	_ =	shalt  }
0x86: {  	_ =	shalt  }
0x87: {  	_ =	shalt  }
.Lfunc_end0:
.L_simem_size_0:
called_computation_lowered:
.L_overlay_start_0:
0x88: {  	s2 =	sld [smem:$0x3FD9]  }
0x89: {  	s3 =	sld [smem:$0x3FFE];
	_ =	sdelay $0x1  }
0x8a: {  	s1 =	srdreg.scid  }
0x8b: {  	s0 =	sand.u32 $0x1, s1  }
0x8c: {  	s17 =	sshll.u32 s0, $0xA;
	s2 =	sadd.s32 s3, s2  }
0x8d: {  	s2 =	sadd.s32 s2, s17  }
0x8e: {  	[smem:$0x3FBF] =	sst s2  }
0x8f: {  	_ = 	snop  }
0x90: {  	s2 =	sld [smem:$0x3FC8]  }
0x91: {  	s18 =	sld [smem:$0x3FD0];
	(tm) =	ssettm $0x1  }
0x92: {  	s4 =	sld [smem:$0x3FFB];
	_ =	sdelay $0x3  }
0x93: {  	_ =	strace s4  }
0x94: {  	s4 =	sld [smem:$0x3FFC];
	_ =	sdelay $0x3  }
0x95: {  	_ =	strace s4  }
0x96: {  	s4 =	sld [smem:$0x3FFD];
	_ =	sdelay $0x3  }
0x97: {  	_ =	strace s4  }
0x98: {  	_ =	strace $0x8FFFFFFF  }
0x99: {  	s19 =	sld [smem:$0x3FDB];
	_ =	sdelay $0x1  }
0x9a: {  	s5 =	simm.s32 $_scs_section_size  }
0x9b: {  	s6 =	simm.s32 $_size__tile_overlayer_lowered;
	s7 =	simm.s32 $_tile_overlayer_lowered  }
0x9c: {  	s22 =	simm.s32 $0x1BFF;
	s21 =	sshll.u32 s7, $0x1;
	s4 =	sadd.s32 s5, s19  }
0x9d: {  	s8 =	simm.s32 $0x0;
	s20 =	sshll.u32 s6, $0x1;
	s6 =	sadd.s32 s21, s4  }
0x9e: {  	[timem:s8], [sflag:s22] =	dma.local [hbm:s6], s20  }
0x9f: {  	_ =	swait.ge [sflag:s22], s20  }
0xa0: {  	s5 =	ssub.s32 $0x0, s20;
	[sflag:s22] =	ssyncset.done $0x0  }
0xa1: {  	[sflag:s22] =	ssyncadd.s32 s5;
	_ =	sdelay $0x1  }
0xa2: {  	s23 =	simm.s32 $0x1B8B  }
0xa3: {  	_ =	swait.ge [sflag:s23], $0x1  }
0xa4: {  	[sflag:s23] =	ssyncset.done $0x0  }
0xa5: {  	s25 =	simm.s32 $0x1B8E;
	s24 =	sld [smem:$0x3FFE];
	[sflag:s23] =	ssyncadd.s32 $0xFFFFFFFF  }
0xa6: {  	s26 =	simm.s32 $execute0_lowered;
	[smem:$0x3FD2] =	sst s25  }
0xa7: {  	s6 =	sshll.u32 s26, $0x1;
	_ =	strace $0x80000046;
	[dreg:$0x1] =	wrdreg $0xFFFFFFFF  }
0xa8: {  	s28 =	simm.s32 $_size_execute0_lowered;
	s4 =	sadd.s32 s4, s6;
	[dreg:$0x0] =	wrdreg $0x0  }
0xa9: {  	s6 =	sshll.u32 s28, $0x1;
	[dreg:$0x2] =	wrdreg s4  }
0xaa: {  	[dreg:$0x3] =	wrdreg s6  }
0xab: {  	[dreg:$0x4] =	wrdreg $0xC0  }
0xac: {  	_ =	task [dreg:s8], $0x5FFFF  }
0xad: {  	[dreg:$0x1] =	wrdreg $0xFFFFFFFF  }
0xae: {  	[dreg:$0x0] =	wrdreg $0x60  }
0xaf: {  	[dreg:$0x2] =	wrdreg s2  }
0xb0: {  	[dreg:$0x3] =	wrdreg s18  }
0xb1: {  	[dreg:$0x4] =	wrdreg s24  }
0xb2: {  	[dreg:$0x5] =	wrdreg $0x9  }
0xb3: {  	_ =	task.clear_ibuf [dreg:s8], $0x6FFFF;
	_ =	strace $0x90000046  }
0xb4: {  	s29 =	simm.s32 $0x9;
	_ =	strace $0x80000048  }
0xb5: {  	_ =	swait.ge [sflag:s29], $0x1  }
0xb6: {  	[sflag:s29] =	ssyncadd.s32 $0xFFFFFFFF  }
0xb7: {  	_ =	strace $0x90000048  }
0xb8: {  	_ =	sfence  }
0xb9: {  	s30 =	sld [smem:$0x0];
	_ =	sdelay $0x2  }
0xba: {  	s31 =	sshll.u32 s1, $0xD;
	s1 =	sshrl.u32 s1, $0x2  }
0xbb: {  	s3 =	sand.u32 $0x4000, s31;
	s1 =	sadd.s32 s1, s30  }
0xbc: {  	s0 =	sor.u32 s3, s0;
	s1 =	sshll.u32 s1, $0x11  }
0xbd: {  	s0 =	sor.u32 s1, s0  }
0xbe: {  	s0 =	sadd.s32 $0x8F2B, s0  }
0xbf: {  	[sflag:s0] =	ssyncadd.remote.s32 $0x1  }
0xc0: {  	_ =	sfence.sel $0xFFFF  }
0xc1: {  	[dreg:$0x0] =	wrdreg $0xFFFFFFFF;
	(pc) =	sbr.abs _section_cstart, $3  }
0xc2: {  	[dreg:$0x1] =	wrdreg $0xFFFFFFFF  }
0xc3: {  	_ =	task.clear_ibuf [dreg:s8], $0x2FFFF;
	_ =	strace $0x9FFFFFFF  }
0xc4: {  	(tm) =	ssettm $0x7FFFFFFF  }
0xc5: {  	_ =	shalt  }
tec
execute0_lowered:
.L_overlay_start_1:
0x0: {  	(tag) =	ssettag $0x1  }
0x1: {  	s4 =	rddreg [dreg:$0x0]  }
0x2: {  	s0 =	srdreg.scid;
	s1 =	stileid.u32  }
0x3: {  	s2 =	rddreg [dreg:$0x2];
	s6 =	simm.s32 $0x0;
	s14 =	simm.s32 $0x1  }
0x4: {  	s15 =	simm.s32 $0x8000;
	s16 =	simm.s32 $0xC000;
	s0 =	sand.u32 $0x1, s0  }
0x5: {  	s1 =	sshll.u32 s1, $0x1;
	[smem:$0x7FF] =	sst s6;
	s7 =	sadd.s32 $0x1A00, s2  }
0x6: {  	s31 =	sadd.s32 $0x27AC80, s4;
	s2 =	sadd.s32 $0x4F7200, s2;
	s1 =	sor.u32 s0, s1  }
0x7: {  	_ =	strace $0x80000047;
	[dreg:$0x4] =	wrdreg s7;
	s0 =	ssub.s32 $0x2, s0  }
0x8: {  	[dreg:$0x7] =	wrdreg s31;
	s3 =	smul.u32 $0xA0000, s1;
	s30 =	sshrl.u32 s0, $0x1  }
.Ltmp0:
0x9: {  	[dreg:$0x8] =	wrdreg s2;
	s0 =	ssub.s32 s0, s30;
	(pc) =	sbr.rel .LBB2_1-.Ltmp0, $4  }
0xa: {  	s5 =	smul.u32 $0x50, s1;
	s3 =	sshrl.u32 s3, $0x3;
	s0 =	smax.u32 s0, $0x1  }
0xb: {  	p0 =	sne.s32 s1, $0x1F;
	s3 =	sadd.s32 s4, s3;
	[dreg:$0x9] =	wrdreg s0  }
0xc: {  	v0 =	vlaneseq.u32;
	s8 =	ssub.s32 $0x9EB, s5;
	[dreg:$0x5] =	wrdreg s3;
	s3 =	sadd.s32 $0x27AC80, s3  }
0xd: {  	v0 =	vmul.u32 $0x10, v0;
	s1 =	simm.s32 $0x0;
	s7 =	smin.u32 s8, $0x50;
	[dreg:$0x6] =	wrdreg s3  }
.LBB2_12:
0xe: {  	s0 =	simm.s32 $0x2  }
0xf: {  	_ =	swait.ge [sflag:s0], $0x4000  }
0x10: {  	[sflag:s0] =	ssyncset.done $0x0  }
0x11: {  	s29 =	simm.s32 $0x3;
	[sflag:s0] =	ssyncadd.s32 $0xFFFFC000  }
0x12: {  	_ =	swait.ge [sflag:s29], $0x4000  }
0x13: {  	[sflag:s29] =	ssyncset.done $0x0  }
0x14: {  	[sflag:s29] =	ssyncadd.s32 $0xFFFFC000  }
0x15: {  	s1 =	simm.s32 @!p0 $0x8000;
	s0 =	simm.s32 @!p0 $0x0;
	s2 =	rddreg [dreg:$0x1]  }
0x16: {  	[tilespmem:s1], [sflag:$0x4] =	stream.linear.gather @!p0 [hbm4b:s2+s0], $0x400, $0x38;
	[tilespmem:$0x10000] =	vst v63  }
0x17: {  	s2 =	simm.s32 @!p0 $0x4  }
0x18: {  	_ =	swait.ge @!p0 [sflag:s2], $0x400  }
0x19: {  	[sflag:s2] =	ssyncset.done @!p0 $0x0  }
0x1a: {  	s3 =	rddreg [dreg:$0x8];
	[sflag:s2] =	ssyncadd.s32 @!p0 $0xFFFFFC00  }
0x1b: {  	[hbm4b:s3+s0] =	stream.linear.scatter @!p0 [tilespmem:s1], [sflag:$0x4], $0x400, $0x38;
	[tilespmem:$0x10000] =	vst v63  }
0x1c: {  	_ =	swait.ge @!p0 [sflag:s2], $0x400  }
0x1d: {  	s30 =	rddreg [dreg:$0xa]  }
0x1e: {  	s31 =	rddreg [dreg:$0x9];
	s1 =	sadd.s32 $0x1, s30  }
0x1f: {  	p1 =	sne.s32 s1, s31  }
.Ltmp1:
0x20: {  	_ = 	snop;
	(pc) =	sbr.rel @!p1 .LBB2_13-.Ltmp1, $3  }
0x21: {  	_ =	sdelay $0x1  }
0x22: {  	[sflag:s2] =	ssyncset.done @!p0 $0x0  }
0x23: {  	[sflag:s2] =	ssyncadd.s32 @!p0 $0xFFFFFC00  }
.LBB2_1:
.Ltmp2:
0x24: {  	[dreg:$0xa] =	wrdreg s1;
	(pc) =	sbr.rel .LBB2_2-.Ltmp2, $4  }
0x25: {  	s0 =	rddreg [dreg:$0x5]  }
0x26: {  	[tilespmem:s6], [sflag:$0x1] =	stream.linear.gather [hbm4b:s0+s6], $0x2000, $0x38;
	[tilespmem:$0x10000] =	vst v63  }
0x27: {  	s30 =	rddreg [dreg:$0x6];
	s31 =	simm.s32 $0x2000;
	s20 =	simm.s32 $0x0  }
0x28: {  	[tilespmem:s31], [sflag:$0x1] =	stream.linear.gather [hbm4b:s30+s6], $0x2000, $0x38;
	[tilespmem:$0x10000] =	vst v63  }
.LBB2_10:
0x29: {  	_ = 	snop  }
0x2a: {  	s0 =	sadd.s32 s5, s21  }
0x2b: {  	s0 =	sshll.u32 s0, $0xB  }
0x2c: {  	s1 =	rddreg [dreg:$0x4];
	s0 =	sand.u32 $0x1FFFF800, s0  }
0x2d: {  	[tilespmem:v2+s16+$0x0] =	vst.idx.msk $0xffff, v1;
	s6 =	simm.s32 $0x0;
	s4 =	smov.u32 s10;
	s0 =	sadd.s32 s1, s0  }
0x2e: {  	[hbm4b:s0+s6] =	stream.linear.scatter [tilespmem:s16], [sflag:$0x3], $0x4000, $0x38;
	[tilespmem:$0x10000] =	vst v63  }
.LBB2_11:
0x2f: {  	s20 =	sadd.s32 $0x1, s20  }
0x30: {  	p1 =	sne.s32 s20, $0x28  }
.Ltmp3:
0x31: {  	_ = 	snop;
	(pc) =	sbr.rel @!p1 .LBB2_12-.Ltmp3, $1  }
0x32: {  	_ =	sdelay $0x3  }
.LBB2_2:
0x33: {  	s22 =	sshll.u32 s20, $0x1  }
0x34: {  	p1 =	slt.u32 s22, s7  }
.Ltmp4:
0x35: {  	_ = 	snop;
	(pc) =	sbr.rel @!p1 .LBB2_3-.Ltmp4, $1  }
0x36: {  	_ =	sdelay $0x3  }
0x37: {  	_ =	swait.ge [sflag:s14], $0x2000  }
0x38: {  	s21 =	sor.u32 $0x1, s22;
	[sflag:s14] =	ssyncset.done $0x0  }
0x39: {  	p1 =	sge.u32 s21, s7;
	[sflag:s14] =	ssyncadd.s32 $0xFFFFE000  }
0x3a: {  	s0 =	sadd.s32 @!p1 s5, s21;
	_ =	swait.ge [sflag:s14], $0x2000  }
0x3b: {  	s2 =	simm.s32 @!p1 $0x0;
	s0 =	sshll.u32 @!p1 s0, $0xA;
	[sflag:s14] =	ssyncset.done $0x0  }
0x3c: {  	s3 =	simm.s32 @!p1 $0x4000;
	s1 =	sadd.s32 @!p1 s4, s0;
	[sflag:s14] =	ssyncadd.s32 $0xFFFFE000  }
0x3d: {  	[tilespmem:s3], [sflag:$0x1] =	stream.linear.gather @!p1 [hbm4b:s1+s2], $0x2000, $0x38;
	[tilespmem:$0x10000] =	vst v63  }
0x3e: {  	s1 =	rddreg [dreg:$0x7]  }
0x3f: {  	s0 =	sadd.s32 @!p1 s0, s1;
	s1 =	simm.s32 @!p1 $0x6000  }
0x40: {  	[tilespmem:s1], [sflag:$0x1] =	stream.linear.gather @!p1 [hbm4b:s0+s2], $0x2000, $0x38;
	[tilespmem:$0x10000] =	vst v63  }
0x41: {  	p1 =	seq.s32 s20, $0x0  }
0x42: {  	s2 =	simm.s32 @!p1 $0x2  }
0x43: {  	s0 =	simm.s32 $0x0;
	_ =	swait.ge @!p1 [sflag:s2], $0x4000  }
0x44: {  	s12 =	sand.u32 $0x60, s0;
	s1 =	sand.u32 $0x1C00, s0;
	[sflag:s2] =	ssyncset.done @!p1 $0x0  }
0x45: {  	s18 =	simm.s32 $0x0;
	s19 =	sor.u32 s12, s1;
	[sflag:s2] =	ssyncadd.s32 @!p1 $0xFFFFC000  }
0x46: {  	v2 =	vor.u32 s18, v0;
	v1 =	vld [tilespmem:s19+$0x0];
	_ =	sdelay $0x4  }
0x47: {  	s23 =	simm.s32 $0x1;
	[tilespmem:v2+s15+$0x0] =	vst.idx.msk $0xffff, v1  }
0x48: {  	v2 =	vor.u32 s23, v0;
	v1 =	vld [tilespmem:s19+$0x80];
	_ =	sdelay $0x4  }
0x49: {  	s24 =	simm.s32 $0x2;
	[tilespmem:v2+s15+$0x0] =	vst.idx.msk $0xffff, v1  }
0x4a: {  	v2 =	vor.u32 s24, v0;
	v1 =	vld [tilespmem:s19+$0x100];
	_ =	sdelay $0x4  }
0x4b: {  	s25 =	simm.s32 $0x3;
	[tilespmem:v2+s15+$0x0] =	vst.idx.msk $0xffff, v1  }
0x4c: {  	v2 =	vor.u32 s25, v0;
	v1 =	vld [tilespmem:s19+$0x180];
	_ =	sdelay $0x4  }
0x4d: {  	s26 =	simm.s32 $0x4;
	[tilespmem:v2+s15+$0x0] =	vst.idx.msk $0xffff, v1  }
0x4e: {  	v2 =	vor.u32 s26, v0;
	v1 =	vld [tilespmem:s19+$0x200];
	_ =	sdelay $0x4  }
0x4f: {  	s31 =	simm.s32 $0x5;
	[tilespmem:v2+s15+$0x0] =	vst.idx.msk $0xffff, v1  }
0x50: {  	v2 =	vor.u32 s31, v0;
	v1 =	vld [tilespmem:s19+$0x280]  }
0x51: {  	s23 =	simm.s32 $0x0  }
0x52: {  	s8 =	sand.u32 $0x3, s23  }
0x53: {  	s2 =	sshll.u32 s8, $0x5  }
0x54: {  	s2 =	sadd.s32 $0x0, s2  }
0x55: {  	s9 =	simm.s32 $0x6;
	s2 =	sor.u32 $0x300, s2;
	[tilespmem:v2+s15+$0x0] =	vst.idx.msk $0xffff, v1  }
0x56: {  	v2 =	vor.u32 s9, v0;
	v1 =	vld [tilespmem:s2+$0x0];
	_ =	sdelay $0x3  }
0x57: {  	s10 =	sor.u32 s0, s0  }
0x58: {  	s11 =	simm.s32 $0x7;
	s2 =	sor.u32 $0x380, s10;
	[tilespmem:v2+s15+$0x0] =	vst.idx.msk $0xffff, v1  }
0x59: {  	v2 =	vor.u32 s11, v0;
	v1 =	vld [tilespmem:s2+$0x0];
	_ =	sdelay $0x3  }
0x5a: {  	s2 =	sor.u32 $0x2000, s1  }
0x5b: {  	s8 =	simm.s32 $0x8;
	s13 =	sor.u32 s12, s2;
	[tilespmem:v2+s15+$0x0] =	vst.idx.msk $0xffff, v1  }
0x5c: {  	v2 =	vor.u32 s8, v0;
	v1 =	vld [tilespmem:s13+$0x0];
	_ =	sdelay $0x3  }
0x5d: {  	s3 =	sor.u32 $0x2080, s1  }
0x5e: {  	s17 =	sor.u32 s12, s3;
	s9 =	simm.s32 $0x9;
	[tilespmem:v2+s15+$0x0] =	vst.idx.msk $0xffff, v1  }
0x5f: {  	v2 =	vor.u32 s9, v0;
	v1 =	vld [tilespmem:s17+$0x0];
	_ =	sdelay $0x3  }
0x60: {  	s8 =	sor.u32 $0x2100, s1  }
0x61: {  	s11 =	simm.s32 $0xA;
	s18 =	sor.u32 s12, s8;
	[tilespmem:v2+s15+$0x0] =	vst.idx.msk $0xffff, v1  }
0x62: {  	v2 =	vor.u32 s11, v0;
	v1 =	vld [tilespmem:s18+$0x0];
	_ =	sdelay $0x3  }
0x63: {  	s9 =	sor.u32 $0x2180, s1  }
0x64: {  	s13 =	simm.s32 $0xB;
	s19 =	sor.u32 s12, s9;
	[tilespmem:v2+s15+$0x0] =	vst.idx.msk $0xffff, v1  }
0x65: {  	v2 =	vor.u32 s13, v0;
	v1 =	vld [tilespmem:s19+$0x0];
	_ =	sdelay $0x3  }
0x66: {  	s11 =	sor.u32 $0x2200, s1  }
0x67: {  	s17 =	simm.s32 $0xC;
	s24 =	sor.u32 s12, s11;
	[tilespmem:v2+s15+$0x0] =	vst.idx.msk $0xffff, v1  }
0x68: {  	v2 =	vor.u32 s17, v0;
	v1 =	vld [tilespmem:s24+$0x0];
	_ =	sdelay $0x3  }
0x69: {  	s13 =	sor.u32 $0x2280, s1  }
0x6a: {  	s18 =	simm.s32 $0xD;
	s25 =	sor.u32 s12, s13;
	[tilespmem:v2+s15+$0x0] =	vst.idx.msk $0xffff, v1  }
0x6b: {  	v2 =	vor.u32 s18, v0;
	v1 =	vld [tilespmem:s25+$0x0];
	_ =	sdelay $0x3  }
0x6c: {  	s18 =	sor.u32 $0x2300, s1  }
0x6d: {  	s19 =	simm.s32 $0xE;
	s26 =	sor.u32 s12, s18;
	[tilespmem:v2+s15+$0x0] =	vst.idx.msk $0xffff, v1  }
0x6e: {  	v2 =	vor.u32 s19, v0;
	v1 =	vld [tilespmem:s26+$0x0];
	_ =	sdelay $0x3  }
0x6f: {  	s17 =	sor.u32 $0x2380, s1  }
0x70: {  	s31 =	simm.s32 $0xF;
	s12 =	sor.u32 s12, s17;
	[tilespmem:v2+s15+$0x0] =	vst.idx.msk $0xffff, v1  }
0x71: {  	v2 =	vor.u32 s31, v0;
	v1 =	vld [tilespmem:s12+$0x0];
	_ =	sdelay $0x2  }
0x72: {  	s19 =	simm.s32 $0x10  }
0x73: {  	s12 =	sand.u32 $0x70, s19  }
0x74: {  	s24 =	simm.s32 $0x100;
	s1 =	sor.u32 s12, s1;
	[tilespmem:v2+s15+$0x0] =	vst.idx.msk $0xffff, v1  }
0x75: {  	v2 =	vor.u32 s24, v0;
	v1 =	vld [tilespmem:s1+$0x0];
	_ =	sdelay $0x4  }
0x76: {  	s10 =	simm.s32 $0x101;
	[tilespmem:v2+s15+$0x0] =	vst.idx.msk $0xffff, v1  }
0x77: {  	v2 =	vor.u32 s10, v0;
	v1 =	vld [tilespmem:s1+$0x80];
	_ =	sdelay $0x4  }
0x78: {  	s25 =	simm.s32 $0x102;
	[tilespmem:v2+s15+$0x0] =	vst.idx.msk $0xffff, v1  }
0x79: {  	v2 =	vor.u32 s25, v0;
	v1 =	vld [tilespmem:s1+$0x100];
	_ =	sdelay $0x4  }
0x7a: {  	s26 =	simm.s32 $0x103;
	[tilespmem:v2+s15+$0x0] =	vst.idx.msk $0xffff, v1  }
0x7b: {  	v2 =	vor.u32 s26, v0;
	v1 =	vld [tilespmem:s1+$0x180];
	_ =	sdelay $0x4  }
0x7c: {  	s31 =	simm.s32 $0x104;
	[tilespmem:v2+s15+$0x0] =	vst.idx.msk $0xffff, v1  }
0x7d: {  	v2 =	vor.u32 s31, v0;
	v1 =	vld [tilespmem:s1+$0x200];
	_ =	sdelay $0x4  }
0x7e: {  	s10 =	simm.s32 $0x105;
	[tilespmem:v2+s15+$0x0] =	vst.idx.msk $0xffff, v1  }
0x7f: {  	v2 =	vor.u32 s10, v0;
	v1 =	vld [tilespmem:s1+$0x280]  }
0x80: {  	s25 =	sand.u32 $0x7, s23  }
0x81: {  	s1 =	sshll.u32 s25, $0x4  }
0x82: {  	s1 =	sadd.s32 $0x0, s1  }
0x83: {  	s1 =	sadd.s32 $0x10, s1  }
0x84: {  	s26 =	simm.s32 $0x106;
	s1 =	sor.u32 $0x300, s1;
	[tilespmem:v2+s15+$0x0] =	vst.idx.msk $0xffff, v1  }
0x85: {  	v2 =	vor.u32 s26, v0;
	v1 =	vld [tilespmem:s1+$0x0];
	_ =	sdelay $0x3  }
0x86: {  	s0 =	sor.u32 s19, s0  }
0x87: {  	s0 =	sor.u32 $0x380, s0;
	s31 =	simm.s32 $0x107;
	[tilespmem:v2+s15+$0x0] =	vst.idx.msk $0xffff, v1  }
0x88: {  	v2 =	vor.u32 s31, v0;
	v1 =	vld [tilespmem:s0+$0x0];
	_ =	sdelay $0x4  }
0x89: {  	s19 =	simm.s32 $0x108;
	s10 =	sor.u32 s12, s2;
	[tilespmem:v2+s15+$0x0] =	vst.idx.msk $0xffff, v1  }
0x8a: {  	v2 =	vor.u32 s19, v0;
	v1 =	vld [tilespmem:s10+$0x0];
	_ =	sdelay $0x4  }
0x8b: {  	s24 =	sor.u32 s12, s3;
	s25 =	simm.s32 $0x109;
	[tilespmem:v2+s15+$0x0] =	vst.idx.msk $0xffff, v1  }
0x8c: {  	v2 =	vor.u32 s25, v0;
	v1 =	vld [tilespmem:s24+$0x0];
	_ =	sdelay $0x4  }
0x8d: {  	s26 =	sor.u32 s12, s8;
	s31 =	simm.s32 $0x10A;
	[tilespmem:v2+s15+$0x0] =	vst.idx.msk $0xffff, v1  }
0x8e: {  	v2 =	vor.u32 s31, v0;
	v1 =	vld [tilespmem:s26+$0x0];
	_ =	sdelay $0x4  }
0x8f: {  	s3 =	simm.s32 $0x10B;
	s2 =	sor.u32 s12, s9;
	[tilespmem:v2+s15+$0x0] =	vst.idx.msk $0xffff, v1  }
0x90: {  	v2 =	vor.u32 s3, v0;
	v1 =	vld [tilespmem:s2+$0x0];
	_ =	sdelay $0x4  }
0x91: {  	s9 =	simm.s32 $0x10C;
	s8 =	sor.u32 s12, s11;
	[tilespmem:v2+s15+$0x0] =	vst.idx.msk $0xffff, v1  }
0x92: {  	v2 =	vor.u32 s9, v0;
	v1 =	vld [tilespmem:s8+$0x0];
	_ =	sdelay $0x4  }
0x93: {  	s11 =	simm.s32 $0x10D;
	s10 =	sor.u32 s12, s13;
	[tilespmem:v2+s15+$0x0] =	vst.idx.msk $0xffff, v1  }
0x94: {  	v2 =	vor.u32 s11, v0;
	v1 =	vld [tilespmem:s10+$0x0];
	_ =	sdelay $0x4  }
0x95: {  	s13 =	sor.u32 s12, s18;
	s18 =	simm.s32 $0x10E;
	[tilespmem:v2+s15+$0x0] =	vst.idx.msk $0xffff, v1  }
0x96: {  	v2 =	vor.u32 s18, v0;
	v1 =	vld [tilespmem:s13+$0x0];
	_ =	sdelay $0x4  }
0x97: {  	s19 =	simm.s32 $0x10F;
	s31 =	sor.u32 s12, s17;
	[tilespmem:v2+s15+$0x0] =	vst.idx.msk $0xffff, v1  }
0x98: {  	v2 =	vor.u32 s19, v0;
	v1 =	vld [tilespmem:s31+$0x0]  }
0x99: {  	s28 =	simm.s32 $0x110;
	s29 =	simm.s32 $0x0;
	s30 =	simm.s32 $0x0  }
0x9a: {  	s25 =	simm.s32 $0x30F;
	s24 =	simm.s32 $0x0;
	s26 =	simm.s32 $0x30  }
.LBB2_5:
0x9b: {  	s31 =	sadd.s32 $0xFFFFFFF0, s28;
	s0 =	sadd.s32 $0xFFFFFFF0, s26;
	s24 =	sadd.s32 $0x2, s24  }
0x9c: {  	s1 =	sand.u32 $0x60, s0;
	s2 =	sand.u32 $0x1C00, s31;
	p1 =	slt.u32 s24, $0x3E  }
0x9d: {  	s3 =	sadd.s32 $0xFFFFFEF1, s25;
	s8 =	sor.u32 s1, s2;
	[tilespmem:v2+s15+$0x0] =	vst.idx.msk $0xffff, v1  }
0x9e: {  	v2 =	vor.u32 s3, v0;
	v1 =	vld [tilespmem:s8+$0x0];
	_ =	sdelay $0x4  }
0x9f: {  	s3 =	sadd.s32 $0xFFFFFEF2, s25;
	[tilespmem:v2+s15+$0x0] =	vst.idx.msk $0xffff, v1  }
0xa0: {  	v2 =	vor.u32 s3, v0;
	v1 =	vld [tilespmem:s8+$0x80];
	_ =	sdelay $0x4  }
0xa1: {  	s3 =	sadd.s32 $0xFFFFFEF3, s25;
	[tilespmem:v2+s15+$0x0] =	vst.idx.msk $0xffff, v1  }
0xa2: {  	v2 =	vor.u32 s3, v0;
	v1 =	vld [tilespmem:s8+$0x100];
	_ =	sdelay $0x4  }
0xa3: {  	s3 =	sadd.s32 $0xFFFFFEF4, s25;
	[tilespmem:v2+s15+$0x0] =	vst.idx.msk $0xffff, v1  }
0xa4: {  	v2 =	vor.u32 s3, v0;
	v1 =	vld [tilespmem:s8+$0x180];
	_ =	sdelay $0x4  }
0xa5: {  	s3 =	sadd.s32 $0xFFFFFEF5, s25;
	[tilespmem:v2+s15+$0x0] =	vst.idx.msk $0xffff, v1  }
0xa6: {  	v2 =	vor.u32 s3, v0;
	v1 =	vld [tilespmem:s8+$0x200];
	_ =	sdelay $0x4  }
0xa7: {  	s3 =	sadd.s32 $0xFFFFFEF6, s25;
	[tilespmem:v2+s15+$0x0] =	vst.idx.msk $0xffff, v1  }
0xa8: {  	v2 =	vor.u32 s3, v0;
	v1 =	vld [tilespmem:s8+$0x280]  }
0xa9: {  	s23 =	sadd.s32 $0x1, s23  }
0xaa: {  	s3 =	sand.u32 $0x3, s23  }
0xab: {  	s29 =	sadd.s32 $0x100, s29;
	s3 =	sshll.u32 s3, $0x5  }
0xac: {  	s3 =	sadd.s32 s3, s29  }
0xad: {  	s8 =	sadd.s32 $0xFFFFFEF7, s25;
	s3 =	sor.u32 $0x300, s3;
	[tilespmem:v2+s15+$0x0] =	vst.idx.msk $0xffff, v1  }
0xae: {  	v2 =	vor.u32 s8, v0;
	v1 =	vld [tilespmem:s3+$0x0];
	_ =	sdelay $0x3  }
0xaf: {  	s0 =	sor.u32 s0, s31  }
0xb0: {  	s0 =	sor.u32 $0x380, s0;
	s3 =	sadd.s32 $0xFFFFFEF8, s25;
	[tilespmem:v2+s15+$0x0] =	vst.idx.msk $0xffff, v1  }
0xb1: {  	v2 =	vor.u32 s3, v0;
	v1 =	vld [tilespmem:s0+$0x0];
	_ =	sdelay $0x3  }
0xb2: {  	s0 =	sor.u32 $0x2000, s2  }
0xb3: {  	s8 =	sadd.s32 $0xFFFFFEF9, s25;
	s3 =	sor.u32 s1, s0;
	[tilespmem:v2+s15+$0x0] =	vst.idx.msk $0xffff, v1  }
0xb4: {  	v2 =	vor.u32 s8, v0;
	v1 =	vld [tilespmem:s3+$0x0];
	_ =	sdelay $0x3  }
0xb5: {  	s3 =	sor.u32 $0x2080, s2  }
0xb6: {  	s9 =	sadd.s32 $0xFFFFFEFA, s25;
	s8 =	sor.u32 s1, s3;
	[tilespmem:v2+s15+$0x0] =	vst.idx.msk $0xffff, v1  }
0xb7: {  	v2 =	vor.u32 s9, v0;
	v1 =	vld [tilespmem:s8+$0x0];
	_ =	sdelay $0x3  }
0xb8: {  	s13 =	sor.u32 $0x2100, s2  }
0xb9: {  	s9 =	sadd.s32 $0xFFFFFEFB, s25;
	s8 =	sor.u32 s1, s13;
	[tilespmem:v2+s15+$0x0] =	vst.idx.msk $0xffff, v1  }
0xba: {  	v2 =	vor.u32 s9, v0;
	v1 =	vld [tilespmem:s8+$0x0];
	_ =	sdelay $0x3  }
0xbb: {  	s9 =	sor.u32 $0x2180, s2  }
0xbc: {  	s11 =	sadd.s32 $0xFFFFFEFC, s25;
	s8 =	sor.u32 s1, s9;
	[tilespmem:v2+s15+$0x0] =	vst.idx.msk $0xffff, v1  }
0xbd: {  	v2 =	vor.u32 s11, v0;
	v1 =	vld [tilespmem:s8+$0x0];
	_ =	sdelay $0x3  }
0xbe: {  	s8 =	sor.u32 $0x2200, s2  }
0xbf: {  	s12 =	sadd.s32 $0xFFFFFEFD, s25;
	s11 =	sor.u32 s1, s8;
	[tilespmem:v2+s15+$0x0] =	vst.idx.msk $0xffff, v1  }
0xc0: {  	v2 =	vor.u32 s12, v0;
	v1 =	vld [tilespmem:s11+$0x0];
	_ =	sdelay $0x3  }
0xc1: {  	s11 =	sor.u32 $0x2280, s2  }
0xc2: {  	s17 =	sadd.s32 $0xFFFFFEFE, s25;
	s12 =	sor.u32 s1, s11;
	[tilespmem:v2+s15+$0x0] =	vst.idx.msk $0xffff, v1  }
0xc3: {  	v2 =	vor.u32 s17, v0;
	v1 =	vld [tilespmem:s12+$0x0];
	_ =	sdelay $0x3  }
0xc4: {  	s12 =	sor.u32 $0x2300, s2  }
0xc5: {  	s18 =	sadd.s32 $0xFFFFFEFF, s25;
	s17 =	sor.u32 s1, s12;
	[tilespmem:v2+s15+$0x0] =	vst.idx.msk $0xffff, v1  }
0xc6: {  	v2 =	vor.u32 s18, v0;
	v1 =	vld [tilespmem:s17+$0x0];
	_ =	sdelay $0x3  }
0xc7: {  	s17 =	sor.u32 $0x2380, s2  }
0xc8: {  	s18 =	sadd.s32 $0xFFFFFF00, s25;
	s1 =	sor.u32 s1, s17;
	[tilespmem:v2+s15+$0x0] =	vst.idx.msk $0xffff, v1  }
0xc9: {  	v2 =	vor.u32 s18, v0;
	v1 =	vld [tilespmem:s1+$0x0];
	_ =	sdelay $0x3  }
0xca: {  	s1 =	sand.u32 $0x70, s26  }
0xcb: {  	s18 =	sadd.s32 $0xFFFFFFF1, s25;
	s2 =	sor.u32 s1, s2;
	[tilespmem:v2+s15+$0x0] =	vst.idx.msk $0xffff, v1  }
0xcc: {  	v2 =	vor.u32 s18, v0;
	v1 =	vld [tilespmem:s2+$0x0];
	_ =	sdelay $0x4  }
0xcd: {  	s18 =	sadd.s32 $0xFFFFFFF2, s25;
	[tilespmem:v2+s15+$0x0] =	vst.idx.msk $0xffff, v1  }
0xce: {  	v2 =	vor.u32 s18, v0;
	v1 =	vld [tilespmem:s2+$0x80];
	_ =	sdelay $0x4  }
0xcf: {  	s18 =	sadd.s32 $0xFFFFFFF3, s25;
	[tilespmem:v2+s15+$0x0] =	vst.idx.msk $0xffff, v1  }
0xd0: {  	v2 =	vor.u32 s18, v0;
	v1 =	vld [tilespmem:s2+$0x100];
	_ =	sdelay $0x4  }
0xd1: {  	s18 =	sadd.s32 $0xFFFFFFF4, s25;
	[tilespmem:v2+s15+$0x0] =	vst.idx.msk $0xffff, v1  }
0xd2: {  	v2 =	vor.u32 s18, v0;
	v1 =	vld [tilespmem:s2+$0x180];
	_ =	sdelay $0x4  }
0xd3: {  	s18 =	sadd.s32 $0xFFFFFFF5, s25;
	[tilespmem:v2+s15+$0x0] =	vst.idx.msk $0xffff, v1  }
0xd4: {  	v2 =	vor.u32 s18, v0;
	v1 =	vld [tilespmem:s2+$0x200];
	_ =	sdelay $0x4  }
0xd5: {  	s18 =	sadd.s32 $0xFFFFFFF6, s25;
	[tilespmem:v2+s15+$0x0] =	vst.idx.msk $0xffff, v1  }
0xd6: {  	s30 =	sadd.s32 $0x2, s30;
	v2 =	vor.u32 s18, v0;
	v1 =	vld [tilespmem:s2+$0x280]  }
0xd7: {  	s2 =	sand.u32 $0x7, s30  }
0xd8: {  	s2 =	sshll.u32 s2, $0x4  }
0xd9: {  	s2 =	sadd.s32 s31, s2  }
0xda: {  	s2 =	sadd.s32 $0x10, s2  }
0xdb: {  	s18 =	sadd.s32 $0xFFFFFFF7, s25;
	s2 =	sor.u32 $0x300, s2;
	[tilespmem:v2+s15+$0x0] =	vst.idx.msk $0xffff, v1  }
0xdc: {  	v2 =	vor.u32 s18, v0;
	v1 =	vld [tilespmem:s2+$0x0];
	_ =	sdelay $0x3  }
0xdd: {  	s2 =	sor.u32 s26, s31  }
0xde: {  	s18 =	sadd.s32 $0xFFFFFFF8, s25;
	s2 =	sor.u32 $0x380, s2;
	[tilespmem:v2+s15+$0x0] =	vst.idx.msk $0xffff, v1  }
0xdf: {  	v2 =	vor.u32 s18, v0;
	v1 =	vld [tilespmem:s2+$0x0];
	_ =	sdelay $0x4  }
0xe0: {  	s0 =	sor.u32 s1, s0;
	s2 =	sadd.s32 $0xFFFFFFF9, s25;
	[tilespmem:v2+s15+$0x0] =	vst.idx.msk $0xffff, v1  }
0xe1: {  	v2 =	vor.u32 s2, v0;
	v1 =	vld [tilespmem:s0+$0x0];
	_ =	sdelay $0x4  }
0xe2: {  	s2 =	sadd.s32 $0xFFFFFFFA, s25;
	s0 =	sor.u32 s1, s3;
	[tilespmem:v2+s15+$0x0] =	vst.idx.msk $0xffff, v1  }
0xe3: {  	v2 =	vor.u32 s2, v0;
	v1 =	vld [tilespmem:s0+$0x0];
	_ =	sdelay $0x4  }
0xe4: {  	s2 =	sadd.s32 $0xFFFFFFFB, s25;
	s0 =	sor.u32 s1, s13;
	[tilespmem:v2+s15+$0x0] =	vst.idx.msk $0xffff, v1  }
0xe5: {  	v2 =	vor.u32 s2, v0;
	v1 =	vld [tilespmem:s0+$0x0];
	_ =	sdelay $0x4  }
0xe6: {  	s2 =	sadd.s32 $0xFFFFFFFC, s25;
	s0 =	sor.u32 s1, s9;
	[tilespmem:v2+s15+$0x0] =	vst.idx.msk $0xffff, v1  }
0xe7: {  	v2 =	vor.u32 s2, v0;
	v1 =	vld [tilespmem:s0+$0x0];
	_ =	sdelay $0x4  }
0xe8: {  	s2 =	sadd.s32 $0xFFFFFFFD, s25;
	s0 =	sor.u32 s1, s8;
	[tilespmem:v2+s15+$0x0] =	vst.idx.msk $0xffff, v1  }
0xe9: {  	v2 =	vor.u32 s2, v0;
	v1 =	vld [tilespmem:s0+$0x0];
	_ =	sdelay $0x4  }
0xea: {  	s2 =	sadd.s32 $0xFFFFFFFE, s25;
	s0 =	sor.u32 s1, s11;
	[tilespmem:v2+s15+$0x0] =	vst.idx.msk $0xffff, v1  }
0xeb: {  	v2 =	vor.u32 s2, v0;
	v1 =	vld [tilespmem:s0+$0x0];
	_ =	sdelay $0x4  }
0xec: {  	s2 =	sadd.s32 $0xFFFFFFFF, s25;
	s0 =	sor.u32 s1, s12;
	[tilespmem:v2+s15+$0x0] =	vst.idx.msk $0xffff, v1  }
0xed: {  	v2 =	vor.u32 s2, v0;
	v1 =	vld [tilespmem:s0+$0x0];
	_ =	sdelay $0x3  }
.Ltmp5:
0xee: {  	(pc) =	sbr.rel @p1 .LBB2_5-.Ltmp5, $3  }
0xef: {  	s0 =	sor.u32 s1, s17;
	[tilespmem:v2+s15+$0x0] =	vst.idx.msk $0xffff, v1  }
0xf0: {  	v2 =	vor.u32 s25, v0;
	v1 =	vld [tilespmem:s0+$0x0];
	_ =	sdelay $0x1  }
0xf1: {  	s28 =	sadd.s32 $0x100, s28;
	s26 =	sadd.s32 $0x20, s26;
	s25 =	sadd.s32 $0x200, s25  }
0xf2: {  	_ = 	snop  }
.Ltmp6:
0xf3: {  	_ = 	snop;
	(pc) =	sbr.rel .LBB2_7-.Ltmp6, $4  }
0xf4: {  	s0 =	sadd.s32 s5, s22  }
0xf5: {  	s1 =	rddreg [dreg:$0x4];
	s0 =	sshll.u32 s0, $0xB  }
0xf6: {  	[tilespmem:v2+s15+$0x0] =	vst.idx.msk $0xffff, v1;
	s0 =	sadd.s32 s1, s0  }
0xf7: {  	[hbm4b:s0+s6] =	stream.linear.scatter [tilespmem:s15], [sflag:$0x2], $0x4000, $0x38;
	[tilespmem:$0x10000] =	vst v63  }
.LBB2_3:
0xf8: {  	s21 =	sor.u32 $0x1, s22  }
.LBB2_7:
0xf9: {  	p1 =	sge.u32 s21, s7  }
.Ltmp7:
0xfa: {  	_ = 	snop;
	(pc) =	sbr.rel @p1 .LBB2_11-.Ltmp7, $1  }
0xfb: {  	_ =	sdelay $0x3  }
0xfc: {  	_ =	swait.ge [sflag:s14], $0x2000  }
0xfd: {  	s0 =	sadd.s32 $0x2, s22;
	[sflag:s14] =	ssyncset.done $0x0  }
0xfe: {  	p1 =	sge.u32 s0, s7;
	[sflag:s14] =	ssyncadd.s32 $0xFFFFE000  }
0xff: {  	s0 =	sadd.s32 @!p1 s5, s0;
	_ =	swait.ge [sflag:s14], $0x2000  }
0x100: {  	s0 =	sshll.u32 @!p1 s0, $0xA;
	[sflag:s14] =	ssyncset.done $0x0  }
0x101: {  	s2 =	simm.s32 @!p1 $0x0;
	s1 =	sadd.s32 @!p1 s4, s0;
	[sflag:s14] =	ssyncadd.s32 $0xFFFFE000  }
0x102: {  	[tilespmem:s2], [sflag:$0x1] =	stream.linear.gather @!p1 [hbm4b:s1+s2], $0x2000, $0x38;
	[tilespmem:$0x10000] =	vst v63  }
0x103: {  	s1 =	rddreg [dreg:$0x7]  }
0x104: {  	s0 =	sadd.s32 @!p1 s0, s1;
	s1 =	simm.s32 @!p1 $0x2000  }
0x105: {  	[tilespmem:s1], [sflag:$0x1] =	stream.linear.gather @!p1 [hbm4b:s0+s2], $0x2000, $0x38;
	[tilespmem:$0x10000] =	vst v63  }
0x106: {  	p1 =	seq.s32 s20, $0x0  }
0x107: {  	s10 =	smov.u32 s4;
	s4 =	simm.s32 $0x0;
	s1 =	simm.s32 @!p1 $0x3  }
0x108: {  	s6 =	simm.s32 $0x0;
	s11 =	sand.u32 $0x1C00, s4;
	_ =	swait.ge @!p1 [sflag:s1], $0x4000  }
0x109: {  	s12 =	sand.u32 $0x60, s6;
	s0 =	sor.u32 $0x4000, s11;
	[sflag:s1] =	ssyncset.done @!p1 $0x0  }
0x10a: {  	s8 =	simm.s32 $0x0;
	s2 =	sor.u32 s12, s0;
	[sflag:s1] =	ssyncadd.s32 @!p1 $0xFFFFC000  }
0x10b: {  	v2 =	vor.u32 s8, v0;
	v1 =	vld [tilespmem:s2+$0x0];
	_ =	sdelay $0x3  }
0x10c: {  	s1 =	sor.u32 $0x4080, s11  }
0x10d: {  	s3 =	simm.s32 $0x1;
	s9 =	sor.u32 s12, s1;
	[tilespmem:v2+s16+$0x0] =	vst.idx.msk $0xffff, v1  }
0x10e: {  	v2 =	vor.u32 s3, v0;
	v1 =	vld [tilespmem:s9+$0x0];
	_ =	sdelay $0x3  }
0x10f: {  	s2 =	sor.u32 $0x4100, s11  }
0x110: {  	s8 =	simm.s32 $0x2;
	s13 =	sor.u32 s12, s2;
	[tilespmem:v2+s16+$0x0] =	vst.idx.msk $0xffff, v1  }
0x111: {  	v2 =	vor.u32 s8, v0;
	v1 =	vld [tilespmem:s13+$0x0];
	_ =	sdelay $0x3  }
0x112: {  	s3 =	sor.u32 $0x4180, s11  }
0x113: {  	s17 =	sor.u32 s12, s3;
	s9 =	simm.s32 $0x3;
	[tilespmem:v2+s16+$0x0] =	vst.idx.msk $0xffff, v1  }
0x114: {  	v2 =	vor.u32 s9, v0;
	v1 =	vld [tilespmem:s17+$0x0];
	_ =	sdelay $0x3  }
0x115: {  	s8 =	sor.u32 $0x4200, s11  }
0x116: {  	s18 =	sor.u32 s12, s8;
	s13 =	simm.s32 $0x4;
	[tilespmem:v2+s16+$0x0] =	vst.idx.msk $0xffff, v1  }
0x117: {  	v2 =	vor.u32 s13, v0;
	v1 =	vld [tilespmem:s18+$0x0];
	_ =	sdelay $0x3  }
0x118: {  	s9 =	sor.u32 $0x4280, s11  }
0x119: {  	s19 =	sor.u32 s12, s9;
	s17 =	simm.s32 $0x5;
	[tilespmem:v2+s16+$0x0] =	vst.idx.msk $0xffff, v1  }
0x11a: {  	v2 =	vor.u32 s17, v0;
	v1 =	vld [tilespmem:s19+$0x0];
	_ =	sdelay $0x3  }
0x11b: {  	s13 =	sor.u32 $0x4300, s11  }
0x11c: {  	s22 =	sor.u32 s12, s13;
	s18 =	simm.s32 $0x6;
	[tilespmem:v2+s16+$0x0] =	vst.idx.msk $0xffff, v1  }
0x11d: {  	v2 =	vor.u32 s18, v0;
	v1 =	vld [tilespmem:s22+$0x0];
	_ =	sdelay $0x3  }
0x11e: {  	s17 =	sor.u32 $0x4380, s11  }
0x11f: {  	s23 =	sor.u32 s12, s17;
	s19 =	simm.s32 $0x7;
	[tilespmem:v2+s16+$0x0] =	vst.idx.msk $0xffff, v1  }
0x120: {  	v2 =	vor.u32 s19, v0;
	v1 =	vld [tilespmem:s23+$0x0];
	_ =	sdelay $0x3  }
0x121: {  	s18 =	sor.u32 $0x6000, s11  }
0x122: {  	s25 =	simm.s32 $0x8;
	s24 =	sor.u32 s12, s18;
	[tilespmem:v2+s16+$0x0] =	vst.idx.msk $0xffff, v1  }
0x123: {  	v2 =	vor.u32 s25, v0;
	v1 =	vld [tilespmem:s24+$0x0];
	_ =	sdelay $0x3  }
0x124: {  	s19 =	sor.u32 $0x6080, s11  }
0x125: {  	s26 =	sor.u32 s12, s19;
	s23 =	simm.s32 $0x9;
	[tilespmem:v2+s16+$0x0] =	vst.idx.msk $0xffff, v1  }
0x126: {  	v2 =	vor.u32 s23, v0;
	v1 =	vld [tilespmem:s26+$0x0];
	_ =	sdelay $0x3  }
0x127: {  	s22 =	sor.u32 $0x6100, s11  }
0x128: {  	s28 =	sor.u32 s12, s22;
	s24 =	simm.s32 $0xA;
	[tilespmem:v2+s16+$0x0] =	vst.idx.msk $0xffff, v1  }
0x129: {  	v2 =	vor.u32 s24, v0;
	v1 =	vld [tilespmem:s28+$0x0];
	_ =	sdelay $0x3  }
0x12a: {  	s23 =	sor.u32 $0x6180, s11  }
0x12b: {  	s25 =	simm.s32 $0xB;
	s29 =	sor.u32 s12, s23;
	[tilespmem:v2+s16+$0x0] =	vst.idx.msk $0xffff, v1  }
0x12c: {  	v2 =	vor.u32 s25, v0;
	v1 =	vld [tilespmem:s29+$0x0];
	_ =	sdelay $0x3  }
0x12d: {  	s24 =	sor.u32 $0x6200, s11  }
0x12e: {  	s26 =	simm.s32 $0xC;
	s30 =	sor.u32 s12, s24;
	[tilespmem:v2+s16+$0x0] =	vst.idx.msk $0xffff, v1  }
0x12f: {  	v2 =	vor.u32 s26, v0;
	v1 =	vld [tilespmem:s30+$0x0];
	_ =	sdelay $0x3  }
0x130: {  	s25 =	sor.u32 $0x6280, s11  }
0x131: {  	s28 =	simm.s32 $0xD;
	s31 =	sor.u32 s12, s25;
	[tilespmem:v2+s16+$0x0] =	vst.idx.msk $0xffff, v1  }
0x132: {  	v2 =	vor.u32 s28, v0;
	v1 =	vld [tilespmem:s31+$0x0];
	_ =	sdelay $0x3  }
0x133: {  	s26 =	sor.u32 $0x6300, s11  }
0x134: {  	s29 =	simm.s32 $0xE;
	s4 =	sor.u32 s12, s26;
	[tilespmem:v2+s16+$0x0] =	vst.idx.msk $0xffff, v1  }
0x135: {  	v2 =	vor.u32 s29, v0;
	v1 =	vld [tilespmem:s4+$0x0];
	_ =	sdelay $0x3  }
0x136: {  	s11 =	sor.u32 $0x6380, s11  }
0x137: {  	s6 =	simm.s32 $0xF;
	s12 =	sor.u32 s12, s11;
	[tilespmem:v2+s16+$0x0] =	vst.idx.msk $0xffff, v1  }
0x138: {  	v2 =	vor.u32 s6, v0;
	v1 =	vld [tilespmem:s12+$0x0];
	_ =	sdelay $0x2  }
0x139: {  	s28 =	simm.s32 $0x10  }
0x13a: {  	s12 =	sand.u32 $0x70, s28  }
0x13b: {  	s29 =	simm.s32 $0x100;
	s0 =	sor.u32 s12, s0;
	[tilespmem:v2+s16+$0x0] =	vst.idx.msk $0xffff, v1  }
0x13c: {  	v2 =	vor.u32 s29, v0;
	v1 =	vld [tilespmem:s0+$0x0];
	_ =	sdelay $0x4  }
0x13d: {  	s31 =	simm.s32 $0x101;
	s30 =	sor.u32 s12, s1;
	[tilespmem:v2+s16+$0x0] =	vst.idx.msk $0xffff, v1  }
0x13e: {  	v2 =	vor.u32 s31, v0;
	v1 =	vld [tilespmem:s30+$0x0];
	_ =	sdelay $0x4  }
0x13f: {  	s1 =	sor.u32 s12, s2;
	s2 =	simm.s32 $0x102;
	[tilespmem:v2+s16+$0x0] =	vst.idx.msk $0xffff, v1  }
0x140: {  	v2 =	vor.u32 s2, v0;
	v1 =	vld [tilespmem:s1+$0x0];
	_ =	sdelay $0x4  }
0x141: {  	s4 =	simm.s32 $0x103;
	s3 =	sor.u32 s12, s3;
	[tilespmem:v2+s16+$0x0] =	vst.idx.msk $0xffff, v1  }
0x142: {  	v2 =	vor.u32 s4, v0;
	v1 =	vld [tilespmem:s3+$0x0];
	_ =	sdelay $0x4  }
0x143: {  	s6 =	sor.u32 s12, s8;
	s8 =	simm.s32 $0x104;
	[tilespmem:v2+s16+$0x0] =	vst.idx.msk $0xffff, v1  }
0x144: {  	v2 =	vor.u32 s8, v0;
	v1 =	vld [tilespmem:s6+$0x0];
	_ =	sdelay $0x4  }
0x145: {  	s28 =	sor.u32 s12, s9;
	s29 =	simm.s32 $0x105;
	[tilespmem:v2+s16+$0x0] =	vst.idx.msk $0xffff, v1  }
0x146: {  	v2 =	vor.u32 s29, v0;
	v1 =	vld [tilespmem:s28+$0x0];
	_ =	sdelay $0x4  }
0x147: {  	s31 =	simm.s32 $0x106;
	s30 =	sor.u32 s12, s13;
	[tilespmem:v2+s16+$0x0] =	vst.idx.msk $0xffff, v1  }
0x148: {  	v2 =	vor.u32 s31, v0;
	v1 =	vld [tilespmem:s30+$0x0];
	_ =	sdelay $0x4  }
0x149: {  	s2 =	sor.u32 s12, s17;
	s3 =	simm.s32 $0x107;
	[tilespmem:v2+s16+$0x0] =	vst.idx.msk $0xffff, v1  }
0x14a: {  	v2 =	vor.u32 s3, v0;
	v1 =	vld [tilespmem:s2+$0x0];
	_ =	sdelay $0x4  }
0x14b: {  	s4 =	sor.u32 s12, s18;
	s6 =	simm.s32 $0x108;
	[tilespmem:v2+s16+$0x0] =	vst.idx.msk $0xffff, v1  }
0x14c: {  	v2 =	vor.u32 s6, v0;
	v1 =	vld [tilespmem:s4+$0x0];
	_ =	sdelay $0x4  }
0x14d: {  	s9 =	simm.s32 $0x109;
	s8 =	sor.u32 s12, s19;
	[tilespmem:v2+s16+$0x0] =	vst.idx.msk $0xffff, v1  }
0x14e: {  	v2 =	vor.u32 s9, v0;
	v1 =	vld [tilespmem:s8+$0x0];
	_ =	sdelay $0x4  }
0x14f: {  	s13 =	sor.u32 s12, s22;
	s17 =	simm.s32 $0x10A;
	[tilespmem:v2+s16+$0x0] =	vst.idx.msk $0xffff, v1  }
0x150: {  	v2 =	vor.u32 s17, v0;
	v1 =	vld [tilespmem:s13+$0x0];
	_ =	sdelay $0x4  }
0x151: {  	s18 =	sor.u32 s12, s23;
	s19 =	simm.s32 $0x10B;
	[tilespmem:v2+s16+$0x0] =	vst.idx.msk $0xffff, v1  }
0x152: {  	v2 =	vor.u32 s19, v0;
	v1 =	vld [tilespmem:s18+$0x0];
	_ =	sdelay $0x4  }
0x153: {  	s22 =	sor.u32 s12, s24;
	s23 =	simm.s32 $0x10C;
	[tilespmem:v2+s16+$0x0] =	vst.idx.msk $0xffff, v1  }
0x154: {  	v2 =	vor.u32 s23, v0;
	v1 =	vld [tilespmem:s22+$0x0];
	_ =	sdelay $0x4  }
0x155: {  	s24 =	sor.u32 s12, s25;
	s25 =	simm.s32 $0x10D;
	[tilespmem:v2+s16+$0x0] =	vst.idx.msk $0xffff, v1  }
0x156: {  	v2 =	vor.u32 s25, v0;
	v1 =	vld [tilespmem:s24+$0x0];
	_ =	sdelay $0x4  }
0x157: {  	s29 =	simm.s32 $0x10E;
	s28 =	sor.u32 s12, s26;
	[tilespmem:v2+s16+$0x0] =	vst.idx.msk $0xffff, v1  }
0x158: {  	v2 =	vor.u32 s29, v0;
	v1 =	vld [tilespmem:s28+$0x0];
	_ =	sdelay $0x4  }
0x159: {  	s31 =	sor.u32 s12, s11;
	s30 =	simm.s32 $0x10F;
	[tilespmem:v2+s16+$0x0] =	vst.idx.msk $0xffff, v1  }
0x15a: {  	v2 =	vor.u32 s30, v0;
	v1 =	vld [tilespmem:s31+$0x0]  }
0x15b: {  	s23 =	simm.s32 $0x30F  }
0x15c: {  	s22 =	simm.s32 $0x0;
	s25 =	simm.s32 $0x100;
	s24 =	simm.s32 $0x30  }
.LBB2_9:
0x15d: {  	s0 =	sadd.s32 $0xFFFFFFF0, s24;
	s12 =	sand.u32 $0x1C00, s25;
	s22 =	sadd.s32 $0x2, s22  }
0x15e: {  	s11 =	sand.u32 $0x60, s0;
	s26 =	sor.u32 $0x4000, s12;
	p1 =	slt.u32 s22, $0x3E  }
0x15f: {  	s0 =	sadd.s32 $0xFFFFFEF1, s23;
	s1 =	sor.u32 s11, s26;
	[tilespmem:v2+s16+$0x0] =	vst.idx.msk $0xffff, v1  }
0x160: {  	v2 =	vor.u32 s0, v0;
	v1 =	vld [tilespmem:s1+$0x0];
	_ =	sdelay $0x3  }
0x161: {  	s28 =	sor.u32 $0x4080, s12  }
0x162: {  	s0 =	sor.u32 s11, s28;
	s1 =	sadd.s32 $0xFFFFFEF2, s23;
	[tilespmem:v2+s16+$0x0] =	vst.idx.msk $0xffff, v1  }
0x163: {  	v2 =	vor.u32 s1, v0;
	v1 =	vld [tilespmem:s0+$0x0];
	_ =	sdelay $0x3  }
0x164: {  	s29 =	sor.u32 $0x4100, s12  }
0x165: {  	s1 =	sadd.s32 $0xFFFFFEF3, s23;
	s0 =	sor.u32 s11, s29;
	[tilespmem:v2+s16+$0x0] =	vst.idx.msk $0xffff, v1  }
0x166: {  	v2 =	vor.u32 s1, v0;
	v1 =	vld [tilespmem:s0+$0x0];
	_ =	sdelay $0x3  }
0x167: {  	s30 =	sor.u32 $0x4180, s12  }
0x168: {  	s1 =	sadd.s32 $0xFFFFFEF4, s23;
	s0 =	sor.u32 s11, s30;
	[tilespmem:v2+s16+$0x0] =	vst.idx.msk $0xffff, v1  }
0x169: {  	v2 =	vor.u32 s1, v0;
	v1 =	vld [tilespmem:s0+$0x0];
	_ =	sdelay $0x3  }
0x16a: {  	s2 =	sor.u32 $0x4200, s12  }
0x16b: {  	s1 =	sadd.s32 $0xFFFFFEF5, s23;
	s0 =	sor.u32 s11, s2;
	[tilespmem:v2+s16+$0x0] =	vst.idx.msk $0xffff, v1  }
0x16c: {  	v2 =	vor.u32 s1, v0;
	v1 =	vld [tilespmem:s0+$0x0];
	_ =	sdelay $0x3  }
0x16d: {  	s31 =	sor.u32 $0x4280, s12  }
0x16e: {  	s1 =	sadd.s32 $0xFFFFFEF6, s23;
	s0 =	sor.u32 s11, s31;
	[tilespmem:v2+s16+$0x0] =	vst.idx.msk $0xffff, v1  }
0x16f: {  	v2 =	vor.u32 s1, v0;
	v1 =	vld [tilespmem:s0+$0x0];
	_ =	sdelay $0x3  }
0x170: {  	s0 =	sor.u32 $0x4300, s12  }
0x171: {  	s3 =	sadd.s32 $0xFFFFFEF7, s23;
	s1 =	sor.u32 s11, s0;
	[tilespmem:v2+s16+$0x0] =	vst.idx.msk $0xffff, v1  }
0x172: {  	v2 =	vor.u32 s3, v0;
	v1 =	vld [tilespmem:s1+$0x0];
	_ =	sdelay $0x3  }
0x173: {  	s3 =	sor.u32 $0x4380, s12  }
0x174: {  	s8 =	sadd.s32 $0xFFFFFEF8, s23;
	s1 =	sor.u32 s11, s3;
	[tilespmem:v2+s16+$0x0] =	vst.idx.msk $0xffff, v1  }
0x175: {  	v2 =	vor.u32 s8, v0;
	v1 =	vld [tilespmem:s1+$0x0];
	_ =	sdelay $0x3  }
0x176: {  	s13 =	sor.u32 $0x6000, s12  }
0x177: {  	s8 =	sadd.s32 $0xFFFFFEF9, s23;
	s1 =	sor.u32 s11, s13;
	[tilespmem:v2+s16+$0x0] =	vst.idx.msk $0xffff, v1  }
0x178: {  	v2 =	vor.u32 s8, v0;
	v1 =	vld [tilespmem:s1+$0x0];
	_ =	sdelay $0x3  }
0x179: {  	s9 =	sor.u32 $0x6080, s12  }
0x17a: {  	s8 =	sadd.s32 $0xFFFFFEFA, s23;
	s1 =	sor.u32 s11, s9;
	[tilespmem:v2+s16+$0x0] =	vst.idx.msk $0xffff, v1  }
0x17b: {  	v2 =	vor.u32 s8, v0;
	v1 =	vld [tilespmem:s1+$0x0];
	_ =	sdelay $0x3  }
0x17c: {  	s8 =	sor.u32 $0x6100, s12  }
0x17d: {  	s17 =	sadd.s32 $0xFFFFFEFB, s23;
	s1 =	sor.u32 s11, s8;
	[tilespmem:v2+s16+$0x0] =	vst.idx.msk $0xffff, v1  }
0x17e: {  	v2 =	vor.u32 s17, v0;
	v1 =	vld [tilespmem:s1+$0x0];
	_ =	sdelay $0x3  }
0x17f: {  	s17 =	sor.u32 $0x6180, s12  }
0x180: {  	s18 =	sadd.s32 $0xFFFFFEFC, s23;
	s1 =	sor.u32 s11, s17;
	[tilespmem:v2+s16+$0x0] =	vst.idx.msk $0xffff, v1  }
0x181: {  	v2 =	vor.u32 s18, v0;
	v1 =	vld [tilespmem:s1+$0x0];
	_ =	sdelay $0x3  }
0x182: {  	s18 =	sor.u32 $0x6200, s12  }
0x183: {  	s19 =	sadd.s32 $0xFFFFFEFD, s23;
	s1 =	sor.u32 s11, s18;
	[tilespmem:v2+s16+$0x0] =	vst.idx.msk $0xffff, v1  }
0x184: {  	v2 =	vor.u32 s19, v0;
	v1 =	vld [tilespmem:s1+$0x0];
	_ =	sdelay $0x3  }
0x185: {  	s19 =	sor.u32 $0x6280, s12  }
0x186: {  	s4 =	sadd.s32 $0xFFFFFEFE, s23;
	s1 =	sor.u32 s11, s19;
	[tilespmem:v2+s16+$0x0] =	vst.idx.msk $0xffff, v1  }
0x187: {  	v2 =	vor.u32 s4, v0;
	v1 =	vld [tilespmem:s1+$0x0];
	_ =	sdelay $0x3  }
0x188: {  	s1 =	sor.u32 $0x6300, s12  }
0x189: {  	s6 =	sadd.s32 $0xFFFFFEFF, s23;
	s4 =	sor.u32 s11, s1;
	[tilespmem:v2+s16+$0x0] =	vst.idx.msk $0xffff, v1  }
0x18a: {  	v2 =	vor.u32 s6, v0;
	v1 =	vld [tilespmem:s4+$0x0];
	_ =	sdelay $0x3  }
0x18b: {  	s12 =	sor.u32 $0x6380, s12  }
0x18c: {  	s6 =	sadd.s32 $0xFFFFFF00, s23;
	s4 =	sor.u32 s11, s12;
	[tilespmem:v2+s16+$0x0] =	vst.idx.msk $0xffff, v1  }
0x18d: {  	v2 =	vor.u32 s6, v0;
	v1 =	vld [tilespmem:s4+$0x0];
	_ =	sdelay $0x3  }
0x18e: {  	s11 =	sand.u32 $0x70, s24  }
0x18f: {  	s6 =	sor.u32 s11, s26;
	s4 =	sadd.s32 $0xFFFFFFF1, s23;
	[tilespmem:v2+s16+$0x0] =	vst.idx.msk $0xffff, v1  }
0x190: {  	v2 =	vor.u32 s4, v0;
	v1 =	vld [tilespmem:s6+$0x0];
	_ =	sdelay $0x4  }
0x191: {  	s4 =	sor.u32 s11, s28;
	s6 =	sadd.s32 $0xFFFFFFF2, s23;
	[tilespmem:v2+s16+$0x0] =	vst.idx.msk $0xffff, v1  }
0x192: {  	v2 =	vor.u32 s6, v0;
	v1 =	vld [tilespmem:s4+$0x0];
	_ =	sdelay $0x4  }
0x193: {  	s6 =	sadd.s32 $0xFFFFFFF3, s23;
	s4 =	sor.u32 s11, s29;
	[tilespmem:v2+s16+$0x0] =	vst.idx.msk $0xffff, v1  }
0x194: {  	v2 =	vor.u32 s6, v0;
	v1 =	vld [tilespmem:s4+$0x0];
	_ =	sdelay $0x4  }
0x195: {  	s6 =	sadd.s32 $0xFFFFFFF4, s23;
	s4 =	sor.u32 s11, s30;
	[tilespmem:v2+s16+$0x0] =	vst.idx.msk $0xffff, v1  }
0x196: {  	v2 =	vor.u32 s6, v0;
	v1 =	vld [tilespmem:s4+$0x0];
	_ =	sdelay $0x4  }
0x197: {  	s2 =	sor.u32 s11, s2;
	s4 =	sadd.s32 $0xFFFFFFF5, s23;
	[tilespmem:v2+s16+$0x0] =	vst.idx.msk $0xffff, v1  }
0x198: {  	v2 =	vor.u32 s4, v0;
	v1 =	vld [tilespmem:s2+$0x0];
	_ =	sdelay $0x4  }
0x199: {  	s4 =	sadd.s32 $0xFFFFFFF6, s23;
	s2 =	sor.u32 s11, s31;
	[tilespmem:v2+s16+$0x0] =	vst.idx.msk $0xffff, v1  }
0x19a: {  	v2 =	vor.u32 s4, v0;
	v1 =	vld [tilespmem:s2+$0x0];
	_ =	sdelay $0x4  }
0x19b: {  	s0 =	sor.u32 s11, s0;
	s2 =	sadd.s32 $0xFFFFFFF7, s23;
	[tilespmem:v2+s16+$0x0] =	vst.idx.msk $0xffff, v1  }
0x19c: {  	v2 =	vor.u32 s2, v0;
	v1 =	vld [tilespmem:s0+$0x0];
	_ =	sdelay $0x4  }
0x19d: {  	s2 =	sadd.s32 $0xFFFFFFF8, s23;
	s0 =	sor.u32 s11, s3;
	[tilespmem:v2+s16+$0x0] =	vst.idx.msk $0xffff, v1  }
0x19e: {  	v2 =	vor.u32 s2, v0;
	v1 =	vld [tilespmem:s0+$0x0];
	_ =	sdelay $0x4  }
0x19f: {  	s2 =	sadd.s32 $0xFFFFFFF9, s23;
	s0 =	sor.u32 s11, s13;
	[tilespmem:v2+s16+$0x0] =	vst.idx.msk $0xffff, v1  }
0x1a0: {  	v2 =	vor.u32 s2, v0;
	v1 =	vld [tilespmem:s0+$0x0];
	_ =	sdelay $0x4  }
0x1a1: {  	s2 =	sadd.s32 $0xFFFFFFFA, s23;
	s0 =	sor.u32 s11, s9;
	[tilespmem:v2+s16+$0x0] =	vst.idx.msk $0xffff, v1  }
0x1a2: {  	v2 =	vor.u32 s2, v0;
	v1 =	vld [tilespmem:s0+$0x0];
	_ =	sdelay $0x4  }
0x1a3: {  	s2 =	sadd.s32 $0xFFFFFFFB, s23;
	s0 =	sor.u32 s11, s8;
	[tilespmem:v2+s16+$0x0] =	vst.idx.msk $0xffff, v1  }
0x1a4: {  	v2 =	vor.u32 s2, v0;
	v1 =	vld [tilespmem:s0+$0x0];
	_ =	sdelay $0x4  }
0x1a5: {  	s2 =	sadd.s32 $0xFFFFFFFC, s23;
	s0 =	sor.u32 s11, s17;
	[tilespmem:v2+s16+$0x0] =	vst.idx.msk $0xffff, v1  }
0x1a6: {  	v2 =	vor.u32 s2, v0;
	v1 =	vld [tilespmem:s0+$0x0];
	_ =	sdelay $0x4  }
0x1a7: {  	s2 =	sadd.s32 $0xFFFFFFFD, s23;
	s0 =	sor.u32 s11, s18;
	[tilespmem:v2+s16+$0x0] =	vst.idx.msk $0xffff, v1  }
0x1a8: {  	v2 =	vor.u32 s2, v0;
	v1 =	vld [tilespmem:s0+$0x0];
	_ =	sdelay $0x4  }
0x1a9: {  	s2 =	sadd.s32 $0xFFFFFFFE, s23;
	s0 =	sor.u32 s11, s19;
	[tilespmem:v2+s16+$0x0] =	vst.idx.msk $0xffff, v1  }
0x1aa: {  	v2 =	vor.u32 s2, v0;
	v1 =	vld [tilespmem:s0+$0x0];
	_ =	sdelay $0x4  }
0x1ab: {  	s0 =	sor.u32 s11, s1;
	s1 =	sadd.s32 $0xFFFFFFFF, s23;
	[tilespmem:v2+s16+$0x0] =	vst.idx.msk $0xffff, v1  }
0x1ac: {  	v2 =	vor.u32 s1, v0;
	v1 =	vld [tilespmem:s0+$0x0];
	_ =	sdelay $0x3  }
.Ltmp8:
0x1ad: {  	(pc) =	sbr.rel @p1 .LBB2_9-.Ltmp8, $3  }
0x1ae: {  	s0 =	sor.u32 s11, s12;
	[tilespmem:v2+s16+$0x0] =	vst.idx.msk $0xffff, v1  }
0x1af: {  	v2 =	vor.u32 s23, v0;
	v1 =	vld [tilespmem:s0+$0x0];
	_ =	sdelay $0x1  }
0x1b0: {  	s25 =	sadd.s32 $0x100, s25;
	s24 =	sadd.s32 $0x20, s24;
	s23 =	sadd.s32 $0x200, s23  }
.Ltmp9:
0x1b1: {  	_ = 	snop;
	(pc) =	sbr.rel .LBB2_10-.Ltmp9, $1  }
0x1b2: {  	_ =	sdelay $0x3  }
.LBB2_13:
0x1b3: {  	_ =	sfence.sel $0x180000  }
0x1b4: {  	[bflag:$0x0] =	sbarrier.arrive $0xFFFF  }
0x1b5: {  	_ =	strace $0x90000047  }
0x1b6: {  	s0 =	stileid.u32;
	[bflag:$0x2] =	sbarrier.arrive $0xFFFF  }
0x1b7: {  	p0 =	sne.s32 s0, $0x0;
	s0 =	rddreg [dreg:$0x3]  }
0x1b8: {  	s0 =	sadd.s32 @!p0 $0x100000, s0  }
0x1b9: {  	[sflag:s0] =	ssyncadd.tile.s32 @!p0 $0x1;
	_ =	shalt  }
.Lfunc_end2:
_tile_overlayer_lowered:
.L_overlay_start_2:
0x1ba: {  	(tag) =	ssettag $0x2  }
0x1bb: {  	s0 =	rddreg [dreg:$0x0];
	s2 =	stileid.u32  }
0x1bc: {  	s1 =	rddreg [dreg:$0x1];
	p0 =	sne.s32 s2, $0x0  }
0x1bd: {  	s3 =	rddreg [dreg:$0x2];
	[bflag:$0x3] =	sbarrier.arrive $0xFFFF;
	s2 =	simm.s32 @!p0 $0x1C04  }
0x1be: {  	[timem:s3], [sflag:s2] =	dma.local @!p0 [hbm:s0], s1  }
0x1bf: {  	s0 =	simm.s32 @!p0 $0x4  }
0x1c0: {  	_ =	swait.ge @!p0 [sflag:s0], s1  }
0x1c1: {  	s1 =	ssub.s32 @!p0 $0x0, s1;
	[sflag:s0] =	ssyncset.done @!p0 $0x0  }
0x1c2: {  	[sflag:s0] =	ssyncadd.s32 @!p0 s1  }
0x1c3: {  	[bflag:$0x3] =	sbarrier.arrive $0xFFFF  }
0x1c4: {  	_ =	shalt  }

// kernel: kernel.8.cloned.1.call-start
scs
__scs_entry_jumppad:
0x0: {  	(pc) =	sbr.rel $0x88, $3  }
0x1: {  	(tag) =	ssettag $0x0;
	lr =	simm.s32 $0x1  }
0x2: {  	[smem:$0x3F98] =	sst lr;
	_ =	strace $0xD0000000  }
0x3: {  	_ = 	snop  }
0x4: {  	_ = 	snop  }
0x5: {  	_ = 	snop  }
0x6: {  	_ = 	snop  }
0x7: {  	_ = 	snop  }
__scs_overlays_trampoline_lowered:
0x8: {  	[smem:$0x3FA7] =	sst s0  }
0x9: {  	[smem:$0x3FA8] =	sst s1  }
0xa: {  	[smem:$0x3FA9] =	sst s2  }
0xb: {  	[smem:$0x3FAA] =	sst s3  }
0xc: {  	[smem:$0x3FAB] =	sst s4  }
0xd: {  	[smem:$0x3FAC] =	sst s5  }
0xe: {  	[smem:$0x3FAD] =	sst s6  }
0xf: {  	[smem:$0x3FAE] =	sst s7  }
0x10: {  	[smem:$0x3FAF] =	sst s8  }
0x11: {  	[smem:$0x3FB0] =	sst s9;
	s0 =	simm.s32 @!p0 $0x0  }
0x12: {  	s1 =	sld [smem:$0x3F96];
	s0 =	simm.s32 @p0 $0x1  }
0x13: {  	[smem:$0x3FB1] =	sst s0;
	s0 =	simm.s32 @!p1 $0x0  }
0x14: {  	s2 =	sld [smem:$0x3F95];
	s0 =	simm.s32 @p1 $0x1  }
0x15: {  	[smem:$0x3FB2] =	sst s0;
	s0 =	simm.s32 @!p2 $0x0  }
0x16: {  	s3 =	sld [smem:$0x3FDB];
	s0 =	simm.s32 @p2 $0x1  }
0x17: {  	s4 =	simm.s32 $0x1BF5;
	[smem:$0x3FB4] =	sst s0  }
0x18: {  	s0 =	sld [smem:$0x3F97];
	_ =	swait.ge [sflag:s4], $0x0  }
0x19: {  	s7 =	sld [smem:$0x3F98]  }
0x1a: {  	s8 =	sadd.s32 $0xFFFFE003, lr  }
0x1b: {  	s9 =	sadd.s32 $0xFFFFFEF7, lr;
	s5 =	simm.s32 $0xFFFFFFFF;
	p2 =	slt.u32 s8, $0xFFFFF086  }
0x1c: {  	p1 =	slt.u32 s9, $0xF7A;
	s5 =	simm.s32 @!p2 $0x0  }
0x1d: {  	s5 =	simm.s32 @p1 $0x1;
	p0 =	seq.s32 s7, s2  }
0x1e: {  	s7 =	smul.u32 @!p0 $0xF7A, s2;
	p2 =	seq.s32 @!p0 s5, $0x0  }
0x1f: {  	s9 =	smul.u32 $0xF7A, s1;
	s8 =	simm.s32 @!p0 $0x1BF5;
	p2 =	por !p2, p0  }
0x20: {  	[sflag:s8] =	ssyncset.s32 @!p0 $0xFFFFF086;
	s6 =	sadd.s32 @!p0 s3, s7;
	s7 =	simm.s32 @!p0 $0x108  }
0x21: {  	s3 =	sadd.s32 s3, s9;
	s6 =	sadd.s32 @!p0 $0x88, s6;
	s7 =	simm.s32 @p2 $0x1082  }
0x22: {  	[simem:s7], [sflag:s8] =	dma.local @!p0 [hbm:s6], $0xF7A  }
0x23: {  	s9 =	sor.u32 $0xD0000000, s2;
	s6 =	simm.s32 $0x108;
	_ =	swait.ge @!p0 [sflag:s8], $0x0  }
0x24: {  	s3 =	sadd.s32 $0x88, s3;
	s6 =	simm.s32 @!p1 $0x1082;
	[sflag:s4] =	ssyncset.s32 $0xFFFFF086  }
0x25: {  	[simem:s6], [sflag:s4] =	dma.local [hbm:s3], $0xF7A  }
0x26: {  	[smem:$0x3F98] =	sst s1;
	(tag) =	ssettag s2;
	_ =	strace s9  }
0x27: {  	s1 =	sld [smem:$0x3FA8]  }
0x28: {  	s2 =	sld [smem:$0x3FA9]  }
0x29: {  	s4 =	sld [smem:$0x3FAB]  }
0x2a: {  	p0 =	seq.s32 s5, $0x0;
	s5 =	sld [smem:$0x3FAC]  }
0x2b: {  	s6 =	sld [smem:$0x3FAD]  }
0x2c: {  	s7 =	sld [smem:$0x3FAE]  }
0x2d: {  	s3 =	simm.s32 $0x108;
	s8 =	sld [smem:$0x3FAF]  }
0x2e: {  	s3 =	simm.s32 @!p0 $0x1082;
	s9 =	sld [smem:$0x3FB0]  }
0x2f: {  	lr =	sadd.s32 s0, s3;
	s0 =	sld [smem:$0x3FA7]  }
0x30: {  	s3 =	sld [smem:$0x3FAA]  }
0x31: {  	[smem:$0x3FB3] =	sst s10  }
0x32: {  	s10 =	sld [smem:$0x3FB1];
	_ =	sdelay $0x3  }
0x33: {  	p0 =	seq.s32 s10, $0x1;
	s10 =	sld [smem:$0x3FB3];
	_ =	sdelay $0x3  }
0x34: {  	[smem:$0x3FB3] =	sst s10  }
0x35: {  	s10 =	sld [smem:$0x3FB2];
	_ =	sdelay $0x3  }
0x36: {  	p1 =	seq.s32 s10, $0x1;
	s10 =	sld [smem:$0x3FB3];
	_ =	sdelay $0x3  }
0x37: {  	[smem:$0x3FB3] =	sst s10  }
0x38: {  	s10 =	sld [smem:$0x3FB4]  }
0x39: {  	_ = 	snop;
	(pc) =	sbr.ind lr, $3  }
0x3a: {  	_ = 	snop  }
0x3b: {  	_ = 	snop  }
0x3c: {  	p2 =	seq.s32 s10, $0x1;
	s10 =	sld [smem:$0x3FB3]  }
0x3d: {  	_ =	shalt  }
0x3e: {  	_ =	shalt  }
0x3f: {  	_ =	shalt  }
0x40: {  	_ =	shalt  }
0x41: {  	_ =	shalt  }
0x42: {  	_ =	shalt  }
0x43: {  	_ =	shalt  }
0x44: {  	_ =	shalt  }
0x45: {  	_ =	shalt  }
0x46: {  	_ =	shalt  }
0x47: {  	_ =	shalt  }
0x48: {  	_ =	shalt  }
0x49: {  	_ =	shalt  }
0x4a: {  	_ =	shalt  }
0x4b: {  	_ =	shalt  }
0x4c: {  	_ =	shalt  }
0x4d: {  	_ =	shalt  }
0x4e: {  	_ =	shalt  }
0x4f: {  	_ =	shalt  }
0x50: {  	_ =	shalt  }
0x51: {  	_ =	shalt  }
0x52: {  	_ =	shalt  }
0x53: {  	_ =	shalt  }
0x54: {  	_ =	shalt  }
0x55: {  	_ =	shalt  }
0x56: {  	_ =	shalt  }
0x57: {  	_ =	shalt  }
0x58: {  	_ =	shalt  }
0x59: {  	_ =	shalt  }
0x5a: {  	_ =	shalt  }
0x5b: {  	_ =	shalt  }
0x5c: {  	_ =	shalt  }
0x5d: {  	_ =	shalt  }
0x5e: {  	_ =	shalt  }
0x5f: {  	_ =	shalt  }
0x60: {  	_ =	shalt  }
0x61: {  	_ =	shalt  }
0x62: {  	_ =	shalt  }
0x63: {  	_ =	shalt  }
0x64: {  	_ =	shalt  }
0x65: {  	_ =	shalt  }
0x66: {  	_ =	shalt  }
0x67: {  	_ =	shalt  }
0x68: {  	_ =	shalt  }
0x69: {  	_ =	shalt  }
0x6a: {  	_ =	shalt  }
0x6b: {  	_ =	shalt  }
0x6c: {  	_ =	shalt  }
0x6d: {  	_ =	shalt  }
0x6e: {  	_ =	shalt  }
0x6f: {  	_ =	shalt  }
0x70: {  	_ =	shalt  }
0x71: {  	_ =	shalt  }
0x72: {  	_ =	shalt  }
0x73: {  	_ =	shalt  }
0x74: {  	_ =	shalt  }
0x75: {  	_ =	shalt  }
0x76: {  	_ =	shalt  }
0x77: {  	_ =	shalt  }
0x78: {  	_ =	shalt  }
0x79: {  	_ =	shalt  }
0x7a: {  	_ =	shalt  }
0x7b: {  	_ =	shalt  }
0x7c: {  	_ =	shalt  }
0x7d: {  	_ =	shalt  }
0x7e: {  	_ =	shalt  }
0x7f: {  	_ =	shalt  }
0x80: {  	_ =	shalt  }
0x81: {  	_ =	shalt  }
0x82: {  	_ =	shalt  }
0x83: {  	_ =	shalt  }
0x84: {  	_ =	shalt  }
0x85: {  	_ =	shalt  }
0x86: {  	_ =	shalt  }
0x87: {  	_ =	shalt  }
.Lfunc_end0:
.L_simem_size_0:
called_computation.1_lowered:
.L_overlay_start_0:
0x88: {  	s2 =	sld [smem:$0x3FD9]  }
0x89: {  	s3 =	sld [smem:$0x3FFE];
	_ =	sdelay $0x1  }
0x8a: {  	s1 =	srdreg.scid  }
0x8b: {  	s0 =	sand.u32 $0x1, s1  }
0x8c: {  	s16 =	sshll.u32 s0, $0xA;
	s2 =	sadd.s32 s3, s2  }
0x8d: {  	s2 =	sadd.s32 s2, s16  }
0x8e: {  	[smem:$0x3FBF] =	sst s2  }
0x8f: {  	_ = 	snop  }
0x90: {  	(tm) =	ssettm $0x1  }
0x91: {  	s17 =	sld [smem:$0x3FFB];
	_ =	sdelay $0x3  }
0x92: {  	_ =	strace s17  }
0x93: {  	s2 =	sld [smem:$0x3FFC];
	_ =	sdelay $0x3  }
0x94: {  	_ =	strace s2  }
0x95: {  	s2 =	sld [smem:$0x3FFD];
	_ =	sdelay $0x3  }
0x96: {  	_ =	strace s2  }
0x97: {  	_ =	strace $0x8FFFFFFF  }
0x98: {  	s18 =	sld [smem:$0x3FDB];
	_ =	sdelay $0x1  }
0x99: {  	s19 =	simm.s32 $_scs_section_size  }
0x9a: {  	s4 =	simm.s32 $_size__tile_overlayer_lowered;
	s5 =	simm.s32 $_tile_overlayer_lowered  }
0x9b: {  	s22 =	simm.s32 $0x1BFF;
	s21 =	sshll.u32 s5, $0x1;
	s2 =	sadd.s32 s19, s18  }
0x9c: {  	s6 =	simm.s32 $0x0;
	s20 =	sshll.u32 s4, $0x1;
	s4 =	sadd.s32 s21, s2  }
0x9d: {  	[timem:s6], [sflag:s22] =	dma.local [hbm:s4], s20  }
0x9e: {  	_ =	swait.ge [sflag:s22], s20  }
0x9f: {  	s3 =	ssub.s32 $0x0, s20;
	[sflag:s22] =	ssyncset.done $0x0  }
0xa0: {  	[sflag:s22] =	ssyncadd.s32 s3;
	_ =	sdelay $0x1  }
0xa1: {  	s23 =	simm.s32 $0x1B8B  }
0xa2: {  	_ =	swait.ge [sflag:s23], $0x1  }
0xa3: {  	[sflag:s23] =	ssyncset.done $0x0  }
0xa4: {  	s25 =	simm.s32 $0x1B8E;
	s24 =	sld [smem:$0x3FFE];
	[sflag:s23] =	ssyncadd.s32 $0xFFFFFFFF  }
0xa5: {  	s26 =	simm.s32 $execute0_lowered;
	[smem:$0x3FD2] =	sst s25  }
0xa6: {  	s4 =	sshll.u32 s26, $0x1;
	_ =	strace $0x80000049;
	[dreg:$0x1] =	wrdreg $0xFFFFFFFF  }
0xa7: {  	s28 =	simm.s32 $_size_execute0_lowered;
	s2 =	sadd.s32 s2, s4;
	[dreg:$0x0] =	wrdreg $0x0  }
0xa8: {  	s4 =	sshll.u32 s28, $0x1;
	[dreg:$0x2] =	wrdreg s2  }
0xa9: {  	[dreg:$0x3] =	wrdreg s4  }
0xaa: {  	[dreg:$0x4] =	wrdreg $0xC0  }
0xab: {  	_ =	task [dreg:s6], $0x5FFFF  }
0xac: {  	[dreg:$0x1] =	wrdreg $0xFFFFFFFF  }
0xad: {  	[dreg:$0x0] =	wrdreg $0x60  }
0xae: {  	[dreg:$0x2] =	wrdreg s24  }
0xaf: {  	[dreg:$0x3] =	wrdreg $0x9  }
0xb0: {  	_ =	task.clear_ibuf [dreg:s6], $0x4FFFF;
	_ =	strace $0x90000049  }
0xb1: {  	s29 =	simm.s32 $0x9;
	_ =	strace $0x8000004B  }
0xb2: {  	_ =	swait.ge [sflag:s29], $0x1  }
0xb3: {  	[sflag:s29] =	ssyncadd.s32 $0xFFFFFFFF  }
0xb4: {  	_ =	strace $0x9000004B  }
0xb5: {  	_ =	sfence  }
0xb6: {  	s30 =	sld [smem:$0x0];
	_ =	sdelay $0x2  }
0xb7: {  	s31 =	sshll.u32 s1, $0xD;
	s1 =	sshrl.u32 s1, $0x2  }
0xb8: {  	s3 =	sand.u32 $0x4000, s31;
	s1 =	sadd.s32 s1, s30  }
0xb9: {  	s0 =	sor.u32 s3, s0;
	s1 =	sshll.u32 s1, $0x11  }
0xba: {  	s0 =	sor.u32 s1, s0  }
0xbb: {  	s0 =	sadd.s32 $0x8F2B, s0  }
0xbc: {  	[sflag:s0] =	ssyncadd.remote.s32 $0x1  }
0xbd: {  	_ =	sfence.sel $0xFFFF  }
0xbe: {  	[dreg:$0x0] =	wrdreg $0xFFFFFFFF;
	(pc) =	sbr.abs _section_cstart, $3  }
0xbf: {  	[dreg:$0x1] =	wrdreg $0xFFFFFFFF  }
0xc0: {  	_ =	task.clear_ibuf [dreg:s6], $0x2FFFF;
	_ =	strace $0x9FFFFFFF  }
0xc1: {  	(tm) =	ssettm $0x7FFFFFFF  }
tec
execute0_lowered:
.L_overlay_start_1:
0x0: {  	(tag) =	ssettag $0x1  }
0x1: {  	s1 =	srdreg.scid;
	s0 =	stileid.u32  }
0x2: {  	s28 =	sand.u32 $0x1, s1;
	s31 =	sshll.u32 s0, $0x1  }
0x3: {  	s10 =	sor.u32 s28, s31  }
0x4: {  	s12 =	rddreg [dreg:$0x0];
	s3 =	smul.u32 $0x680, s10  }
0x5: {  	s2 =	simm.s32 $0x0;
	s1 =	rddreg [dreg:$0x1]  }
0x6: {  	[smem:$0x7FF] =	sst s2;
	s29 =	sadd.s32 s3, s12  }
0x7: {  	_ =	strace $0x8000004A;
	s3 =	simm.s32 $0x4;
	s4 =	sadd.s32 $0x4F7400, s29  }
0x8: {  	[tilespmem:s2], [sflag:$0x4] =	stream.linear.gather [hbm4b:s4+s2], $0x3400, $0x38;
	[tilespmem:$0x13800] =	vst v63  }
0x9: {  	_ =	swait.ge [sflag:s3], $0x3400  }
0xa: {  	s6 =	simm.s32 $0x3400;
	[sflag:s3] =	ssyncset.done $0x0  }
0xb: {  	s7 =	simm.s32 $0x10400;
	s5 =	sadd.s32 $0x504400, s12;
	[sflag:s3] =	ssyncadd.s32 $0xFFFFCC00  }
0xc: {  	[tilespmem:s7], [sflag:$0x3] =	stream.indirect.gather [hbm4b:s5+s6], $0x1, s2, s6, $0xb8;
	[tilespmem:$0x13800] =	vst v63  }
0xd: {  	s9 =	simm.s32 $0x680;
	s8 =	sadd.s32 $0x1A00, s12  }
0xe: {  	[tilespmem:s6], [sflag:$0x1] =	stream.indirect.gather [hbm4b:s8+s9], $0x10, s2, s9, $0xb8;
	[tilespmem:$0x13800] =	vst v63  }
0xf: {  	s11 =	simm.s32 $0x1;
	s13 =	smul.u32 $0x34000, s10;
	s10 =	simm.s32 $0x9C00  }
0x10: {  	[tilespmem:s10], [sflag:$0x2] =	stream.indirect.gather [hbm4b:s8+s9], $0x10, s9, s9, $0xb8;
	[tilespmem:$0x13800] =	vst v63  }
0x11: {  	s13 =	sshrl.u32 s13, $0x3;
	_ =	swait.ge [sflag:s11], $0x6800  }
0x12: {  	s26 =	sadd.s32 s13, s12;
	[sflag:s11] =	ssyncset.done $0x0  }
0x13: {  	s12 =	sadd.s32 $0x553A00, s26;
	[sflag:s11] =	ssyncadd.s32 $0xFFFF9800  }
0x14: {  	[hbm4b:s12+s2] =	stream.linear.scatter [tilespmem:s6], [sflag:$0x4], $0x6800, $0x38;
	[tilespmem:$0x13800] =	vst v63  }
0x15: {  	_ =	swait.ge [sflag:s3], $0x6800  }
0x16: {  	[sflag:s3] =	ssyncset.done $0x0  }
0x17: {  	s14 =	simm.s32 $0x2;
	s13 =	simm.s32 $0xD00;
	[sflag:s3] =	ssyncadd.s32 $0xFFFF9800  }
0x18: {  	[tilespmem:s6], [sflag:$0x1] =	stream.indirect.gather [hbm4b:s8+s9], $0x10, s13, s9, $0xb8;
	[tilespmem:$0x13800] =	vst v63  }
0x19: {  	_ =	swait.ge [sflag:s14], $0x6800  }
0x1a: {  	[sflag:s14] =	ssyncset.done $0x0  }
0x1b: {  	s15 =	sadd.s32 $0x554700, s26;
	[sflag:s14] =	ssyncadd.s32 $0xFFFF9800  }
0x1c: {  	[hbm4b:s15+s2] =	stream.linear.scatter [tilespmem:s10], [sflag:$0x4], $0x6800, $0x38;
	[tilespmem:$0x13800] =	vst v63  }
0x1d: {  	_ =	swait.ge [sflag:s3], $0x6800  }
0x1e: {  	[sflag:s3] =	ssyncset.done $0x0  }
0x1f: {  	s16 =	simm.s32 $0x1380;
	[sflag:s3] =	ssyncadd.s32 $0xFFFF9800  }
0x20: {  	[tilespmem:s10], [sflag:$0x2] =	stream.indirect.gather [hbm4b:s8+s9], $0x10, s16, s9, $0xb8;
	[tilespmem:$0x13800] =	vst v63  }
0x21: {  	_ =	swait.ge [sflag:s11], $0x6800  }
0x22: {  	[sflag:s11] =	ssyncset.done $0x0  }
0x23: {  	s17 =	sadd.s32 $0x555400, s26;
	[sflag:s11] =	ssyncadd.s32 $0xFFFF9800  }
0x24: {  	[hbm4b:s17+s2] =	stream.linear.scatter [tilespmem:s6], [sflag:$0x4], $0x6800, $0x38;
	[tilespmem:$0x13800] =	vst v63  }
0x25: {  	_ =	swait.ge [sflag:s3], $0x6800  }
0x26: {  	[sflag:s3] =	ssyncset.done $0x0  }
0x27: {  	s18 =	simm.s32 $0x1A00;
	[sflag:s3] =	ssyncadd.s32 $0xFFFF9800  }
0x28: {  	[tilespmem:s6], [sflag:$0x1] =	stream.indirect.gather [hbm4b:s8+s9], $0x10, s18, s9, $0xb8;
	[tilespmem:$0x13800] =	vst v63  }
0x29: {  	_ =	swait.ge [sflag:s14], $0x6800  }
0x2a: {  	[sflag:s14] =	ssyncset.done $0x0  }
0x2b: {  	s19 =	sadd.s32 $0x556100, s26;
	[sflag:s14] =	ssyncadd.s32 $0xFFFF9800  }
0x2c: {  	[hbm4b:s19+s2] =	stream.linear.scatter [tilespmem:s10], [sflag:$0x4], $0x6800, $0x38;
	[tilespmem:$0x13800] =	vst v63  }
0x2d: {  	_ =	swait.ge [sflag:s3], $0x6800  }
0x2e: {  	[sflag:s3] =	ssyncset.done $0x0  }
0x2f: {  	s20 =	simm.s32 $0x2080;
	[sflag:s3] =	ssyncadd.s32 $0xFFFF9800  }
0x30: {  	[tilespmem:s10], [sflag:$0x2] =	stream.indirect.gather [hbm4b:s8+s9], $0x10, s20, s9, $0xb8;
	[tilespmem:$0x13800] =	vst v63  }
0x31: {  	_ =	swait.ge [sflag:s11], $0x6800  }
0x32: {  	[sflag:s11] =	ssyncset.done $0x0  }
0x33: {  	s21 =	sadd.s32 $0x556E00, s26;
	[sflag:s11] =	ssyncadd.s32 $0xFFFF9800  }
0x34: {  	[hbm4b:s21+s2] =	stream.linear.scatter [tilespmem:s6], [sflag:$0x4], $0x6800, $0x38;
	[tilespmem:$0x13800] =	vst v63  }
0x35: {  	_ =	swait.ge [sflag:s3], $0x6800  }
0x36: {  	[sflag:s3] =	ssyncset.done $0x0  }
0x37: {  	s22 =	simm.s32 $0x2700;
	[sflag:s3] =	ssyncadd.s32 $0xFFFF9800  }
0x38: {  	[tilespmem:s6], [sflag:$0x1] =	stream.indirect.gather [hbm4b:s8+s9], $0x10, s22, s9, $0xb8;
	[tilespmem:$0x13800] =	vst v63  }
0x39: {  	_ =	swait.ge [sflag:s14], $0x6800  }
0x3a: {  	[sflag:s14] =	ssyncset.done $0x0  }
0x3b: {  	s23 =	sadd.s32 $0x557B00, s26;
	[sflag:s14] =	ssyncadd.s32 $0xFFFF9800  }
0x3c: {  	[hbm4b:s23+s2] =	stream.linear.scatter [tilespmem:s10], [sflag:$0x4], $0x6800, $0x38;
	[tilespmem:$0x13800] =	vst v63  }
0x3d: {  	_ =	swait.ge [sflag:s3], $0x6800  }
0x3e: {  	[sflag:s3] =	ssyncset.done $0x0  }
0x3f: {  	s24 =	simm.s32 $0x2D80;
	[sflag:s3] =	ssyncadd.s32 $0xFFFF9800  }
0x40: {  	[tilespmem:s10], [sflag:$0x2] =	stream.indirect.gather [hbm4b:s8+s9], $0x10, s24, s9, $0xb8;
	[tilespmem:$0x13800] =	vst v63  }
0x41: {  	_ =	swait.ge [sflag:s11], $0x6800  }
0x42: {  	[sflag:s11] =	ssyncset.done $0x0  }
0x43: {  	s25 =	sadd.s32 $0x558800, s26;
	[sflag:s11] =	ssyncadd.s32 $0xFFFF9800  }
0x44: {  	[hbm4b:s25+s2] =	stream.linear.scatter [tilespmem:s6], [sflag:$0x4], $0x6800, $0x38;
	[tilespmem:$0x13800] =	vst v63  }
0x45: {  	_ =	swait.ge [sflag:s3], $0x6800  }
0x46: {  	[sflag:s3] =	ssyncset.done $0x0  }
0x47: {  	[sflag:s3] =	ssyncadd.s32 $0xFFFF9800  }
0x48: {  	_ =	swait.ge [sflag:s14], $0x6800  }
0x49: {  	[sflag:s14] =	ssyncset.done $0x0  }
0x4a: {  	s30 =	ssub.s32 $0x2, s28;
	s26 =	sadd.s32 $0x559500, s26;
	[sflag:s14] =	ssyncadd.s32 $0xFFFF9800  }
0x4b: {  	[hbm4b:s26+s2] =	stream.linear.scatter [tilespmem:s10], [sflag:$0x4], $0x6800, $0x38;
	[tilespmem:$0x13800] =	vst v63  }
0x4c: {  	s31 =	sshrl.u32 s30, $0x1;
	_ =	swait.ge [sflag:s3], $0x6800  }
0x4d: {  	s30 =	ssub.s32 s30, s31;
	[sflag:s3] =	ssyncset.done $0x0  }
0x4e: {  	s28 =	simm.s32 $0x3;
	s30 =	smax.u32 s30, $0x1;
	[sflag:s3] =	ssyncadd.s32 $0xFFFF9800  }
0x4f: {  	p0 =	sne.s32 s30, $0x1;
	_ =	swait.ge [sflag:s28], $0x3400  }
.Ltmp0:
0x50: {  	[sflag:s28] =	ssyncset.done $0x0;
	(pc) =	sbr.rel @!p0 .LBB2_2-.Ltmp0, $4  }
0x51: {  	s29 =	sadd.s32 $0x623A00, s29;
	[sflag:s28] =	ssyncadd.s32 $0xFFFFCC00  }
0x52: {  	[hbm4b:s29+s2] =	stream.linear.scatter [tilespmem:s7], [sflag:$0x4], $0x3400, $0x38;
	[tilespmem:$0x13800] =	vst v63  }
0x53: {  	_ =	swait.ge [sflag:s3], $0x3400  }
0x54: {  	s30 =	sadd.s32 $0xFFFFFFFF, s30;
	[sflag:s3] =	ssyncset.done $0x0  }
.LBB2_1:
0x55: {  	p0 =	sne.s32 s30, $0x1;
	s30 =	sadd.s32 $0xFFFFFFFF, s30;
	[sflag:s3] =	ssyncadd.s32 $0xFFFFCC00  }
0x56: {  	[tilespmem:s2], [sflag:$0x4] =	stream.linear.gather [hbm4b:s4+s2], $0x3400, $0x38;
	[tilespmem:$0x13800] =	vst v63  }
0x57: {  	_ =	swait.ge [sflag:s3], $0x3400  }
0x58: {  	[sflag:s3] =	ssyncset.done $0x0  }
0x59: {  	[sflag:s3] =	ssyncadd.s32 $0xFFFFCC00  }
0x5a: {  	[tilespmem:s7], [sflag:$0x3] =	stream.indirect.gather [hbm4b:s5+s6], $0x1, s2, s6, $0xb8;
	[tilespmem:$0x13800] =	vst v63  }
0x5b: {  	_ = 	snop  }
0x5c: {  	[tilespmem:s6], [sflag:$0x1] =	stream.indirect.gather [hbm4b:s8+s9], $0x10, s2, s9, $0xb8;
	[tilespmem:$0x13800] =	vst v63  }
0x5d: {  	_ = 	snop  }
0x5e: {  	[tilespmem:s10], [sflag:$0x2] =	stream.indirect.gather [hbm4b:s8+s9], $0x10, s9, s9, $0xb8;
	[tilespmem:$0x13800] =	vst v63  }
0x5f: {  	_ =	swait.ge [sflag:s11], $0x6800  }
0x60: {  	[sflag:s11] =	ssyncset.done $0x0  }
0x61: {  	[sflag:s11] =	ssyncadd.s32 $0xFFFF9800  }
0x62: {  	[hbm4b:s12+s2] =	stream.linear.scatter [tilespmem:s6], [sflag:$0x4], $0x6800, $0x38;
	[tilespmem:$0x13800] =	vst v63  }
0x63: {  	_ =	swait.ge [sflag:s3], $0x6800  }
0x64: {  	[sflag:s3] =	ssyncset.done $0x0  }
0x65: {  	[sflag:s3] =	ssyncadd.s32 $0xFFFF9800  }
0x66: {  	[tilespmem:s6], [sflag:$0x1] =	stream.indirect.gather [hbm4b:s8+s9], $0x10, s13, s9, $0xb8;
	[tilespmem:$0x13800] =	vst v63  }
0x67: {  	_ =	swait.ge [sflag:s14], $0x6800  }
0x68: {  	[sflag:s14] =	ssyncset.done $0x0  }
0x69: {  	[sflag:s14] =	ssyncadd.s32 $0xFFFF9800  }
0x6a: {  	[hbm4b:s15+s2] =	stream.linear.scatter [tilespmem:s10], [sflag:$0x4], $0x6800, $0x38;
	[tilespmem:$0x13800] =	vst v63  }
0x6b: {  	_ =	swait.ge [sflag:s3], $0x6800  }
0x6c: {  	[sflag:s3] =	ssyncset.done $0x0  }
0x6d: {  	[sflag:s3] =	ssyncadd.s32 $0xFFFF9800  }
0x6e: {  	[tilespmem:s10], [sflag:$0x2] =	stream.indirect.gather [hbm4b:s8+s9], $0x10, s16, s9, $0xb8;
	[tilespmem:$0x13800] =	vst v63  }
0x6f: {  	_ =	swait.ge [sflag:s11], $0x6800  }
0x70: {  	[sflag:s11] =	ssyncset.done $0x0  }
0x71: {  	[sflag:s11] =	ssyncadd.s32 $0xFFFF9800  }
0x72: {  	[hbm4b:s17+s2] =	stream.linear.scatter [tilespmem:s6], [sflag:$0x4], $0x6800, $0x38;
	[tilespmem:$0x13800] =	vst v63  }
0x73: {  	_ =	swait.ge [sflag:s3], $0x6800  }
0x74: {  	[sflag:s3] =	ssyncset.done $0x0  }
0x75: {  	[sflag:s3] =	ssyncadd.s32 $0xFFFF9800  }
0x76: {  	[tilespmem:s6], [sflag:$0x1] =	stream.indirect.gather [hbm4b:s8+s9], $0x10, s18, s9, $0xb8;
	[tilespmem:$0x13800] =	vst v63  }
0x77: {  	_ =	swait.ge [sflag:s14], $0x6800  }
0x78: {  	[sflag:s14] =	ssyncset.done $0x0  }
0x79: {  	[sflag:s14] =	ssyncadd.s32 $0xFFFF9800  }
0x7a: {  	[hbm4b:s19+s2] =	stream.linear.scatter [tilespmem:s10], [sflag:$0x4], $0x6800, $0x38;
	[tilespmem:$0x13800] =	vst v63  }
0x7b: {  	_ =	swait.ge [sflag:s3], $0x6800  }
0x7c: {  	[sflag:s3] =	ssyncset.done $0x0  }
0x7d: {  	[sflag:s3] =	ssyncadd.s32 $0xFFFF9800  }
0x7e: {  	[tilespmem:s10], [sflag:$0x2] =	stream.indirect.gather [hbm4b:s8+s9], $0x10, s20, s9, $0xb8;
	[tilespmem:$0x13800] =	vst v63  }
0x7f: {  	_ =	swait.ge [sflag:s11], $0x6800  }
0x80: {  	[sflag:s11] =	ssyncset.done $0x0  }
0x81: {  	[sflag:s11] =	ssyncadd.s32 $0xFFFF9800  }
0x82: {  	[hbm4b:s21+s2] =	stream.linear.scatter [tilespmem:s6], [sflag:$0x4], $0x6800, $0x38;
	[tilespmem:$0x13800] =	vst v63  }
0x83: {  	_ =	swait.ge [sflag:s3], $0x6800  }
0x84: {  	[sflag:s3] =	ssyncset.done $0x0  }
0x85: {  	[sflag:s3] =	ssyncadd.s32 $0xFFFF9800  }
0x86: {  	[tilespmem:s6], [sflag:$0x1] =	stream.indirect.gather [hbm4b:s8+s9], $0x10, s22, s9, $0xb8;
	[tilespmem:$0x13800] =	vst v63  }
0x87: {  	_ =	swait.ge [sflag:s14], $0x6800  }
0x88: {  	[sflag:s14] =	ssyncset.done $0x0  }
0x89: {  	[sflag:s14] =	ssyncadd.s32 $0xFFFF9800  }
0x8a: {  	[hbm4b:s23+s2] =	stream.linear.scatter [tilespmem:s10], [sflag:$0x4], $0x6800, $0x38;
	[tilespmem:$0x13800] =	vst v63  }
0x8b: {  	_ =	swait.ge [sflag:s3], $0x6800  }
0x8c: {  	[sflag:s3] =	ssyncset.done $0x0  }
0x8d: {  	[sflag:s3] =	ssyncadd.s32 $0xFFFF9800  }
0x8e: {  	[tilespmem:s10], [sflag:$0x2] =	stream.indirect.gather [hbm4b:s8+s9], $0x10, s24, s9, $0xb8;
	[tilespmem:$0x13800] =	vst v63  }
0x8f: {  	_ =	swait.ge [sflag:s11], $0x6800  }
0x90: {  	[sflag:s11] =	ssyncset.done $0x0  }
0x91: {  	[sflag:s11] =	ssyncadd.s32 $0xFFFF9800  }
0x92: {  	[hbm4b:s25+s2] =	stream.linear.scatter [tilespmem:s6], [sflag:$0x4], $0x6800, $0x38;
	[tilespmem:$0x13800] =	vst v63  }
0x93: {  	_ =	swait.ge [sflag:s3], $0x6800  }
0x94: {  	[sflag:s3] =	ssyncset.done $0x0  }
0x95: {  	[sflag:s3] =	ssyncadd.s32 $0xFFFF9800  }
0x96: {  	_ =	swait.ge [sflag:s14], $0x6800  }
0x97: {  	[sflag:s14] =	ssyncset.done $0x0  }
0x98: {  	[sflag:s14] =	ssyncadd.s32 $0xFFFF9800  }
0x99: {  	[hbm4b:s26+s2] =	stream.linear.scatter [tilespmem:s10], [sflag:$0x4], $0x6800, $0x38;
	[tilespmem:$0x13800] =	vst v63  }
0x9a: {  	_ =	swait.ge [sflag:s3], $0x6800  }
0x9b: {  	[sflag:s3] =	ssyncset.done $0x0  }
0x9c: {  	[sflag:s3] =	ssyncadd.s32 $0xFFFF9800  }
0x9d: {  	_ =	swait.ge [sflag:s28], $0x3400  }
.Ltmp1:
0x9e: {  	[sflag:s28] =	ssyncset.done $0x0;
	(pc) =	sbr.rel @p0 .LBB2_1-.Ltmp1, $4  }
0x9f: {  	[sflag:s28] =	ssyncadd.s32 $0xFFFFCC00  }
0xa0: {  	[hbm4b:s29+s2] =	stream.linear.scatter [tilespmem:s7], [sflag:$0x4], $0x3400, $0x38;
	[tilespmem:$0x13800] =	vst v63  }
0xa1: {  	_ =	swait.ge [sflag:s3], $0x3400  }
0xa2: {  	[sflag:s3] =	ssyncset.done $0x0  }
.LBB2_2:
0xa3: {  	[sflag:s3] =	ssyncadd.s32 $0xFFFFCC00  }
0xa4: {  	_ =	sfence.sel $0x180000  }
0xa5: {  	[bflag:$0x0] =	sbarrier.arrive $0xFFFF  }
0xa6: {  	p0 =	sne.s32 s0, $0x0;
	_ =	strace $0x9000004A  }
0xa7: {  	s0 =	sadd.s32 @!p0 $0x100000, s1;
	[bflag:$0x2] =	sbarrier.arrive $0xFFFF  }
0xa8: {  	[sflag:s0] =	ssyncadd.tile.s32 @!p0 $0x1;
	_ =	shalt  }
.Lfunc_end2:
_tile_overlayer_lowered:
.L_overlay_start_2:
0xa9: {  	(tag) =	ssettag $0x2  }
0xaa: {  	s0 =	rddreg [dreg:$0x0];
	s2 =	stileid.u32  }
0xab: {  	s1 =	rddreg [dreg:$0x1];
	p0 =	sne.s32 s2, $0x0  }
0xac: {  	s3 =	rddreg [dreg:$0x2];
	[bflag:$0x3] =	sbarrier.arrive $0xFFFF;
	s2 =	simm.s32 @!p0 $0x1C04  }
0xad: {  	[timem:s3], [sflag:s2] =	dma.local @!p0 [hbm:s0], s1  }
0xae: {  	s0 =	simm.s32 @!p0 $0x4  }
0xaf: {  	_ =	swait.ge @!p0 [sflag:s0], s1  }
0xb0: {  	s1 =	ssub.s32 @!p0 $0x0, s1;
	[sflag:s0] =	ssyncset.done @!p0 $0x0  }
0xb1: {  	[sflag:s0] =	ssyncadd.s32 @!p0 s1  }
0xb2: {  	[bflag:$0x3] =	sbarrier.arrive $0xFFFF  }
0xb3: {  	_ =	shalt  }

</sc_bundles>
